<compile_context>
chip_gen: v7x
topology: tpu7x:2x2x1
jax: 0.10.2.dev20260603
libtpu: 0.0.44.dev20260713+nightly
codegen_flags: <defaults>
</compile_context>

<pallas_src>
import functools

import jax
import jax.numpy as jnp
from jax import lax
from jax.experimental import pallas as pl
from jax.experimental.pallas import tpu as pltpu
from jax.experimental.pallas import tpu_sc as plsc

N = 10000
E = 320000
D = 128
H = 8
C = 16
NEG_SLOPE = 0.2
BN_EPS = 1e-5

_BN = 500
_CHUNK = 3200



def _pre1_body(x_ref, wt_ref, ms_ref, md_ref, ht_ref, as_ref, ad_ref):
    ht = jnp.dot(x_ref[...], wt_ref[...],
                 preferred_element_type=jnp.float32).T
    ht_ref[...] = ht
    as_ref[...] = jnp.dot(ms_ref[...], ht, preferred_element_type=jnp.float32)
    ad_ref[...] = jnp.dot(md_ref[...], ht, preferred_element_type=jnp.float32)


def _pre1(x, Wt, Ms, Md):
    return pl.pallas_call(
        _pre1_body,
        out_shape=[
            jax.ShapeDtypeStruct((D, N), jnp.float32),
            jax.ShapeDtypeStruct((H, N), jnp.float32),
            jax.ShapeDtypeStruct((H, N), jnp.float32),
        ],
    )(x, Wt, Ms, Md)


def _bn_elu(acc_ref, s_ref, b_ref, g_ref, be_ref):
    zs = []
    for h in range(H):
        a = acc_ref[16 * h:16 * (h + 1), :]
        sh = s_ref[h:h + 1, :]
        zs.append(a / (sh + 1e-16))
    z = jnp.concatenate(zs, axis=0) + b_ref[...]
    mu = jnp.mean(z, axis=1, keepdims=True)
    zc = z - mu
    var = jnp.mean(zc * zc, axis=1, keepdims=True)
    y = zc * lax.rsqrt(var + BN_EPS) * g_ref[...] + be_ref[...]
    return jnp.where(y > 0, y, jnp.exp(y) - 1.0)


def _postpre_body(acc_ref, s_ref, b_ref, g_ref, be_ref,
                  wt_ref, ms_ref, md_ref, ht_ref, as_ref, ad_ref):
    y = _bn_elu(acc_ref, s_ref, b_ref, g_ref, be_ref)
    ht = jnp.dot(wt_ref[...], y, preferred_element_type=jnp.float32)
    ht_ref[...] = ht
    as_ref[...] = jnp.dot(ms_ref[...], ht, preferred_element_type=jnp.float32)
    ad_ref[...] = jnp.dot(md_ref[...], ht, preferred_element_type=jnp.float32)


def _postpre(accT, sT, b, gamma, beta, Wt, Ms, Md):
    return pl.pallas_call(
        _postpre_body,
        out_shape=[
            jax.ShapeDtypeStruct((D, N), jnp.float32),
            jax.ShapeDtypeStruct((H, N), jnp.float32),
            jax.ShapeDtypeStruct((H, N), jnp.float32),
        ],
    )(accT, sT, b[:, None], gamma[:, None], beta[:, None], Wt, Ms, Md)


def _post_final_body(acc_ref, s_ref, b_ref, g_ref, be_ref, o_ref):
    o_ref[...] = _bn_elu(acc_ref, s_ref, b_ref, g_ref, be_ref).T


def _post_final(accT, sT, b, gamma, beta):
    return pl.pallas_call(
        _post_final_body,
        out_shape=jax.ShapeDtypeStruct((N, D), jnp.float32),
    )(accT, sT, b[:, None], gamma[:, None], beta[:, None])



def _sc_edge(hT, asT, adT, edge_index):
    mesh = plsc.VectorSubcoreMesh(
        core_axis_name="c", subcore_axis_name="s", num_cores=2, num_subcores=16)

    @functools.partial(
        pl.kernel,
        out_type=(jax.ShapeDtypeStruct((D, N), jnp.float32),
                  jax.ShapeDtypeStruct((H, N), jnp.float32)),
        mesh=mesh,
        compiler_params=pltpu.CompilerParams(needs_layout_passes=False),
        scratch_types=[
            pltpu.VMEM((N,), jnp.float32),
            pltpu.VMEM((N,), jnp.float32),
            pltpu.VMEM((N,), jnp.float32),
            pltpu.VMEM((N,), jnp.float32),
            pltpu.VMEM((N,), jnp.float32),
            pltpu.VMEM((N,), jnp.float32),
            pltpu.VMEM((N,), jnp.float32),
            pltpu.VMEM((N,), jnp.float32),
            pltpu.VMEM((N,), jnp.float32),
            pltpu.VMEM((N,), jnp.float32),
            pltpu.VMEM((N,), jnp.float32),
            pltpu.VMEM((_CHUNK,), jnp.int32),
            pltpu.VMEM((_CHUNK,), jnp.int32),
            pltpu.VMEM((_CHUNK,), jnp.int32),
            pltpu.VMEM((_CHUNK,), jnp.int32),
            pltpu.SemaphoreType.DMA,
            pltpu.SemaphoreType.DMA,
        ],
    )
    def k(ht_hbm, ast_hbm, adt_hbm, ei_hbm, acc_hbm, st_hbm,
          as_loc, ad_loc, s_loc, h0, h1, h2, h3, a0, a1, a2, a3,
          sbuf0, dbuf0, sbuf1, dbuf1, sem0, sem1):
        cid = lax.axis_index("c")
        sid = lax.axis_index("s")
        tid = cid * 16 + sid
        head = tid // 4
        r0 = head * 16 + (tid % 4) * 4

        pltpu.async_copy(ast_hbm.at[head], as_loc, sem0)
        pltpu.async_copy(adt_hbm.at[head], ad_loc, sem0)
        pltpu.async_copy(ht_hbm.at[r0 + 0], h0, sem0)
        pltpu.async_copy(ht_hbm.at[r0 + 1], h1, sem0)
        pltpu.async_copy(ht_hbm.at[r0 + 2], h2, sem0)
        pltpu.async_copy(ht_hbm.at[r0 + 3], h3, sem0)
        zf = jnp.zeros((16,), jnp.float32)

        def zbody(j, carry):
            ix = pl.ds(j * 16, 16)
            s_loc[ix] = zf
            a0[ix] = zf
            a1[ix] = zf
            a2[ix] = zf
            a3[ix] = zf
            return carry

        lax.fori_loop(0, N // 16, zbody, 0)

        pltpu.make_async_copy(ast_hbm.at[head], as_loc, sem0).wait()
        pltpu.make_async_copy(adt_hbm.at[head], ad_loc, sem0).wait()
        pltpu.make_async_copy(ht_hbm.at[r0 + 0], h0, sem0).wait()
        pltpu.make_async_copy(ht_hbm.at[r0 + 1], h1, sem0).wait()
        pltpu.make_async_copy(ht_hbm.at[r0 + 2], h2, sem0).wait()
        pltpu.make_async_copy(ht_hbm.at[r0 + 3], h3, sem0).wait()

        nchunks = E // _CHUNK
        slots = ((sbuf0, dbuf0, sem0), (sbuf1, dbuf1, sem1))

        def issue(cidx, slot):
            sb, db, sem = slot
            off = cidx * _CHUNK
            pltpu.async_copy(ei_hbm.at[pl.ds(off, _CHUNK)], sb, sem)
            pltpu.async_copy(ei_hbm.at[pl.ds(E + off, _CHUNK)], db, sem)

        def drain(slot):
            sb, db, sem = slot
            pltpu.make_async_copy(ei_hbm.at[pl.ds(0, _CHUNK)], sb, sem).wait()
            pltpu.make_async_copy(ei_hbm.at[pl.ds(0, _CHUNK)], db, sem).wait()

        issue(0, slots[0])
        issue(1, slots[1])

        def process(slot):
            sb, db, _ = slot

            @plsc.parallel_loop(0, _CHUNK // 16, unroll=4)
            def grp(i):
                ix = pl.ds(i * 16, 16)
                vs = sb[ix]
                vd = db[ix]
                va = plsc.load_gather(as_loc, [vs])
                vb = plsc.load_gather(ad_loc, [vd])
                ve = va + vb
                ve = jnp.maximum(ve, NEG_SLOPE * ve)
                vex = jnp.exp(ve)
                m0 = plsc.load_gather(h0, [vs]) * vex
                m1 = plsc.load_gather(h1, [vs]) * vex
                m2 = plsc.load_gather(h2, [vs]) * vex
                m3 = plsc.load_gather(h3, [vs]) * vex
                plsc.addupdate_scatter(s_loc, [vd], vex)
                plsc.addupdate_scatter(a0, [vd], m0)
                plsc.addupdate_scatter(a1, [vd], m1)
                plsc.addupdate_scatter(a2, [vd], m2)
                plsc.addupdate_scatter(a3, [vd], m3)

        def chunk_pair(gi, carry):
            for b in range(2):
                cidx = gi * 2 + b
                drain(slots[b])
                process(slots[b])

                @pl.when(cidx + 2 < nchunks)
                def _():
                    issue(cidx + 2, slots[b])
            return carry

        lax.fori_loop(0, nchunks // 2, chunk_pair, 0)

        pltpu.sync_copy(a0, acc_hbm.at[r0 + 0])
        pltpu.sync_copy(a1, acc_hbm.at[r0 + 1])
        pltpu.sync_copy(a2, acc_hbm.at[r0 + 2])
        pltpu.sync_copy(a3, acc_hbm.at[r0 + 3])

        @pl.when(tid % 4 == 0)
        def _():
            pltpu.sync_copy(s_loc, st_hbm.at[head])

    return k(hT, asT, adT, edge_index)



def _block_diag_att(att):
    rows = []
    for h in range(H):
        rows.append(jnp.concatenate(
            [jnp.zeros((1, C * h), jnp.float32), att[h:h + 1, :],
             jnp.zeros((1, C * (H - 1 - h)), jnp.float32)], axis=1))
    return jnp.concatenate(rows, axis=0)


def kernel(x, edge_index, W1, att_src1, att_dst1, b1, gamma1, beta1,
           W2, att_src2, att_dst2, b2, gamma2, beta2):
    ei = edge_index.reshape(-1)
    Ms1 = _block_diag_att(att_src1)
    Md1 = _block_diag_att(att_dst1)
    Ms2 = _block_diag_att(att_src2)
    Md2 = _block_diag_att(att_dst2)
    h1T, as1T, ad1T = _pre1(x, W1, Ms1, Md1)
    acc1T, s1T = _sc_edge(h1T, as1T, ad1T, ei)
    h2T, as2T, ad2T = _postpre(acc1T, s1T, b1, gamma1, beta1, W2.T, Ms2, Md2)
    acc2T, s2T = _sc_edge(h2T, as2T, ad2T, ei)
    return _post_final(acc2T, s2T, b2, gamma2, beta2)

# --- scband reference (transcript-rebuilt; emitter-appended) ---
"""Pipeline reference for scband-homo-gat-11914239279716 (READ-ONLY COPY).

The authoritative reference and input builder live on the scoring server;
editing this copy changes nothing except your own understanding.
"""

import jax, jax.numpy as jnp
import numpy as np

N = 10000
E = 320000
D = 128
H = 8
C = 16  # D // H
NEG_SLOPE = 0.2
BN_EPS = 1e-5


def setup_inputs(seed: int = 0) -> dict:
    key = jax.random.key(seed)
    ks = jax.random.split(key, 16)
    x = jax.random.normal(ks[0], (N, D), dtype=jnp.float32)
    edge_index = jax.random.randint(ks[1], (2, E), 0, N, dtype=jnp.int32)
    inp = {"x": x, "edge_index": edge_index}
    for li in range(2):
        k0, k1, k2 = jax.random.split(ks[2 + li], 3)
        inp[f"W{li+1}"] = jax.random.normal(k0, (D, H * C), dtype=jnp.float32) * (1.0 / np.sqrt(D))
        inp[f"att_src{li+1}"] = jax.random.normal(k1, (H, C), dtype=jnp.float32) * 0.1
        inp[f"att_dst{li+1}"] = jax.random.normal(k2, (H, C), dtype=jnp.float32) * 0.1
        inp[f"b{li+1}"] = jnp.zeros((D,), dtype=jnp.float32)
        inp[f"gamma{li+1}"] = jnp.ones((D,), dtype=jnp.float32)
        inp[f"beta{li+1}"] = jnp.zeros((D,), dtype=jnp.float32)
    return inp


def _gat_conv(x, edge_index, W, att_src, att_dst, b):
    # PyG GATConv, add_self_loops=False, concat=True
    src = edge_index[0]
    dst = edge_index[1]
    h = (x @ W).reshape(N, H, C)                       # [N, H, C]
    a_s = jnp.sum(h * att_src[None, :, :], axis=-1)    # [N, H]
    a_d = jnp.sum(h * att_dst[None, :, :], axis=-1)    # [N, H]
    e = a_s[src] + a_d[dst]                            # [E, H] gather
    e = jax.nn.leaky_relu(e, NEG_SLOPE)
    # softmax over incoming edges per dst node
    m = jax.ops.segment_max(e, dst, num_segments=N)    # [N, H]
    m = jnp.where(jnp.isfinite(m), m, 0.0)
    ex = jnp.exp(e - m[dst])
    s = jax.ops.segment_sum(ex, dst, num_segments=N)   # [N, H]
    alpha = ex / (s[dst] + 1e-16)                      # [E, H]
    msg = h[src] * alpha[:, :, None]                   # [E, H, C] gather
    out = jax.ops.segment_sum(msg, dst, num_segments=N)  # scatter-add
    return out.reshape(N, H * C) + b[None, :]


def _bn_train(x, gamma, beta):
    mu = jnp.mean(x, axis=0)
    var = jnp.var(x, axis=0)
    return (x - mu[None, :]) / jnp.sqrt(var[None, :] + BN_EPS) * gamma[None, :] + beta[None, :]


def reference(x, edge_index, W1, att_src1, att_dst1, b1, gamma1, beta1,
              W2, att_src2, att_dst2, b2, gamma2, beta2):
    h = _gat_conv(x, edge_index, W1, att_src1, att_dst1, b1)
    h = _bn_train(h, gamma1, beta1)
    h = jax.nn.elu(h)
    # dropout p=0.0 -> identity
    h = _gat_conv(h, edge_index, W2, att_src2, att_dst2, b2)
    h = _bn_train(h, gamma2, beta2)
    h = jax.nn.elu(h)
    return h

if __name__ == "__main__":
    import jax
    _d = setup_inputs()
    print(jax.jit(kernel)(*tuple(_d.values())))

</pallas_src>

<mosaic_0001>
#map = affine_map<(d0, d1) -> (0, 0)>
#map1 = affine_map<(d0, d1) -> (0)>
module attributes {stable_mosaic.version = 14 : i64} {
  func.func @k(%arg0: i32, %arg1: i32, %arg2: memref<128x10000xf32, #tpu.memory_space<hbm>>, %arg3: memref<8x10000xf32, #tpu.memory_space<hbm>>, %arg4: memref<8x10000xf32, #tpu.memory_space<hbm>>, %arg5: memref<640000xi32, #tpu.memory_space<hbm>>, %arg6: memref<128x10000xf32, #tpu.memory_space<hbm>>, %arg7: memref<8x10000xf32, #tpu.memory_space<hbm>>, %arg8: memref<10000xf32, #tpu.memory_space<vmem>>, %arg9: memref<10000xf32, #tpu.memory_space<vmem>>, %arg10: memref<10000xf32, #tpu.memory_space<vmem>>, %arg11: memref<10000xf32, #tpu.memory_space<vmem>>, %arg12: memref<10000xf32, #tpu.memory_space<vmem>>, %arg13: memref<10000xf32, #tpu.memory_space<vmem>>, %arg14: memref<10000xf32, #tpu.memory_space<vmem>>, %arg15: memref<10000xf32, #tpu.memory_space<vmem>>, %arg16: memref<10000xf32, #tpu.memory_space<vmem>>, %arg17: memref<10000xf32, #tpu.memory_space<vmem>>, %arg18: memref<10000xf32, #tpu.memory_space<vmem>>, %arg19: memref<3200xi32, #tpu.memory_space<vmem>>, %arg20: memref<3200xi32, #tpu.memory_space<vmem>>, %arg21: memref<3200xi32, #tpu.memory_space<vmem>>, %arg22: memref<3200xi32, #tpu.memory_space<vmem>>, %arg23: memref<!tpu.dma_semaphore, #tpu.memory_space<semaphore_mem>>, %arg24: memref<!tpu.dma_semaphore, #tpu.memory_space<semaphore_mem>>) attributes {dimension_semantics = [#tpu.dimension_semantics<core_parallel>, #tpu.dimension_semantics<subcore_parallel>], iteration_bounds = array<i64: 2, 16>, scalar_prefetch = 0 : i64, scratch_operands = 17 : i64, tpu.core_type = #tpu.core_type<sc_vector_subcore>, window_params = [{transform_indices = #map}, {transform_indices = #map}, {transform_indices = #map}, {transform_indices = #map1}, {transform_indices = #map}, {transform_indices = #map}]} {
    %mul3A = arith.constant 16 : i32
    %mul3A_0 = arith.muli %arg0, %mul3A : i32
    %add3A = arith.addi %mul3A_0, %arg1 : i32
    %jit3A = arith.constant 4 : i32
    %div3A = arith.divsi %add3A, %jit3A : i32
    %sign3A = arith.constant 0 : i32
    %sign3A_1 = arith.cmpi sgt, %add3A, %sign3A : i32
    %sign3A_2 = arith.extui %sign3A_1 : i1 to i32
    %sign3A_3 = arith.constant 0 : i32
    %sign3A_4 = arith.cmpi slt, %add3A, %sign3A_3 : i32
    %sign3A_5 = arith.extui %sign3A_4 : i1 to i32
    %sign3A_6 = arith.subi %sign3A_2, %sign3A_5 : i32
    %sign3A_7 = arith.constant 0 : i32
    %sign3A_8 = arith.cmpi sgt, %jit3A, %sign3A_7 : i32
    %sign3A_9 = arith.extui %sign3A_8 : i1 to i32
    %sign3A_10 = arith.constant 0 : i32
    %sign3A_11 = arith.cmpi slt, %jit3A, %sign3A_10 : i32
    %sign3A_12 = arith.extui %sign3A_11 : i1 to i32
    %sign3A_13 = arith.subi %sign3A_9, %sign3A_12 : i32
    %ne3A = arith.cmpi ne, %sign3A_6, %sign3A_13 : i32
    %rem3A = arith.remsi %add3A, %jit3A : i32
    %ne3A_14 = arith.constant 0 : i32
    %ne3A_15 = arith.cmpi ne, %rem3A, %ne3A_14 : i32
    %and3A = arith.andi %ne3A, %ne3A_15 : i1
    %sub3A = arith.constant 1 : i32
    %sub3A_16 = arith.subi %div3A, %sub3A : i32
    %select_n3A = arith.select %and3A, %sub3A_16, %div3A : i32
    %mul3A_17 = arith.constant 16 : i32
    %mul3A_18 = arith.muli %select_n3A, %mul3A_17 : i32
    %jit3A_19 = arith.constant 4 : i32
    %eq3A = arith.constant 0 : i32
    %eq3A_20 = arith.cmpi eq, %jit3A_19, %eq3A : i32
    %jit3A_21 = arith.constant 1 : i32
    %select_n3A_22 = arith.select %eq3A_20, %jit3A_21, %jit3A_19 : i32
    %rem3A_23 = arith.remsi %add3A, %select_n3A_22 : i32
    %ne3A_24 = arith.constant 0 : i32
    %ne3A_25 = arith.cmpi ne, %rem3A_23, %ne3A_24 : i32
    %lt3A = arith.constant 0 : i32
    %lt3A_26 = arith.cmpi slt, %rem3A_23, %lt3A : i32
    %lt3A_27 = arith.constant 0 : i32
    %lt3A_28 = arith.cmpi slt, %select_n3A_22, %lt3A_27 : i32
    %ne3A_29 = arith.xori %lt3A_26, %lt3A_28 : i1
    %and3A_30 = arith.andi %ne3A_29, %ne3A_25 : i1
    %add3A_31 = arith.addi %rem3A_23, %select_n3A_22 : i32
    %select_n3A_32 = arith.select %and3A_30, %add3A_31, %rem3A_23 : i32
    %mul3A_33 = arith.constant 4 : i32
    %mul3A_34 = arith.muli %select_n3A_32, %mul3A_33 : i32
    %add3A_35 = arith.addi %mul3A_18, %mul3A_34 : i32
    %dma_start3A = arith.constant 0 : i32
    %dma_start3A_36 = tpu.memref_slice %arg3[%select_n3A, %dma_start3A] : memref<8x10000xf32, #tpu.memory_space<hbm>> -> memref<1x10000xf32, #tpu.memory_space<hbm>>
    %dma_start3A_37 = tpu.memref_squeeze %dma_start3A_36 : memref<1x10000xf32, #tpu.memory_space<hbm>> -> memref<10000xf32, #tpu.memory_space<hbm>>
    %dma_start3A_38 = arith.constant 0 : i32
    %dma_start3A_39 = tpu.memref_slice %arg3[%select_n3A, %dma_start3A_38] : memref<8x10000xf32, #tpu.memory_space<hbm>> -> memref<1x10000xf32, #tpu.memory_space<hbm>>
    %dma_start3A_40 = tpu.memref_squeeze %dma_start3A_39 : memref<1x10000xf32, #tpu.memory_space<hbm>> -> memref<10000xf32, #tpu.memory_space<hbm>>
    tpu.enqueue_dma source(%dma_start3A_40 : memref<10000xf32, #tpu.memory_space<hbm>>) target(%arg8 : memref<10000xf32, #tpu.memory_space<vmem>>) target_semaphore(%arg23 : memref<!tpu.dma_semaphore, #tpu.memory_space<semaphore_mem>>)
    %dma_start3A_41 = arith.constant 0 : i32
    %dma_start3A_42 = tpu.memref_slice %arg4[%select_n3A, %dma_start3A_41] : memref<8x10000xf32, #tpu.memory_space<hbm>> -> memref<1x10000xf32, #tpu.memory_space<hbm>>
    %dma_start3A_43 = tpu.memref_squeeze %dma_start3A_42 : memref<1x10000xf32, #tpu.memory_space<hbm>> -> memref<10000xf32, #tpu.memory_space<hbm>>
    %dma_start3A_44 = arith.constant 0 : i32
    %dma_start3A_45 = tpu.memref_slice %arg4[%select_n3A, %dma_start3A_44] : memref<8x10000xf32, #tpu.memory_space<hbm>> -> memref<1x10000xf32, #tpu.memory_space<hbm>>
    %dma_start3A_46 = tpu.memref_squeeze %dma_start3A_45 : memref<1x10000xf32, #tpu.memory_space<hbm>> -> memref<10000xf32, #tpu.memory_space<hbm>>
    tpu.enqueue_dma source(%dma_start3A_46 : memref<10000xf32, #tpu.memory_space<hbm>>) target(%arg9 : memref<10000xf32, #tpu.memory_space<vmem>>) target_semaphore(%arg23 : memref<!tpu.dma_semaphore, #tpu.memory_space<semaphore_mem>>)
    %add3A_47 = arith.constant 0 : i32
    %add3A_48 = arith.addi %add3A_35, %add3A_47 : i32
    %dma_start3A_49 = arith.constant 0 : i32
    %dma_start3A_50 = tpu.memref_slice %arg2[%add3A_48, %dma_start3A_49] : memref<128x10000xf32, #tpu.memory_space<hbm>> -> memref<1x10000xf32, #tpu.memory_space<hbm>>
    %dma_start3A_51 = tpu.memref_squeeze %dma_start3A_50 : memref<1x10000xf32, #tpu.memory_space<hbm>> -> memref<10000xf32, #tpu.memory_space<hbm>>
    %dma_start3A_52 = arith.constant 0 : i32
    %dma_start3A_53 = tpu.memref_slice %arg2[%add3A_48, %dma_start3A_52] : memref<128x10000xf32, #tpu.memory_space<hbm>> -> memref<1x10000xf32, #tpu.memory_space<hbm>>
    %dma_start3A_54 = tpu.memref_squeeze %dma_start3A_53 : memref<1x10000xf32, #tpu.memory_space<hbm>> -> memref<10000xf32, #tpu.memory_space<hbm>>
    tpu.enqueue_dma source(%dma_start3A_54 : memref<10000xf32, #tpu.memory_space<hbm>>) target(%arg11 : memref<10000xf32, #tpu.memory_space<vmem>>) target_semaphore(%arg23 : memref<!tpu.dma_semaphore, #tpu.memory_space<semaphore_mem>>)
    %add3A_55 = arith.constant 1 : i32
    %add3A_56 = arith.addi %add3A_35, %add3A_55 : i32
    %dma_start3A_57 = arith.constant 0 : i32
    %dma_start3A_58 = tpu.memref_slice %arg2[%add3A_56, %dma_start3A_57] : memref<128x10000xf32, #tpu.memory_space<hbm>> -> memref<1x10000xf32, #tpu.memory_space<hbm>>
    %dma_start3A_59 = tpu.memref_squeeze %dma_start3A_58 : memref<1x10000xf32, #tpu.memory_space<hbm>> -> memref<10000xf32, #tpu.memory_space<hbm>>
    %dma_start3A_60 = arith.constant 0 : i32
    %dma_start3A_61 = tpu.memref_slice %arg2[%add3A_56, %dma_start3A_60] : memref<128x10000xf32, #tpu.memory_space<hbm>> -> memref<1x10000xf32, #tpu.memory_space<hbm>>
    %dma_start3A_62 = tpu.memref_squeeze %dma_start3A_61 : memref<1x10000xf32, #tpu.memory_space<hbm>> -> memref<10000xf32, #tpu.memory_space<hbm>>
    tpu.enqueue_dma source(%dma_start3A_62 : memref<10000xf32, #tpu.memory_space<hbm>>) target(%arg12 : memref<10000xf32, #tpu.memory_space<vmem>>) target_semaphore(%arg23 : memref<!tpu.dma_semaphore, #tpu.memory_space<semaphore_mem>>)
    %add3A_63 = arith.constant 2 : i32
    %add3A_64 = arith.addi %add3A_35, %add3A_63 : i32
    %dma_start3A_65 = arith.constant 0 : i32
    %dma_start3A_66 = tpu.memref_slice %arg2[%add3A_64, %dma_start3A_65] : memref<128x10000xf32, #tpu.memory_space<hbm>> -> memref<1x10000xf32, #tpu.memory_space<hbm>>
    %dma_start3A_67 = tpu.memref_squeeze %dma_start3A_66 : memref<1x10000xf32, #tpu.memory_space<hbm>> -> memref<10000xf32, #tpu.memory_space<hbm>>
    %dma_start3A_68 = arith.constant 0 : i32
    %dma_start3A_69 = tpu.memref_slice %arg2[%add3A_64, %dma_start3A_68] : memref<128x10000xf32, #tpu.memory_space<hbm>> -> memref<1x10000xf32, #tpu.memory_space<hbm>>
    %dma_start3A_70 = tpu.memref_squeeze %dma_start3A_69 : memref<1x10000xf32, #tpu.memory_space<hbm>> -> memref<10000xf32, #tpu.memory_space<hbm>>
    tpu.enqueue_dma source(%dma_start3A_70 : memref<10000xf32, #tpu.memory_space<hbm>>) target(%arg13 : memref<10000xf32, #tpu.memory_space<vmem>>) target_semaphore(%arg23 : memref<!tpu.dma_semaphore, #tpu.memory_space<semaphore_mem>>)
    %add3A_71 = arith.constant 3 : i32
    %add3A_72 = arith.addi %add3A_35, %add3A_71 : i32
    %dma_start3A_73 = arith.constant 0 : i32
    %dma_start3A_74 = tpu.memref_slice %arg2[%add3A_72, %dma_start3A_73] : memref<128x10000xf32, #tpu.memory_space<hbm>> -> memref<1x10000xf32, #tpu.memory_space<hbm>>
    %dma_start3A_75 = tpu.memref_squeeze %dma_start3A_74 : memref<1x10000xf32, #tpu.memory_space<hbm>> -> memref<10000xf32, #tpu.memory_space<hbm>>
    %dma_start3A_76 = arith.constant 0 : i32
    %dma_start3A_77 = tpu.memref_slice %arg2[%add3A_72, %dma_start3A_76] : memref<128x10000xf32, #tpu.memory_space<hbm>> -> memref<1x10000xf32, #tpu.memory_space<hbm>>
    %dma_start3A_78 = tpu.memref_squeeze %dma_start3A_77 : memref<1x10000xf32, #tpu.memory_space<hbm>> -> memref<10000xf32, #tpu.memory_space<hbm>>
    tpu.enqueue_dma source(%dma_start3A_78 : memref<10000xf32, #tpu.memory_space<hbm>>) target(%arg14 : memref<10000xf32, #tpu.memory_space<vmem>>) target_semaphore(%arg23 : memref<!tpu.dma_semaphore, #tpu.memory_space<semaphore_mem>>)
    %broadcast_in_dim3A = arith.constant 0.000000e+00 : f32
    %broadcast_in_dim3A_79 = vector.broadcast %broadcast_in_dim3A : f32 to vector<16xf32>
    %scan3A = arith.constant 0 : i32
    %scan3A_80 = arith.constant 0 : i32
    %scan3A_81 = arith.constant 625 : i32
    %scan3A_82 = arith.addi %scan3A_80, %scan3A_81 : i32
    %scan3A_83 = arith.constant 1 : i32
    scf.for %scan3A_177 = %scan3A_80 to %scan3A_82 step %scan3A_83  : i32 {
      %mul3A_178 = arith.constant 16 : i32
      %mul3A_179 = arith.muli %scan3A_177, %mul3A_178 : i32
      %swap3A = arith.index_cast %mul3A_179 : i32 to index
      %swap3A_180 = tpu.vector_load %arg10[%swap3A] {strides = array<i32>} : memref<10000xf32, #tpu.memory_space<vmem>>, vector<16xf32>,
      tpu.vector_store %arg10[%swap3A], %broadcast_in_dim3A_79 {strides = array<i32>} : memref<10000xf32, #tpu.memory_space<vmem>>, vector<16xf32>,
      %swap3A_181 = arith.index_cast %mul3A_179 : i32 to index
      %swap3A_182 = tpu.vector_load %arg15[%swap3A_181] {strides = array<i32>} : memref<10000xf32, #tpu.memory_space<vmem>>, vector<16xf32>,
      tpu.vector_store %arg15[%swap3A_181], %broadcast_in_dim3A_79 {strides = array<i32>} : memref<10000xf32, #tpu.memory_space<vmem>>, vector<16xf32>,
      %swap3A_183 = arith.index_cast %mul3A_179 : i32 to index
      %swap3A_184 = tpu.vector_load %arg16[%swap3A_183] {strides = array<i32>} : memref<10000xf32, #tpu.memory_space<vmem>>, vector<16xf32>,
      tpu.vector_store %arg16[%swap3A_183], %broadcast_in_dim3A_79 {strides = array<i32>} : memref<10000xf32, #tpu.memory_space<vmem>>, vector<16xf32>,
      %swap3A_185 = arith.index_cast %mul3A_179 : i32 to index
      %swap3A_186 = tpu.vector_load %arg17[%swap3A_185] {strides = array<i32>} : memref<10000xf32, #tpu.memory_space<vmem>>, vector<16xf32>,
      tpu.vector_store %arg17[%swap3A_185], %broadcast_in_dim3A_79 {strides = array<i32>} : memref<10000xf32, #tpu.memory_space<vmem>>, vector<16xf32>,
      %swap3A_187 = arith.index_cast %mul3A_179 : i32 to index
      %swap3A_188 = tpu.vector_load %arg18[%swap3A_187] {strides = array<i32>} : memref<10000xf32, #tpu.memory_space<vmem>>, vector<16xf32>,
      tpu.vector_store %arg18[%swap3A_187], %broadcast_in_dim3A_79 {strides = array<i32>} : memref<10000xf32, #tpu.memory_space<vmem>>, vector<16xf32>,
    }
    %scan3A_84 = arith.constant 625 : i32
    %dma_wait3A = arith.constant 0 : i32
    %dma_wait3A_85 = tpu.memref_slice %arg3[%select_n3A, %dma_wait3A] : memref<8x10000xf32, #tpu.memory_space<hbm>> -> memref<1x10000xf32, #tpu.memory_space<hbm>>
    %dma_wait3A_86 = tpu.memref_squeeze %dma_wait3A_85 : memref<1x10000xf32, #tpu.memory_space<hbm>> -> memref<10000xf32, #tpu.memory_space<hbm>>
    %dma_wait3A_87 = arith.constant 0 : i32
    %dma_wait3A_88 = tpu.memref_slice %arg3[%select_n3A, %dma_wait3A_87] : memref<8x10000xf32, #tpu.memory_space<hbm>> -> memref<1x10000xf32, #tpu.memory_space<hbm>>
    %dma_wait3A_89 = tpu.memref_squeeze %dma_wait3A_88 : memref<1x10000xf32, #tpu.memory_space<hbm>> -> memref<10000xf32, #tpu.memory_space<hbm>>
    tpu.wait_dma2 semaphore(%arg23 : memref<!tpu.dma_semaphore, #tpu.memory_space<semaphore_mem>>) src(%dma_wait3A_89 : memref<10000xf32, #tpu.memory_space<hbm>>) dst(%arg8 : memref<10000xf32, #tpu.memory_space<vmem>>)
    %dma_wait3A_90 = arith.constant 0 : i32
    %dma_wait3A_91 = tpu.memref_slice %arg4[%select_n3A, %dma_wait3A_90] : memref<8x10000xf32, #tpu.memory_space<hbm>> -> memref<1x10000xf32, #tpu.memory_space<hbm>>
    %dma_wait3A_92 = tpu.memref_squeeze %dma_wait3A_91 : memref<1x10000xf32, #tpu.memory_space<hbm>> -> memref<10000xf32, #tpu.memory_space<hbm>>
    %dma_wait3A_93 = arith.constant 0 : i32
    %dma_wait3A_94 = tpu.memref_slice %arg4[%select_n3A, %dma_wait3A_93] : memref<8x10000xf32, #tpu.memory_space<hbm>> -> memref<1x10000xf32, #tpu.memory_space<hbm>>
    %dma_wait3A_95 = tpu.memref_squeeze %dma_wait3A_94 : memref<1x10000xf32, #tpu.memory_space<hbm>> -> memref<10000xf32, #tpu.memory_space<hbm>>
    tpu.wait_dma2 semaphore(%arg23 : memref<!tpu.dma_semaphore, #tpu.memory_space<semaphore_mem>>) src(%dma_wait3A_95 : memref<10000xf32, #tpu.memory_space<hbm>>) dst(%arg9 : memref<10000xf32, #tpu.memory_space<vmem>>)
    %add3A_96 = arith.constant 0 : i32
    %add3A_97 = arith.addi %add3A_35, %add3A_96 : i32
    %dma_wait3A_98 = arith.constant 0 : i32
    %dma_wait3A_99 = tpu.memref_slice %arg2[%add3A_97, %dma_wait3A_98] : memref<128x10000xf32, #tpu.memory_space<hbm>> -> memref<1x10000xf32, #tpu.memory_space<hbm>>
    %dma_wait3A_100 = tpu.memref_squeeze %dma_wait3A_99 : memref<1x10000xf32, #tpu.memory_space<hbm>> -> memref<10000xf32, #tpu.memory_space<hbm>>
    %dma_wait3A_101 = arith.constant 0 : i32
    %dma_wait3A_102 = tpu.memref_slice %arg2[%add3A_97, %dma_wait3A_101] : memref<128x10000xf32, #tpu.memory_space<hbm>> -> memref<1x10000xf32, #tpu.memory_space<hbm>>
    %dma_wait3A_103 = tpu.memref_squeeze %dma_wait3A_102 : memref<1x10000xf32, #tpu.memory_space<hbm>> -> memref<10000xf32, #tpu.memory_space<hbm>>
    tpu.wait_dma2 semaphore(%arg23 : memref<!tpu.dma_semaphore, #tpu.memory_space<semaphore_mem>>) src(%dma_wait3A_103 : memref<10000xf32, #tpu.memory_space<hbm>>) dst(%arg11 : memref<10000xf32, #tpu.memory_space<vmem>>)
    %add3A_104 = arith.constant 1 : i32
    %add3A_105 = arith.addi %add3A_35, %add3A_104 : i32
    %dma_wait3A_106 = arith.constant 0 : i32
    %dma_wait3A_107 = tpu.memref_slice %arg2[%add3A_105, %dma_wait3A_106] : memref<128x10000xf32, #tpu.memory_space<hbm>> -> memref<1x10000xf32, #tpu.memory_space<hbm>>
    %dma_wait3A_108 = tpu.memref_squeeze %dma_wait3A_107 : memref<1x10000xf32, #tpu.memory_space<hbm>> -> memref<10000xf32, #tpu.memory_space<hbm>>
    %dma_wait3A_109 = arith.constant 0 : i32
    %dma_wait3A_110 = tpu.memref_slice %arg2[%add3A_105, %dma_wait3A_109] : memref<128x10000xf32, #tpu.memory_space<hbm>> -> memref<1x10000xf32, #tpu.memory_space<hbm>>
    %dma_wait3A_111 = tpu.memref_squeeze %dma_wait3A_110 : memref<1x10000xf32, #tpu.memory_space<hbm>> -> memref<10000xf32, #tpu.memory_space<hbm>>
    tpu.wait_dma2 semaphore(%arg23 : memref<!tpu.dma_semaphore, #tpu.memory_space<semaphore_mem>>) src(%dma_wait3A_111 : memref<10000xf32, #tpu.memory_space<hbm>>) dst(%arg12 : memref<10000xf32, #tpu.memory_space<vmem>>)
    %add3A_112 = arith.constant 2 : i32
    %add3A_113 = arith.addi %add3A_35, %add3A_112 : i32
    %dma_wait3A_114 = arith.constant 0 : i32
    %dma_wait3A_115 = tpu.memref_slice %arg2[%add3A_113, %dma_wait3A_114] : memref<128x10000xf32, #tpu.memory_space<hbm>> -> memref<1x10000xf32, #tpu.memory_space<hbm>>
    %dma_wait3A_116 = tpu.memref_squeeze %dma_wait3A_115 : memref<1x10000xf32, #tpu.memory_space<hbm>> -> memref<10000xf32, #tpu.memory_space<hbm>>
    %dma_wait3A_117 = arith.constant 0 : i32
    %dma_wait3A_118 = tpu.memref_slice %arg2[%add3A_113, %dma_wait3A_117] : memref<128x10000xf32, #tpu.memory_space<hbm>> -> memref<1x10000xf32, #tpu.memory_space<hbm>>
    %dma_wait3A_119 = tpu.memref_squeeze %dma_wait3A_118 : memref<1x10000xf32, #tpu.memory_space<hbm>> -> memref<10000xf32, #tpu.memory_space<hbm>>
    tpu.wait_dma2 semaphore(%arg23 : memref<!tpu.dma_semaphore, #tpu.memory_space<semaphore_mem>>) src(%dma_wait3A_119 : memref<10000xf32, #tpu.memory_space<hbm>>) dst(%arg13 : memref<10000xf32, #tpu.memory_space<vmem>>)
    %add3A_120 = arith.constant 3 : i32
    %add3A_121 = arith.addi %add3A_35, %add3A_120 : i32
    %dma_wait3A_122 = arith.constant 0 : i32
    %dma_wait3A_123 = tpu.memref_slice %arg2[%add3A_121, %dma_wait3A_122] : memref<128x10000xf32, #tpu.memory_space<hbm>> -> memref<1x10000xf32, #tpu.memory_space<hbm>>
    %dma_wait3A_124 = tpu.memref_squeeze %dma_wait3A_123 : memref<1x10000xf32, #tpu.memory_space<hbm>> -> memref<10000xf32, #tpu.memory_space<hbm>>
    %dma_wait3A_125 = arith.constant 0 : i32
    %dma_wait3A_126 = tpu.memref_slice %arg2[%add3A_121, %dma_wait3A_125] : memref<128x10000xf32, #tpu.memory_space<hbm>> -> memref<1x10000xf32, #tpu.memory_space<hbm>>
    %dma_wait3A_127 = tpu.memref_squeeze %dma_wait3A_126 : memref<1x10000xf32, #tpu.memory_space<hbm>> -> memref<10000xf32, #tpu.memory_space<hbm>>
    tpu.wait_dma2 semaphore(%arg23 : memref<!tpu.dma_semaphore, #tpu.memory_space<semaphore_mem>>) src(%dma_wait3A_127 : memref<10000xf32, #tpu.memory_space<hbm>>) dst(%arg14 : memref<10000xf32, #tpu.memory_space<vmem>>)
    %dma_start3A_128 = arith.constant 0 : i32
    %dma_start3A_129 = tpu.memref_slice %arg5[%dma_start3A_128] : memref<640000xi32, #tpu.memory_space<hbm>> -> memref<3200xi32, #tpu.memory_space<hbm>>
    %dma_start3A_130 = arith.constant 0 : i32
    %dma_start3A_131 = tpu.memref_slice %arg5[%dma_start3A_130] : memref<640000xi32, #tpu.memory_space<hbm>> -> memref<3200xi32, #tpu.memory_space<hbm>>
    tpu.enqueue_dma source(%dma_start3A_131 : memref<3200xi32, #tpu.memory_space<hbm>>) target(%arg19 : memref<3200xi32, #tpu.memory_space<vmem>>) target_semaphore(%arg23 : memref<!tpu.dma_semaphore, #tpu.memory_space<semaphore_mem>>)
    %dma_start3A_132 = arith.constant 320000 : i32
    %dma_start3A_133 = tpu.memref_slice %arg5[%dma_start3A_132] : memref<640000xi32, #tpu.memory_space<hbm>> -> memref<3200xi32, #tpu.memory_space<hbm>>
    %dma_start3A_134 = arith.constant 320000 : i32
    %dma_start3A_135 = tpu.memref_slice %arg5[%dma_start3A_134] : memref<640000xi32, #tpu.memory_space<hbm>> -> memref<3200xi32, #tpu.memory_space<hbm>>
    tpu.enqueue_dma source(%dma_start3A_135 : memref<3200xi32, #tpu.memory_space<hbm>>) target(%arg20 : memref<3200xi32, #tpu.memory_space<vmem>>) target_semaphore(%arg23 : memref<!tpu.dma_semaphore, #tpu.memory_space<semaphore_mem>>)
    %dma_start3A_136 = arith.constant 3200 : i32
    %dma_start3A_137 = tpu.memref_slice %arg5[%dma_start3A_136] : memref<640000xi32, #tpu.memory_space<hbm>> -> memref<3200xi32, #tpu.memory_space<hbm>>
    %dma_start3A_138 = arith.constant 3200 : i32
    %dma_start3A_139 = tpu.memref_slice %arg5[%dma_start3A_138] : memref<640000xi32, #tpu.memory_space<hbm>> -> memref<3200xi32, #tpu.memory_space<hbm>>
    tpu.enqueue_dma source(%dma_start3A_139 : memref<3200xi32, #tpu.memory_space<hbm>>) target(%arg21 : memref<3200xi32, #tpu.memory_space<vmem>>) target_semaphore(%arg24 : memref<!tpu.dma_semaphore, #tpu.memory_space<semaphore_mem>>)
    %dma_start3A_140 = arith.constant 323200 : i32
    %dma_start3A_141 = tpu.memref_slice %arg5[%dma_start3A_140] : memref<640000xi32, #tpu.memory_space<hbm>> -> memref<3200xi32, #tpu.memory_space<hbm>>
    %dma_start3A_142 = arith.constant 323200 : i32
    %dma_start3A_143 = tpu.memref_slice %arg5[%dma_start3A_142] : memref<640000xi32, #tpu.memory_space<hbm>> -> memref<3200xi32, #tpu.memory_space<hbm>>
    tpu.enqueue_dma source(%dma_start3A_143 : memref<3200xi32, #tpu.memory_space<hbm>>) target(%arg22 : memref<3200xi32, #tpu.memory_space<vmem>>) target_semaphore(%arg24 : memref<!tpu.dma_semaphore, #tpu.memory_space<semaphore_mem>>)
    %scan3A_144 = arith.constant 0 : i32
    %scan3A_145 = arith.constant 0 : i32
    %scan3A_146 = arith.constant 50 : i32
    %scan3A_147 = arith.addi %scan3A_145, %scan3A_146 : i32
    %scan3A_148 = arith.constant 1 : i32
    scf.for %scan3A_177 = %scan3A_145 to %scan3A_147 step %scan3A_148  : i32 {
      %mul3A_178 = arith.constant 2 : i32
      %mul3A_179 = arith.muli %scan3A_177, %mul3A_178 : i32
      %add3A_180 = arith.constant 0 : i32
      %add3A_181 = arith.addi %mul3A_179, %add3A_180 : i32
      %dma_wait3A_182 = arith.constant 0 : i32
      %dma_wait3A_183 = tpu.memref_slice %arg5[%dma_wait3A_182] : memref<640000xi32, #tpu.memory_space<hbm>> -> memref<3200xi32, #tpu.memory_space<hbm>>
      %dma_wait3A_184 = arith.constant 0 : i32
      %dma_wait3A_185 = tpu.memref_slice %arg5[%dma_wait3A_184] : memref<640000xi32, #tpu.memory_space<hbm>> -> memref<3200xi32, #tpu.memory_space<hbm>>
      tpu.wait_dma2 semaphore(%arg23 : memref<!tpu.dma_semaphore, #tpu.memory_space<semaphore_mem>>) src(%dma_wait3A_185 : memref<3200xi32, #tpu.memory_space<hbm>>) dst(%arg19 : memref<3200xi32, #tpu.memory_space<vmem>>)
      %dma_wait3A_186 = arith.constant 0 : i32
      %dma_wait3A_187 = tpu.memref_slice %arg5[%dma_wait3A_186] : memref<640000xi32, #tpu.memory_space<hbm>> -> memref<3200xi32, #tpu.memory_space<hbm>>
      %dma_wait3A_188 = arith.constant 0 : i32
      %dma_wait3A_189 = tpu.memref_slice %arg5[%dma_wait3A_188] : memref<640000xi32, #tpu.memory_space<hbm>> -> memref<3200xi32, #tpu.memory_space<hbm>>
      tpu.wait_dma2 semaphore(%arg23 : memref<!tpu.dma_semaphore, #tpu.memory_space<semaphore_mem>>) src(%dma_wait3A_189 : memref<3200xi32, #tpu.memory_space<hbm>>) dst(%arg20 : memref<3200xi32, #tpu.memory_space<vmem>>)
      %parallel_loop3A = arith.constant 0 : i32
      %parallel_loop3A_190 = arith.constant 200 : i32
      %parallel_loop3A_191 = arith.constant 1 : i32
      scf.for %parallel_loop3A_221 = %parallel_loop3A to %parallel_loop3A_190 step %parallel_loop3A_191  : i32 {
        %parallel_loop3A_222 = arith.constant 16 : i32
        %parallel_loop3A_223 = arith.muli %parallel_loop3A_221, %parallel_loop3A_222 : i32
        %parallel_loop3A_224 = arith.index_cast %parallel_loop3A_223 : i32 to index
        %parallel_loop3A_225 = tpu.vector_load %arg19[%parallel_loop3A_224] {strides = array<i32>} : memref<3200xi32, #tpu.memory_space<vmem>>, vector<16xi32>,
        %parallel_loop3A_226 = arith.index_cast %parallel_loop3A_223 : i32 to index
        %parallel_loop3A_227 = tpu.vector_load %arg20[%parallel_loop3A_226] {strides = array<i32>} : memref<3200xi32, #tpu.memory_space<vmem>>, vector<16xi32>,
        %parallel_loop3A_228 = tpu.vector_load_idx %arg8[%parallel_loop3A_225] : memref<10000xf32, #tpu.memory_space<vmem>>[vector<16xi32>], vector<16xf32>,
        %parallel_loop3A_229 = tpu.vector_load_idx %arg9[%parallel_loop3A_227] : memref<10000xf32, #tpu.memory_space<vmem>>[vector<16xi32>], vector<16xf32>,
        %parallel_loop3A_230 = arith.addf %parallel_loop3A_228, %parallel_loop3A_229 : vector<16xf32>
        %parallel_loop3A_231 = arith.constant 2.000000e-01 : f32
        %parallel_loop3A_232 = vector.broadcast %parallel_loop3A_231 : f32 to vector<16xf32>
        %parallel_loop3A_233 = arith.mulf %parallel_loop3A_232, %parallel_loop3A_230 : vector<16xf32>
        %parallel_loop3A_234 = arith.maximumf %parallel_loop3A_230, %parallel_loop3A_233 : vector<16xf32>
        %parallel_loop3A_235 = math.exp %parallel_loop3A_234 : vector<16xf32>
        %parallel_loop3A_236 = tpu.vector_load_idx %arg11[%parallel_loop3A_225] : memref<10000xf32, #tpu.memory_space<vmem>>[vector<16xi32>], vector<16xf32>,
        %parallel_loop3A_237 = arith.mulf %parallel_loop3A_236, %parallel_loop3A_235 : vector<16xf32>
        %parallel_loop3A_238 = tpu.vector_load_idx %arg12[%parallel_loop3A_225] : memref<10000xf32, #tpu.memory_space<vmem>>[vector<16xi32>], vector<16xf32>,
        %parallel_loop3A_239 = arith.mulf %parallel_loop3A_238, %parallel_loop3A_235 : vector<16xf32>
        %parallel_loop3A_240 = tpu.vector_load_idx %arg13[%parallel_loop3A_225] : memref<10000xf32, #tpu.memory_space<vmem>>[vector<16xi32>], vector<16xf32>,
        %parallel_loop3A_241 = arith.mulf %parallel_loop3A_240, %parallel_loop3A_235 : vector<16xf32>
        %parallel_loop3A_242 = tpu.vector_load_idx %arg14[%parallel_loop3A_225] : memref<10000xf32, #tpu.memory_space<vmem>>[vector<16xi32>], vector<16xf32>,
        %parallel_loop3A_243 = arith.mulf %parallel_loop3A_242, %parallel_loop3A_235 : vector<16xf32>
        tpu.vector_store_idx %arg10[%parallel_loop3A_227], %parallel_loop3A_235 {add = true} : memref<10000xf32, #tpu.memory_space<vmem>>[vector<16xi32>], vector<16xf32>,
        tpu.vector_store_idx %arg15[%parallel_loop3A_227], %parallel_loop3A_237 {add = true} : memref<10000xf32, #tpu.memory_space<vmem>>[vector<16xi32>], vector<16xf32>,
        tpu.vector_store_idx %arg16[%parallel_loop3A_227], %parallel_loop3A_239 {add = true} : memref<10000xf32, #tpu.memory_space<vmem>>[vector<16xi32>], vector<16xf32>,
        tpu.vector_store_idx %arg17[%parallel_loop3A_227], %parallel_loop3A_241 {add = true} : memref<10000xf32, #tpu.memory_space<vmem>>[vector<16xi32>], vector<16xf32>,
        tpu.vector_store_idx %arg18[%parallel_loop3A_227], %parallel_loop3A_243 {add = true} : memref<10000xf32, #tpu.memory_space<vmem>>[vector<16xi32>], vector<16xf32>,
      } {sc.loop_unroll_factor = 4 : i64, sc.parallel_access}
      %add3A_192 = arith.constant 2 : i32
      %add3A_193 = arith.addi %add3A_181, %add3A_192 : i32
      %lt3A_194 = arith.constant 100 : i32
      %lt3A_195 = arith.cmpi slt, %add3A_193, %lt3A_194 : i32
      %convert_element_type3A_196 = arith.extui %lt3A_195 : i1 to i32
      %cond3A_197 = arith.constant 0 : i32
      %cond3A_198 = arith.cmpi ne, %convert_element_type3A_196, %cond3A_197 : i32
      scf.if %cond3A_198 {
        %add3A_221 = arith.constant 2 : i32
        %add3A_222 = arith.addi %add3A_181, %add3A_221 : i32
        %mul3A_223 = arith.constant 3200 : i32
        %mul3A_224 = arith.muli %add3A_222, %mul3A_223 : i32
        %dma_start3A_225 = tpu.memref_slice %arg5[%mul3A_224] : memref<640000xi32, #tpu.memory_space<hbm>> -> memref<3200xi32, #tpu.memory_space<hbm>>
        %dma_start3A_226 = tpu.memref_slice %arg5[%mul3A_224] : memref<640000xi32, #tpu.memory_space<hbm>> -> memref<3200xi32, #tpu.memory_space<hbm>>
        tpu.enqueue_dma source(%dma_start3A_226 : memref<3200xi32, #tpu.memory_space<hbm>>) target(%arg19 : memref<3200xi32, #tpu.memory_space<vmem>>) target_semaphore(%arg23 : memref<!tpu.dma_semaphore, #tpu.memory_space<semaphore_mem>>)
        %add3A_227 = arith.constant 320000 : i32
        %add3A_228 = arith.addi %add3A_227, %mul3A_224 : i32
        %dma_start3A_229 = tpu.memref_slice %arg5[%add3A_228] : memref<640000xi32, #tpu.memory_space<hbm>> -> memref<3200xi32, #tpu.memory_space<hbm>>
        %dma_start3A_230 = tpu.memref_slice %arg5[%add3A_228] : memref<640000xi32, #tpu.memory_space<hbm>> -> memref<3200xi32, #tpu.memory_space<hbm>>
        tpu.enqueue_dma source(%dma_start3A_230 : memref<3200xi32, #tpu.memory_space<hbm>>) target(%arg20 : memref<3200xi32, #tpu.memory_space<vmem>>) target_semaphore(%arg23 : memref<!tpu.dma_semaphore, #tpu.memory_space<semaphore_mem>>)
      } else {
      }
      %mul3A_199 = arith.constant 2 : i32
      %mul3A_200 = arith.muli %scan3A_177, %mul3A_199 : i32
      %add3A_201 = arith.constant 1 : i32
      %add3A_202 = arith.addi %mul3A_200, %add3A_201 : i32
      %dma_wait3A_203 = arith.constant 0 : i32
      %dma_wait3A_204 = tpu.memref_slice %arg5[%dma_wait3A_203] : memref<640000xi32, #tpu.memory_space<hbm>> -> memref<3200xi32, #tpu.memory_space<hbm>>
      %dma_wait3A_205 = arith.constant 0 : i32
      %dma_wait3A_206 = tpu.memref_slice %arg5[%dma_wait3A_205] : memref<640000xi32, #tpu.memory_space<hbm>> -> memref<3200xi32, #tpu.memory_space<hbm>>
      tpu.wait_dma2 semaphore(%arg24 : memref<!tpu.dma_semaphore, #tpu.memory_space<semaphore_mem>>) src(%dma_wait3A_206 : memref<3200xi32, #tpu.memory_space<hbm>>) dst(%arg21 : memref<3200xi32, #tpu.memory_space<vmem>>)
      %dma_wait3A_207 = arith.constant 0 : i32
      %dma_wait3A_208 = tpu.memref_slice %arg5[%dma_wait3A_207] : memref<640000xi32, #tpu.memory_space<hbm>> -> memref<3200xi32, #tpu.memory_space<hbm>>
      %dma_wait3A_209 = arith.constant 0 : i32
      %dma_wait3A_210 = tpu.memref_slice %arg5[%dma_wait3A_209] : memref<640000xi32, #tpu.memory_space<hbm>> -> memref<3200xi32, #tpu.memory_space<hbm>>
      tpu.wait_dma2 semaphore(%arg24 : memref<!tpu.dma_semaphore, #tpu.memory_space<semaphore_mem>>) src(%dma_wait3A_210 : memref<3200xi32, #tpu.memory_space<hbm>>) dst(%arg22 : memref<3200xi32, #tpu.memory_space<vmem>>)
      %parallel_loop3A_211 = arith.constant 0 : i32
      %parallel_loop3A_212 = arith.constant 200 : i32
      %parallel_loop3A_213 = arith.constant 1 : i32
      scf.for %parallel_loop3A_221 = %parallel_loop3A_211 to %parallel_loop3A_212 step %parallel_loop3A_213  : i32 {
        %parallel_loop3A_222 = arith.constant 16 : i32
        %parallel_loop3A_223 = arith.muli %parallel_loop3A_221, %parallel_loop3A_222 : i32
        %parallel_loop3A_224 = arith.index_cast %parallel_loop3A_223 : i32 to index
        %parallel_loop3A_225 = tpu.vector_load %arg21[%parallel_loop3A_224] {strides = array<i32>} : memref<3200xi32, #tpu.memory_space<vmem>>, vector<16xi32>,
        %parallel_loop3A_226 = arith.index_cast %parallel_loop3A_223 : i32 to index
        %parallel_loop3A_227 = tpu.vector_load %arg22[%parallel_loop3A_226] {strides = array<i32>} : memref<3200xi32, #tpu.memory_space<vmem>>, vector<16xi32>,
        %parallel_loop3A_228 = tpu.vector_load_idx %arg8[%parallel_loop3A_225] : memref<10000xf32, #tpu.memory_space<vmem>>[vector<16xi32>], vector<16xf32>,
        %parallel_loop3A_229 = tpu.vector_load_idx %arg9[%parallel_loop3A_227] : memref<10000xf32, #tpu.memory_space<vmem>>[vector<16xi32>], vector<16xf32>,
        %parallel_loop3A_230 = arith.addf %parallel_loop3A_228, %parallel_loop3A_229 : vector<16xf32>
        %parallel_loop3A_231 = arith.constant 2.000000e-01 : f32
        %parallel_loop3A_232 = vector.broadcast %parallel_loop3A_231 : f32 to vector<16xf32>
        %parallel_loop3A_233 = arith.mulf %parallel_loop3A_232, %parallel_loop3A_230 : vector<16xf32>
        %parallel_loop3A_234 = arith.maximumf %parallel_loop3A_230, %parallel_loop3A_233 : vector<16xf32>
        %parallel_loop3A_235 = math.exp %parallel_loop3A_234 : vector<16xf32>
        %parallel_loop3A_236 = tpu.vector_load_idx %arg11[%parallel_loop3A_225] : memref<10000xf32, #tpu.memory_space<vmem>>[vector<16xi32>], vector<16xf32>,
        %parallel_loop3A_237 = arith.mulf %parallel_loop3A_236, %parallel_loop3A_235 : vector<16xf32>
        %parallel_loop3A_238 = tpu.vector_load_idx %arg12[%parallel_loop3A_225] : memref<10000xf32, #tpu.memory_space<vmem>>[vector<16xi32>], vector<16xf32>,
        %parallel_loop3A_239 = arith.mulf %parallel_loop3A_238, %parallel_loop3A_235 : vector<16xf32>
        %parallel_loop3A_240 = tpu.vector_load_idx %arg13[%parallel_loop3A_225] : memref<10000xf32, #tpu.memory_space<vmem>>[vector<16xi32>], vector<16xf32>,
        %parallel_loop3A_241 = arith.mulf %parallel_loop3A_240, %parallel_loop3A_235 : vector<16xf32>
        %parallel_loop3A_242 = tpu.vector_load_idx %arg14[%parallel_loop3A_225] : memref<10000xf32, #tpu.memory_space<vmem>>[vector<16xi32>], vector<16xf32>,
        %parallel_loop3A_243 = arith.mulf %parallel_loop3A_242, %parallel_loop3A_235 : vector<16xf32>
        tpu.vector_store_idx %arg10[%parallel_loop3A_227], %parallel_loop3A_235 {add = true} : memref<10000xf32, #tpu.memory_space<vmem>>[vector<16xi32>], vector<16xf32>,
        tpu.vector_store_idx %arg15[%parallel_loop3A_227], %parallel_loop3A_237 {add = true} : memref<10000xf32, #tpu.memory_space<vmem>>[vector<16xi32>], vector<16xf32>,
        tpu.vector_store_idx %arg16[%parallel_loop3A_227], %parallel_loop3A_239 {add = true} : memref<10000xf32, #tpu.memory_space<vmem>>[vector<16xi32>], vector<16xf32>,
        tpu.vector_store_idx %arg17[%parallel_loop3A_227], %parallel_loop3A_241 {add = true} : memref<10000xf32, #tpu.memory_space<vmem>>[vector<16xi32>], vector<16xf32>,
        tpu.vector_store_idx %arg18[%parallel_loop3A_227], %parallel_loop3A_243 {add = true} : memref<10000xf32, #tpu.memory_space<vmem>>[vector<16xi32>], vector<16xf32>,
      } {sc.loop_unroll_factor = 4 : i64, sc.parallel_access}
      %add3A_214 = arith.constant 2 : i32
      %add3A_215 = arith.addi %add3A_202, %add3A_214 : i32
      %lt3A_216 = arith.constant 100 : i32
      %lt3A_217 = arith.cmpi slt, %add3A_215, %lt3A_216 : i32
      %convert_element_type3A_218 = arith.extui %lt3A_217 : i1 to i32
      %cond3A_219 = arith.constant 0 : i32
      %cond3A_220 = arith.cmpi ne, %convert_element_type3A_218, %cond3A_219 : i32
      scf.if %cond3A_220 {
        %add3A_221 = arith.constant 2 : i32
        %add3A_222 = arith.addi %add3A_202, %add3A_221 : i32
        %mul3A_223 = arith.constant 3200 : i32
        %mul3A_224 = arith.muli %add3A_222, %mul3A_223 : i32
        %dma_start3A_225 = tpu.memref_slice %arg5[%mul3A_224] : memref<640000xi32, #tpu.memory_space<hbm>> -> memref<3200xi32, #tpu.memory_space<hbm>>
        %dma_start3A_226 = tpu.memref_slice %arg5[%mul3A_224] : memref<640000xi32, #tpu.memory_space<hbm>> -> memref<3200xi32, #tpu.memory_space<hbm>>
        tpu.enqueue_dma source(%dma_start3A_226 : memref<3200xi32, #tpu.memory_space<hbm>>) target(%arg21 : memref<3200xi32, #tpu.memory_space<vmem>>) target_semaphore(%arg24 : memref<!tpu.dma_semaphore, #tpu.memory_space<semaphore_mem>>)
        %add3A_227 = arith.constant 320000 : i32
        %add3A_228 = arith.addi %add3A_227, %mul3A_224 : i32
        %dma_start3A_229 = tpu.memref_slice %arg5[%add3A_228] : memref<640000xi32, #tpu.memory_space<hbm>> -> memref<3200xi32, #tpu.memory_space<hbm>>
        %dma_start3A_230 = tpu.memref_slice %arg5[%add3A_228] : memref<640000xi32, #tpu.memory_space<hbm>> -> memref<3200xi32, #tpu.memory_space<hbm>>
        tpu.enqueue_dma source(%dma_start3A_230 : memref<3200xi32, #tpu.memory_space<hbm>>) target(%arg22 : memref<3200xi32, #tpu.memory_space<vmem>>) target_semaphore(%arg24 : memref<!tpu.dma_semaphore, #tpu.memory_space<semaphore_mem>>)
      } else {
      }
    }
    %scan3A_149 = arith.constant 50 : i32
    %add3A_150 = arith.constant 0 : i32
    %add3A_151 = arith.addi %add3A_35, %add3A_150 : i32
    "tpu.region"() ({
      %run_scoped3A = tpu.sem_alloc : memref<!tpu.dma_semaphore, #tpu.memory_space<semaphore_mem>>
      %dma_start3A_177 = arith.constant 0 : i32
      %dma_start3A_178 = tpu.memref_slice %arg6[%add3A_151, %dma_start3A_177] : memref<128x10000xf32, #tpu.memory_space<hbm>> -> memref<1x10000xf32, #tpu.memory_space<hbm>>
      %dma_start3A_179 = tpu.memref_squeeze %dma_start3A_178 : memref<1x10000xf32, #tpu.memory_space<hbm>> -> memref<10000xf32, #tpu.memory_space<hbm>>
      %dma_start3A_180 = arith.constant 0 : i32
      %dma_start3A_181 = tpu.memref_slice %arg6[%add3A_151, %dma_start3A_180] : memref<128x10000xf32, #tpu.memory_space<hbm>> -> memref<1x10000xf32, #tpu.memory_space<hbm>>
      %dma_start3A_182 = tpu.memref_squeeze %dma_start3A_181 : memref<1x10000xf32, #tpu.memory_space<hbm>> -> memref<10000xf32, #tpu.memory_space<hbm>>
      tpu.enqueue_dma source(%arg15 : memref<10000xf32, #tpu.memory_space<vmem>>) target(%dma_start3A_182 : memref<10000xf32, #tpu.memory_space<hbm>>) target_semaphore(%run_scoped3A : memref<!tpu.dma_semaphore, #tpu.memory_space<semaphore_mem>>)
      %dma_wait3A_183 = arith.constant 0 : i32
      %dma_wait3A_184 = tpu.memref_slice %arg6[%add3A_151, %dma_wait3A_183] : memref<128x10000xf32, #tpu.memory_space<hbm>> -> memref<1x10000xf32, #tpu.memory_space<hbm>>
      %dma_wait3A_185 = tpu.memref_squeeze %dma_wait3A_184 : memref<1x10000xf32, #tpu.memory_space<hbm>> -> memref<10000xf32, #tpu.memory_space<hbm>>
      %dma_wait3A_186 = arith.constant 0 : i32
      %dma_wait3A_187 = tpu.memref_slice %arg6[%add3A_151, %dma_wait3A_186] : memref<128x10000xf32, #tpu.memory_space<hbm>> -> memref<1x10000xf32, #tpu.memory_space<hbm>>
      %dma_wait3A_188 = tpu.memref_squeeze %dma_wait3A_187 : memref<1x10000xf32, #tpu.memory_space<hbm>> -> memref<10000xf32, #tpu.memory_space<hbm>>
      tpu.wait_dma2 semaphore(%run_scoped3A : memref<!tpu.dma_semaphore, #tpu.memory_space<semaphore_mem>>) src(%arg15 : memref<10000xf32, #tpu.memory_space<vmem>>) dst(%dma_wait3A_188 : memref<10000xf32, #tpu.memory_space<hbm>>)
      tpu.yield
    }) : () -> ()
    %add3A_152 = arith.constant 1 : i32
    %add3A_153 = arith.addi %add3A_35, %add3A_152 : i32
    "tpu.region"() ({
      %run_scoped3A = tpu.sem_alloc : memref<!tpu.dma_semaphore, #tpu.memory_space<semaphore_mem>>
      %dma_start3A_177 = arith.constant 0 : i32
      %dma_start3A_178 = tpu.memref_slice %arg6[%add3A_153, %dma_start3A_177] : memref<128x10000xf32, #tpu.memory_space<hbm>> -> memref<1x10000xf32, #tpu.memory_space<hbm>>
      %dma_start3A_179 = tpu.memref_squeeze %dma_start3A_178 : memref<1x10000xf32, #tpu.memory_space<hbm>> -> memref<10000xf32, #tpu.memory_space<hbm>>
      %dma_start3A_180 = arith.constant 0 : i32
      %dma_start3A_181 = tpu.memref_slice %arg6[%add3A_153, %dma_start3A_180] : memref<128x10000xf32, #tpu.memory_space<hbm>> -> memref<1x10000xf32, #tpu.memory_space<hbm>>
      %dma_start3A_182 = tpu.memref_squeeze %dma_start3A_181 : memref<1x10000xf32, #tpu.memory_space<hbm>> -> memref<10000xf32, #tpu.memory_space<hbm>>
      tpu.enqueue_dma source(%arg16 : memref<10000xf32, #tpu.memory_space<vmem>>) target(%dma_start3A_182 : memref<10000xf32, #tpu.memory_space<hbm>>) target_semaphore(%run_scoped3A : memref<!tpu.dma_semaphore, #tpu.memory_space<semaphore_mem>>)
      %dma_wait3A_183 = arith.constant 0 : i32
      %dma_wait3A_184 = tpu.memref_slice %arg6[%add3A_153, %dma_wait3A_183] : memref<128x10000xf32, #tpu.memory_space<hbm>> -> memref<1x10000xf32, #tpu.memory_space<hbm>>
      %dma_wait3A_185 = tpu.memref_squeeze %dma_wait3A_184 : memref<1x10000xf32, #tpu.memory_space<hbm>> -> memref<10000xf32, #tpu.memory_space<hbm>>
      %dma_wait3A_186 = arith.constant 0 : i32
      %dma_wait3A_187 = tpu.memref_slice %arg6[%add3A_153, %dma_wait3A_186] : memref<128x10000xf32, #tpu.memory_space<hbm>> -> memref<1x10000xf32, #tpu.memory_space<hbm>>
      %dma_wait3A_188 = tpu.memref_squeeze %dma_wait3A_187 : memref<1x10000xf32, #tpu.memory_space<hbm>> -> memref<10000xf32, #tpu.memory_space<hbm>>
      tpu.wait_dma2 semaphore(%run_scoped3A : memref<!tpu.dma_semaphore, #tpu.memory_space<semaphore_mem>>) src(%arg16 : memref<10000xf32, #tpu.memory_space<vmem>>) dst(%dma_wait3A_188 : memref<10000xf32, #tpu.memory_space<hbm>>)
      tpu.yield
    }) : () -> ()
    %add3A_154 = arith.constant 2 : i32
    %add3A_155 = arith.addi %add3A_35, %add3A_154 : i32
    "tpu.region"() ({
      %run_scoped3A = tpu.sem_alloc : memref<!tpu.dma_semaphore, #tpu.memory_space<semaphore_mem>>
      %dma_start3A_177 = arith.constant 0 : i32
      %dma_start3A_178 = tpu.memref_slice %arg6[%add3A_155, %dma_start3A_177] : memref<128x10000xf32, #tpu.memory_space<hbm>> -> memref<1x10000xf32, #tpu.memory_space<hbm>>
      %dma_start3A_179 = tpu.memref_squeeze %dma_start3A_178 : memref<1x10000xf32, #tpu.memory_space<hbm>> -> memref<10000xf32, #tpu.memory_space<hbm>>
      %dma_start3A_180 = arith.constant 0 : i32
      %dma_start3A_181 = tpu.memref_slice %arg6[%add3A_155, %dma_start3A_180] : memref<128x10000xf32, #tpu.memory_space<hbm>> -> memref<1x10000xf32, #tpu.memory_space<hbm>>
      %dma_start3A_182 = tpu.memref_squeeze %dma_start3A_181 : memref<1x10000xf32, #tpu.memory_space<hbm>> -> memref<10000xf32, #tpu.memory_space<hbm>>
      tpu.enqueue_dma source(%arg17 : memref<10000xf32, #tpu.memory_space<vmem>>) target(%dma_start3A_182 : memref<10000xf32, #tpu.memory_space<hbm>>) target_semaphore(%run_scoped3A : memref<!tpu.dma_semaphore, #tpu.memory_space<semaphore_mem>>)
      %dma_wait3A_183 = arith.constant 0 : i32
      %dma_wait3A_184 = tpu.memref_slice %arg6[%add3A_155, %dma_wait3A_183] : memref<128x10000xf32, #tpu.memory_space<hbm>> -> memref<1x10000xf32, #tpu.memory_space<hbm>>
      %dma_wait3A_185 = tpu.memref_squeeze %dma_wait3A_184 : memref<1x10000xf32, #tpu.memory_space<hbm>> -> memref<10000xf32, #tpu.memory_space<hbm>>
      %dma_wait3A_186 = arith.constant 0 : i32
      %dma_wait3A_187 = tpu.memref_slice %arg6[%add3A_155, %dma_wait3A_186] : memref<128x10000xf32, #tpu.memory_space<hbm>> -> memref<1x10000xf32, #tpu.memory_space<hbm>>
      %dma_wait3A_188 = tpu.memref_squeeze %dma_wait3A_187 : memref<1x10000xf32, #tpu.memory_space<hbm>> -> memref<10000xf32, #tpu.memory_space<hbm>>
      tpu.wait_dma2 semaphore(%run_scoped3A : memref<!tpu.dma_semaphore, #tpu.memory_space<semaphore_mem>>) src(%arg17 : memref<10000xf32, #tpu.memory_space<vmem>>) dst(%dma_wait3A_188 : memref<10000xf32, #tpu.memory_space<hbm>>)
      tpu.yield
    }) : () -> ()
    %add3A_156 = arith.constant 3 : i32
    %add3A_157 = arith.addi %add3A_35, %add3A_156 : i32
    "tpu.region"() ({
      %run_scoped3A = tpu.sem_alloc : memref<!tpu.dma_semaphore, #tpu.memory_space<semaphore_mem>>
      %dma_start3A_177 = arith.constant 0 : i32
      %dma_start3A_178 = tpu.memref_slice %arg6[%add3A_157, %dma_start3A_177] : memref<128x10000xf32, #tpu.memory_space<hbm>> -> memref<1x10000xf32, #tpu.memory_space<hbm>>
      %dma_start3A_179 = tpu.memref_squeeze %dma_start3A_178 : memref<1x10000xf32, #tpu.memory_space<hbm>> -> memref<10000xf32, #tpu.memory_space<hbm>>
      %dma_start3A_180 = arith.constant 0 : i32
      %dma_start3A_181 = tpu.memref_slice %arg6[%add3A_157, %dma_start3A_180] : memref<128x10000xf32, #tpu.memory_space<hbm>> -> memref<1x10000xf32, #tpu.memory_space<hbm>>
      %dma_start3A_182 = tpu.memref_squeeze %dma_start3A_181 : memref<1x10000xf32, #tpu.memory_space<hbm>> -> memref<10000xf32, #tpu.memory_space<hbm>>
      tpu.enqueue_dma source(%arg18 : memref<10000xf32, #tpu.memory_space<vmem>>) target(%dma_start3A_182 : memref<10000xf32, #tpu.memory_space<hbm>>) target_semaphore(%run_scoped3A : memref<!tpu.dma_semaphore, #tpu.memory_space<semaphore_mem>>)
      %dma_wait3A_183 = arith.constant 0 : i32
      %dma_wait3A_184 = tpu.memref_slice %arg6[%add3A_157, %dma_wait3A_183] : memref<128x10000xf32, #tpu.memory_space<hbm>> -> memref<1x10000xf32, #tpu.memory_space<hbm>>
      %dma_wait3A_185 = tpu.memref_squeeze %dma_wait3A_184 : memref<1x10000xf32, #tpu.memory_space<hbm>> -> memref<10000xf32, #tpu.memory_space<hbm>>
      %dma_wait3A_186 = arith.constant 0 : i32
      %dma_wait3A_187 = tpu.memref_slice %arg6[%add3A_157, %dma_wait3A_186] : memref<128x10000xf32, #tpu.memory_space<hbm>> -> memref<1x10000xf32, #tpu.memory_space<hbm>>
      %dma_wait3A_188 = tpu.memref_squeeze %dma_wait3A_187 : memref<1x10000xf32, #tpu.memory_space<hbm>> -> memref<10000xf32, #tpu.memory_space<hbm>>
      tpu.wait_dma2 semaphore(%run_scoped3A : memref<!tpu.dma_semaphore, #tpu.memory_space<semaphore_mem>>) src(%arg18 : memref<10000xf32, #tpu.memory_space<vmem>>) dst(%dma_wait3A_188 : memref<10000xf32, #tpu.memory_space<hbm>>)
      tpu.yield
    }) : () -> ()
    %jit3A_158 = arith.constant 4 : i32
    %eq3A_159 = arith.constant 0 : i32
    %eq3A_160 = arith.cmpi eq, %jit3A_158, %eq3A_159 : i32
    %jit3A_161 = arith.constant 1 : i32
    %select_n3A_162 = arith.select %eq3A_160, %jit3A_161, %jit3A_158 : i32
    %rem3A_163 = arith.remsi %add3A, %select_n3A_162 : i32
    %ne3A_164 = arith.constant 0 : i32
    %ne3A_165 = arith.cmpi ne, %rem3A_163, %ne3A_164 : i32
    %lt3A_166 = arith.constant 0 : i32
    %lt3A_167 = arith.cmpi slt, %rem3A_163, %lt3A_166 : i32
    %lt3A_168 = arith.constant 0 : i32
    %lt3A_169 = arith.cmpi slt, %select_n3A_162, %lt3A_168 : i32
    %ne3A_170 = arith.xori %lt3A_167, %lt3A_169 : i1
    %and3A_171 = arith.andi %ne3A_170, %ne3A_165 : i1
    %add3A_172 = arith.addi %rem3A_163, %select_n3A_162 : i32
    %select_n3A_173 = arith.select %and3A_171, %add3A_172, %rem3A_163 : i32
    %eq3A_174 = arith.constant 0 : i32
    %eq3A_175 = arith.cmpi eq, %select_n3A_173, %eq3A_174 : i32
    %convert_element_type3A = arith.extui %eq3A_175 : i1 to i32
    %cond3A = arith.constant 0 : i32
    %cond3A_176 = arith.cmpi ne, %convert_element_type3A, %cond3A : i32
    scf.if %cond3A_176 {
      "tpu.region"() ({
        %run_scoped3A = tpu.sem_alloc : memref<!tpu.dma_semaphore, #tpu.memory_space<semaphore_mem>>
        %dma_start3A_177 = arith.constant 0 : i32
        %dma_start3A_178 = tpu.memref_slice %arg7[%select_n3A, %dma_start3A_177] : memref<8x10000xf32, #tpu.memory_space<hbm>> -> memref<1x10000xf32, #tpu.memory_space<hbm>>
        %dma_start3A_179 = tpu.memref_squeeze %dma_start3A_178 : memref<1x10000xf32, #tpu.memory_space<hbm>> -> memref<10000xf32, #tpu.memory_space<hbm>>
        %dma_start3A_180 = arith.constant 0 : i32
        %dma_start3A_181 = tpu.memref_slice %arg7[%select_n3A, %dma_start3A_180] : memref<8x10000xf32, #tpu.memory_space<hbm>> -> memref<1x10000xf32, #tpu.memory_space<hbm>>
        %dma_start3A_182 = tpu.memref_squeeze %dma_start3A_181 : memref<1x10000xf32, #tpu.memory_space<hbm>> -> memref<10000xf32, #tpu.memory_space<hbm>>
        tpu.enqueue_dma source(%arg10 : memref<10000xf32, #tpu.memory_space<vmem>>) target(%dma_start3A_182 : memref<10000xf32, #tpu.memory_space<hbm>>) target_semaphore(%run_scoped3A : memref<!tpu.dma_semaphore, #tpu.memory_space<semaphore_mem>>)
        %dma_wait3A_183 = arith.constant 0 : i32
        %dma_wait3A_184 = tpu.memref_slice %arg7[%select_n3A, %dma_wait3A_183] : memref<8x10000xf32, #tpu.memory_space<hbm>> -> memref<1x10000xf32, #tpu.memory_space<hbm>>
        %dma_wait3A_185 = tpu.memref_squeeze %dma_wait3A_184 : memref<1x10000xf32, #tpu.memory_space<hbm>> -> memref<10000xf32, #tpu.memory_space<hbm>>
        %dma_wait3A_186 = arith.constant 0 : i32
        %dma_wait3A_187 = tpu.memref_slice %arg7[%select_n3A, %dma_wait3A_186] : memref<8x10000xf32, #tpu.memory_space<hbm>> -> memref<1x10000xf32, #tpu.memory_space<hbm>>
        %dma_wait3A_188 = tpu.memref_squeeze %dma_wait3A_187 : memref<1x10000xf32, #tpu.memory_space<hbm>> -> memref<10000xf32, #tpu.memory_space<hbm>>
        tpu.wait_dma2 semaphore(%run_scoped3A : memref<!tpu.dma_semaphore, #tpu.memory_space<semaphore_mem>>) src(%arg10 : memref<10000xf32, #tpu.memory_space<vmem>>) dst(%dma_wait3A_188 : memref<10000xf32, #tpu.memory_space<hbm>>)
        tpu.yield
      }) : () -> ()
    } else {
    }
    return
  }
}

#map = affine_map<(d0, d1) -> (0, 0)>
#map1 = affine_map<(d0, d1) -> (0)>
module attributes {stable_mosaic.version = 14 : i64} {
  func.func @k(%arg0: i32, %arg1: i32, %arg2: memref<128x10000xf32, #tpu.memory_space<hbm>>, %arg3: memref<8x10000xf32, #tpu.memory_space<hbm>>, %arg4: memref<8x10000xf32, #tpu.memory_space<hbm>>, %arg5: memref<640000xi32, #tpu.memory_space<hbm>>, %arg6: memref<128x10000xf32, #tpu.memory_space<hbm>>, %arg7: memref<8x10000xf32, #tpu.memory_space<hbm>>, %arg8: memref<10000xf32, #tpu.memory_space<vmem>>, %arg9: memref<10000xf32, #tpu.memory_space<vmem>>, %arg10: memref<10000xf32, #tpu.memory_space<vmem>>, %arg11: memref<10000xf32, #tpu.memory_space<vmem>>, %arg12: memref<10000xf32, #tpu.memory_space<vmem>>, %arg13: memref<10000xf32, #tpu.memory_space<vmem>>, %arg14: memref<10000xf32, #tpu.memory_space<vmem>>, %arg15: memref<10000xf32, #tpu.memory_space<vmem>>, %arg16: memref<10000xf32, #tpu.memory_space<vmem>>, %arg17: memref<10000xf32, #tpu.memory_space<vmem>>, %arg18: memref<10000xf32, #tpu.memory_space<vmem>>, %arg19: memref<3200xi32, #tpu.memory_space<vmem>>, %arg20: memref<3200xi32, #tpu.memory_space<vmem>>, %arg21: memref<3200xi32, #tpu.memory_space<vmem>>, %arg22: memref<3200xi32, #tpu.memory_space<vmem>>, %arg23: memref<!tpu.dma_semaphore, #tpu.memory_space<semaphore_mem>>, %arg24: memref<!tpu.dma_semaphore, #tpu.memory_space<semaphore_mem>>) attributes {dimension_semantics = [#tpu.dimension_semantics<core_parallel>, #tpu.dimension_semantics<subcore_parallel>], iteration_bounds = array<i64: 2, 16>, scalar_prefetch = 0 : i64, scratch_operands = 17 : i64, tpu.core_type = #tpu.core_type<sc_vector_subcore>, window_params = [{transform_indices = #map}, {transform_indices = #map}, {transform_indices = #map}, {transform_indices = #map1}, {transform_indices = #map}, {transform_indices = #map}]} {
    %mul3A = arith.constant 16 : i32
    %mul3A_0 = arith.muli %arg0, %mul3A : i32
    %add3A = arith.addi %mul3A_0, %arg1 : i32
    %jit3A = arith.constant 4 : i32
    %div3A = arith.divsi %add3A, %jit3A : i32
    %sign3A = arith.constant 0 : i32
    %sign3A_1 = arith.cmpi sgt, %add3A, %sign3A : i32
    %sign3A_2 = arith.extui %sign3A_1 : i1 to i32
    %sign3A_3 = arith.constant 0 : i32
    %sign3A_4 = arith.cmpi slt, %add3A, %sign3A_3 : i32
    %sign3A_5 = arith.extui %sign3A_4 : i1 to i32
    %sign3A_6 = arith.subi %sign3A_2, %sign3A_5 : i32
    %sign3A_7 = arith.constant 0 : i32
    %sign3A_8 = arith.cmpi sgt, %jit3A, %sign3A_7 : i32
    %sign3A_9 = arith.extui %sign3A_8 : i1 to i32
    %sign3A_10 = arith.constant 0 : i32
    %sign3A_11 = arith.cmpi slt, %jit3A, %sign3A_10 : i32
    %sign3A_12 = arith.extui %sign3A_11 : i1 to i32
    %sign3A_13 = arith.subi %sign3A_9, %sign3A_12 : i32
    %ne3A = arith.cmpi ne, %sign3A_6, %sign3A_13 : i32
    %rem3A = arith.remsi %add3A, %jit3A : i32
    %ne3A_14 = arith.constant 0 : i32
    %ne3A_15 = arith.cmpi ne, %rem3A, %ne3A_14 : i32
    %and3A = arith.andi %ne3A, %ne3A_15 : i1
    %sub3A = arith.constant 1 : i32
    %sub3A_16 = arith.subi %div3A, %sub3A : i32
    %select_n3A = arith.select %and3A, %sub3A_16, %div3A : i32
    %mul3A_17 = arith.constant 16 : i32
    %mul3A_18 = arith.muli %select_n3A, %mul3A_17 : i32
    %jit3A_19 = arith.constant 4 : i32
    %eq3A = arith.constant 0 : i32
    %eq3A_20 = arith.cmpi eq, %jit3A_19, %eq3A : i32
    %jit3A_21 = arith.constant 1 : i32
    %select_n3A_22 = arith.select %eq3A_20, %jit3A_21, %jit3A_19 : i32
    %rem3A_23 = arith.remsi %add3A, %select_n3A_22 : i32
    %ne3A_24 = arith.constant 0 : i32
    %ne3A_25 = arith.cmpi ne, %rem3A_23, %ne3A_24 : i32
    %lt3A = arith.constant 0 : i32
    %lt3A_26 = arith.cmpi slt, %rem3A_23, %lt3A : i32
    %lt3A_27 = arith.constant 0 : i32
    %lt3A_28 = arith.cmpi slt, %select_n3A_22, %lt3A_27 : i32
    %ne3A_29 = arith.xori %lt3A_26, %lt3A_28 : i1
    %and3A_30 = arith.andi %ne3A_29, %ne3A_25 : i1
    %add3A_31 = arith.addi %rem3A_23, %select_n3A_22 : i32
    %select_n3A_32 = arith.select %and3A_30, %add3A_31, %rem3A_23 : i32
    %mul3A_33 = arith.constant 4 : i32
    %mul3A_34 = arith.muli %select_n3A_32, %mul3A_33 : i32
    %add3A_35 = arith.addi %mul3A_18, %mul3A_34 : i32
    %dma_start3A = arith.constant 0 : i32
    %dma_start3A_36 = tpu.memref_slice %arg3[%select_n3A, %dma_start3A] : memref<8x10000xf32, #tpu.memory_space<hbm>> -> memref<1x10000xf32, #tpu.memory_space<hbm>>
    %dma_start3A_37 = tpu.memref_squeeze %dma_start3A_36 : memref<1x10000xf32, #tpu.memory_space<hbm>> -> memref<10000xf32, #tpu.memory_space<hbm>>
    %dma_start3A_38 = arith.constant 0 : i32
    %dma_start3A_39 = tpu.memref_slice %arg3[%select_n3A, %dma_start3A_38] : memref<8x10000xf32, #tpu.memory_space<hbm>> -> memref<1x10000xf32, #tpu.memory_space<hbm>>
    %dma_start3A_40 = tpu.memref_squeeze %dma_start3A_39 : memref<1x10000xf32, #tpu.memory_space<hbm>> -> memref<10000xf32, #tpu.memory_space<hbm>>
    tpu.enqueue_dma source(%dma_start3A_40 : memref<10000xf32, #tpu.memory_space<hbm>>) target(%arg8 : memref<10000xf32, #tpu.memory_space<vmem>>) target_semaphore(%arg23 : memref<!tpu.dma_semaphore, #tpu.memory_space<semaphore_mem>>)
    %dma_start3A_41 = arith.constant 0 : i32
    %dma_start3A_42 = tpu.memref_slice %arg4[%select_n3A, %dma_start3A_41] : memref<8x10000xf32, #tpu.memory_space<hbm>> -> memref<1x10000xf32, #tpu.memory_space<hbm>>
    %dma_start3A_43 = tpu.memref_squeeze %dma_start3A_42 : memref<1x10000xf32, #tpu.memory_space<hbm>> -> memref<10000xf32, #tpu.memory_space<hbm>>
    %dma_start3A_44 = arith.constant 0 : i32
    %dma_start3A_45 = tpu.memref_slice %arg4[%select_n3A, %dma_start3A_44] : memref<8x10000xf32, #tpu.memory_space<hbm>> -> memref<1x10000xf32, #tpu.memory_space<hbm>>
    %dma_start3A_46 = tpu.memref_squeeze %dma_start3A_45 : memref<1x10000xf32, #tpu.memory_space<hbm>> -> memref<10000xf32, #tpu.memory_space<hbm>>
    tpu.enqueue_dma source(%dma_start3A_46 : memref<10000xf32, #tpu.memory_space<hbm>>) target(%arg9 : memref<10000xf32, #tpu.memory_space<vmem>>) target_semaphore(%arg23 : memref<!tpu.dma_semaphore, #tpu.memory_space<semaphore_mem>>)
    %add3A_47 = arith.constant 0 : i32
    %add3A_48 = arith.addi %add3A_35, %add3A_47 : i32
    %dma_start3A_49 = arith.constant 0 : i32
    %dma_start3A_50 = tpu.memref_slice %arg2[%add3A_48, %dma_start3A_49] : memref<128x10000xf32, #tpu.memory_space<hbm>> -> memref<1x10000xf32, #tpu.memory_space<hbm>>
    %dma_start3A_51 = tpu.memref_squeeze %dma_start3A_50 : memref<1x10000xf32, #tpu.memory_space<hbm>> -> memref<10000xf32, #tpu.memory_space<hbm>>
    %dma_start3A_52 = arith.constant 0 : i32
    %dma_start3A_53 = tpu.memref_slice %arg2[%add3A_48, %dma_start3A_52] : memref<128x10000xf32, #tpu.memory_space<hbm>> -> memref<1x10000xf32, #tpu.memory_space<hbm>>
    %dma_start3A_54 = tpu.memref_squeeze %dma_start3A_53 : memref<1x10000xf32, #tpu.memory_space<hbm>> -> memref<10000xf32, #tpu.memory_space<hbm>>
    tpu.enqueue_dma source(%dma_start3A_54 : memref<10000xf32, #tpu.memory_space<hbm>>) target(%arg11 : memref<10000xf32, #tpu.memory_space<vmem>>) target_semaphore(%arg23 : memref<!tpu.dma_semaphore, #tpu.memory_space<semaphore_mem>>)
    %add3A_55 = arith.constant 1 : i32
    %add3A_56 = arith.addi %add3A_35, %add3A_55 : i32
    %dma_start3A_57 = arith.constant 0 : i32
    %dma_start3A_58 = tpu.memref_slice %arg2[%add3A_56, %dma_start3A_57] : memref<128x10000xf32, #tpu.memory_space<hbm>> -> memref<1x10000xf32, #tpu.memory_space<hbm>>
    %dma_start3A_59 = tpu.memref_squeeze %dma_start3A_58 : memref<1x10000xf32, #tpu.memory_space<hbm>> -> memref<10000xf32, #tpu.memory_space<hbm>>
    %dma_start3A_60 = arith.constant 0 : i32
    %dma_start3A_61 = tpu.memref_slice %arg2[%add3A_56, %dma_start3A_60] : memref<128x10000xf32, #tpu.memory_space<hbm>> -> memref<1x10000xf32, #tpu.memory_space<hbm>>
    %dma_start3A_62 = tpu.memref_squeeze %dma_start3A_61 : memref<1x10000xf32, #tpu.memory_space<hbm>> -> memref<10000xf32, #tpu.memory_space<hbm>>
    tpu.enqueue_dma source(%dma_start3A_62 : memref<10000xf32, #tpu.memory_space<hbm>>) target(%arg12 : memref<10000xf32, #tpu.memory_space<vmem>>) target_semaphore(%arg23 : memref<!tpu.dma_semaphore, #tpu.memory_space<semaphore_mem>>)
    %add3A_63 = arith.constant 2 : i32
    %add3A_64 = arith.addi %add3A_35, %add3A_63 : i32
    %dma_start3A_65 = arith.constant 0 : i32
    %dma_start3A_66 = tpu.memref_slice %arg2[%add3A_64, %dma_start3A_65] : memref<128x10000xf32, #tpu.memory_space<hbm>> -> memref<1x10000xf32, #tpu.memory_space<hbm>>
    %dma_start3A_67 = tpu.memref_squeeze %dma_start3A_66 : memref<1x10000xf32, #tpu.memory_space<hbm>> -> memref<10000xf32, #tpu.memory_space<hbm>>
    %dma_start3A_68 = arith.constant 0 : i32
    %dma_start3A_69 = tpu.memref_slice %arg2[%add3A_64, %dma_start3A_68] : memref<128x10000xf32, #tpu.memory_space<hbm>> -> memref<1x10000xf32, #tpu.memory_space<hbm>>
    %dma_start3A_70 = tpu.memref_squeeze %dma_start3A_69 : memref<1x10000xf32, #tpu.memory_space<hbm>> -> memref<10000xf32, #tpu.memory_space<hbm>>
    tpu.enqueue_dma source(%dma_start3A_70 : memref<10000xf32, #tpu.memory_space<hbm>>) target(%arg13 : memref<10000xf32, #tpu.memory_space<vmem>>) target_semaphore(%arg23 : memref<!tpu.dma_semaphore, #tpu.memory_space<semaphore_mem>>)
    %add3A_71 = arith.constant 3 : i32
    %add3A_72 = arith.addi %add3A_35, %add3A_71 : i32
    %dma_start3A_73 = arith.constant 0 : i32
    %dma_start3A_74 = tpu.memref_slice %arg2[%add3A_72, %dma_start3A_73] : memref<128x10000xf32, #tpu.memory_space<hbm>> -> memref<1x10000xf32, #tpu.memory_space<hbm>>
    %dma_start3A_75 = tpu.memref_squeeze %dma_start3A_74 : memref<1x10000xf32, #tpu.memory_space<hbm>> -> memref<10000xf32, #tpu.memory_space<hbm>>
    %dma_start3A_76 = arith.constant 0 : i32
    %dma_start3A_77 = tpu.memref_slice %arg2[%add3A_72, %dma_start3A_76] : memref<128x10000xf32, #tpu.memory_space<hbm>> -> memref<1x10000xf32, #tpu.memory_space<hbm>>
    %dma_start3A_78 = tpu.memref_squeeze %dma_start3A_77 : memref<1x10000xf32, #tpu.memory_space<hbm>> -> memref<10000xf32, #tpu.memory_space<hbm>>
    tpu.enqueue_dma source(%dma_start3A_78 : memref<10000xf32, #tpu.memory_space<hbm>>) target(%arg14 : memref<10000xf32, #tpu.memory_space<vmem>>) target_semaphore(%arg23 : memref<!tpu.dma_semaphore, #tpu.memory_space<semaphore_mem>>)
    %broadcast_in_dim3A = arith.constant 0.000000e+00 : f32
    %broadcast_in_dim3A_79 = vector.broadcast %broadcast_in_dim3A : f32 to vector<16xf32>
    %scan3A = arith.constant 0 : i32
    %scan3A_80 = arith.constant 0 : i32
    %scan3A_81 = arith.constant 625 : i32
    %scan3A_82 = arith.addi %scan3A_80, %scan3A_81 : i32
    %scan3A_83 = arith.constant 1 : i32
    scf.for %scan3A_177 = %scan3A_80 to %scan3A_82 step %scan3A_83  : i32 {
      %mul3A_178 = arith.constant 16 : i32
      %mul3A_179 = arith.muli %scan3A_177, %mul3A_178 : i32
      %swap3A = arith.index_cast %mul3A_179 : i32 to index
      %swap3A_180 = tpu.vector_load %arg10[%swap3A] {strides = array<i32>} : memref<10000xf32, #tpu.memory_space<vmem>>, vector<16xf32>,
      tpu.vector_store %arg10[%swap3A], %broadcast_in_dim3A_79 {strides = array<i32>} : memref<10000xf32, #tpu.memory_space<vmem>>, vector<16xf32>,
      %swap3A_181 = arith.index_cast %mul3A_179 : i32 to index
      %swap3A_182 = tpu.vector_load %arg15[%swap3A_181] {strides = array<i32>} : memref<10000xf32, #tpu.memory_space<vmem>>, vector<16xf32>,
      tpu.vector_store %arg15[%swap3A_181], %broadcast_in_dim3A_79 {strides = array<i32>} : memref<10000xf32, #tpu.memory_space<vmem>>, vector<16xf32>,
      %swap3A_183 = arith.index_cast %mul3A_179 : i32 to index
      %swap3A_184 = tpu.vector_load %arg16[%swap3A_183] {strides = array<i32>} : memref<10000xf32, #tpu.memory_space<vmem>>, vector<16xf32>,
      tpu.vector_store %arg16[%swap3A_183], %broadcast_in_dim3A_79 {strides = array<i32>} : memref<10000xf32, #tpu.memory_space<vmem>>, vector<16xf32>,
      %swap3A_185 = arith.index_cast %mul3A_179 : i32 to index
      %swap3A_186 = tpu.vector_load %arg17[%swap3A_185] {strides = array<i32>} : memref<10000xf32, #tpu.memory_space<vmem>>, vector<16xf32>,
      tpu.vector_store %arg17[%swap3A_185], %broadcast_in_dim3A_79 {strides = array<i32>} : memref<10000xf32, #tpu.memory_space<vmem>>, vector<16xf32>,
      %swap3A_187 = arith.index_cast %mul3A_179 : i32 to index
      %swap3A_188 = tpu.vector_load %arg18[%swap3A_187] {strides = array<i32>} : memref<10000xf32, #tpu.memory_space<vmem>>, vector<16xf32>,
      tpu.vector_store %arg18[%swap3A_187], %broadcast_in_dim3A_79 {strides = array<i32>} : memref<10000xf32, #tpu.memory_space<vmem>>, vector<16xf32>,
    }
    %scan3A_84 = arith.constant 625 : i32
    %dma_wait3A = arith.constant 0 : i32
    %dma_wait3A_85 = tpu.memref_slice %arg3[%select_n3A, %dma_wait3A] : memref<8x10000xf32, #tpu.memory_space<hbm>> -> memref<1x10000xf32, #tpu.memory_space<hbm>>
    %dma_wait3A_86 = tpu.memref_squeeze %dma_wait3A_85 : memref<1x10000xf32, #tpu.memory_space<hbm>> -> memref<10000xf32, #tpu.memory_space<hbm>>
    %dma_wait3A_87 = arith.constant 0 : i32
    %dma_wait3A_88 = tpu.memref_slice %arg3[%select_n3A, %dma_wait3A_87] : memref<8x10000xf32, #tpu.memory_space<hbm>> -> memref<1x10000xf32, #tpu.memory_space<hbm>>
    %dma_wait3A_89 = tpu.memref_squeeze %dma_wait3A_88 : memref<1x10000xf32, #tpu.memory_space<hbm>> -> memref<10000xf32, #tpu.memory_space<hbm>>
    tpu.wait_dma2 semaphore(%arg23 : memref<!tpu.dma_semaphore, #tpu.memory_space<semaphore_mem>>) src(%dma_wait3A_89 : memref<10000xf32, #tpu.memory_space<hbm>>) dst(%arg8 : memref<10000xf32, #tpu.memory_space<vmem>>)
    %dma_wait3A_90 = arith.constant 0 : i32
    %dma_wait3A_91 = tpu.memref_slice %arg4[%select_n3A, %dma_wait3A_90] : memref<8x10000xf32, #tpu.memory_space<hbm>> -> memref<1x10000xf32, #tpu.memory_space<hbm>>
    %dma_wait3A_92 = tpu.memref_squeeze %dma_wait3A_91 : memref<1x10000xf32, #tpu.memory_space<hbm>> -> memref<10000xf32, #tpu.memory_space<hbm>>
    %dma_wait3A_93 = arith.constant 0 : i32
    %dma_wait3A_94 = tpu.memref_slice %arg4[%select_n3A, %dma_wait3A_93] : memref<8x10000xf32, #tpu.memory_space<hbm>> -> memref<1x10000xf32, #tpu.memory_space<hbm>>
    %dma_wait3A_95 = tpu.memref_squeeze %dma_wait3A_94 : memref<1x10000xf32, #tpu.memory_space<hbm>> -> memref<10000xf32, #tpu.memory_space<hbm>>
    tpu.wait_dma2 semaphore(%arg23 : memref<!tpu.dma_semaphore, #tpu.memory_space<semaphore_mem>>) src(%dma_wait3A_95 : memref<10000xf32, #tpu.memory_space<hbm>>) dst(%arg9 : memref<10000xf32, #tpu.memory_space<vmem>>)
    %add3A_96 = arith.constant 0 : i32
    %add3A_97 = arith.addi %add3A_35, %add3A_96 : i32
    %dma_wait3A_98 = arith.constant 0 : i32
    %dma_wait3A_99 = tpu.memref_slice %arg2[%add3A_97, %dma_wait3A_98] : memref<128x10000xf32, #tpu.memory_space<hbm>> -> memref<1x10000xf32, #tpu.memory_space<hbm>>
    %dma_wait3A_100 = tpu.memref_squeeze %dma_wait3A_99 : memref<1x10000xf32, #tpu.memory_space<hbm>> -> memref<10000xf32, #tpu.memory_space<hbm>>
    %dma_wait3A_101 = arith.constant 0 : i32
    %dma_wait3A_102 = tpu.memref_slice %arg2[%add3A_97, %dma_wait3A_101] : memref<128x10000xf32, #tpu.memory_space<hbm>> -> memref<1x10000xf32, #tpu.memory_space<hbm>>
    %dma_wait3A_103 = tpu.memref_squeeze %dma_wait3A_102 : memref<1x10000xf32, #tpu.memory_space<hbm>> -> memref<10000xf32, #tpu.memory_space<hbm>>
    tpu.wait_dma2 semaphore(%arg23 : memref<!tpu.dma_semaphore, #tpu.memory_space<semaphore_mem>>) src(%dma_wait3A_103 : memref<10000xf32, #tpu.memory_space<hbm>>) dst(%arg11 : memref<10000xf32, #tpu.memory_space<vmem>>)
    %add3A_104 = arith.constant 1 : i32
    %add3A_105 = arith.addi %add3A_35, %add3A_104 : i32
    %dma_wait3A_106 = arith.constant 0 : i32
    %dma_wait3A_107 = tpu.memref_slice %arg2[%add3A_105, %dma_wait3A_106] : memref<128x10000xf32, #tpu.memory_space<hbm>> -> memref<1x10000xf32, #tpu.memory_space<hbm>>
    %dma_wait3A_108 = tpu.memref_squeeze %dma_wait3A_107 : memref<1x10000xf32, #tpu.memory_space<hbm>> -> memref<10000xf32, #tpu.memory_space<hbm>>
    %dma_wait3A_109 = arith.constant 0 : i32
    %dma_wait3A_110 = tpu.memref_slice %arg2[%add3A_105, %dma_wait3A_109] : memref<128x10000xf32, #tpu.memory_space<hbm>> -> memref<1x10000xf32, #tpu.memory_space<hbm>>
    %dma_wait3A_111 = tpu.memref_squeeze %dma_wait3A_110 : memref<1x10000xf32, #tpu.memory_space<hbm>> -> memref<10000xf32, #tpu.memory_space<hbm>>
    tpu.wait_dma2 semaphore(%arg23 : memref<!tpu.dma_semaphore, #tpu.memory_space<semaphore_mem>>) src(%dma_wait3A_111 : memref<10000xf32, #tpu.memory_space<hbm>>) dst(%arg12 : memref<10000xf32, #tpu.memory_space<vmem>>)
    %add3A_112 = arith.constant 2 : i32
    %add3A_113 = arith.addi %add3A_35, %add3A_112 : i32
    %dma_wait3A_114 = arith.constant 0 : i32
    %dma_wait3A_115 = tpu.memref_slice %arg2[%add3A_113, %dma_wait3A_114] : memref<128x10000xf32, #tpu.memory_space<hbm>> -> memref<1x10000xf32, #tpu.memory_space<hbm>>
    %dma_wait3A_116 = tpu.memref_squeeze %dma_wait3A_115 : memref<1x10000xf32, #tpu.memory_space<hbm>> -> memref<10000xf32, #tpu.memory_space<hbm>>
    %dma_wait3A_117 = arith.constant 0 : i32
    %dma_wait3A_118 = tpu.memref_slice %arg2[%add3A_113, %dma_wait3A_117] : memref<128x10000xf32, #tpu.memory_space<hbm>> -> memref<1x10000xf32, #tpu.memory_space<hbm>>
    %dma_wait3A_119 = tpu.memref_squeeze %dma_wait3A_118 : memref<1x10000xf32, #tpu.memory_space<hbm>> -> memref<10000xf32, #tpu.memory_space<hbm>>
    tpu.wait_dma2 semaphore(%arg23 : memref<!tpu.dma_semaphore, #tpu.memory_space<semaphore_mem>>) src(%dma_wait3A_119 : memref<10000xf32, #tpu.memory_space<hbm>>) dst(%arg13 : memref<10000xf32, #tpu.memory_space<vmem>>)
    %add3A_120 = arith.constant 3 : i32
    %add3A_121 = arith.addi %add3A_35, %add3A_120 : i32
    %dma_wait3A_122 = arith.constant 0 : i32
    %dma_wait3A_123 = tpu.memref_slice %arg2[%add3A_121, %dma_wait3A_122] : memref<128x10000xf32, #tpu.memory_space<hbm>> -> memref<1x10000xf32, #tpu.memory_space<hbm>>
    %dma_wait3A_124 = tpu.memref_squeeze %dma_wait3A_123 : memref<1x10000xf32, #tpu.memory_space<hbm>> -> memref<10000xf32, #tpu.memory_space<hbm>>
    %dma_wait3A_125 = arith.constant 0 : i32
    %dma_wait3A_126 = tpu.memref_slice %arg2[%add3A_121, %dma_wait3A_125] : memref<128x10000xf32, #tpu.memory_space<hbm>> -> memref<1x10000xf32, #tpu.memory_space<hbm>>
    %dma_wait3A_127 = tpu.memref_squeeze %dma_wait3A_126 : memref<1x10000xf32, #tpu.memory_space<hbm>> -> memref<10000xf32, #tpu.memory_space<hbm>>
    tpu.wait_dma2 semaphore(%arg23 : memref<!tpu.dma_semaphore, #tpu.memory_space<semaphore_mem>>) src(%dma_wait3A_127 : memref<10000xf32, #tpu.memory_space<hbm>>) dst(%arg14 : memref<10000xf32, #tpu.memory_space<vmem>>)
    %dma_start3A_128 = arith.constant 0 : i32
    %dma_start3A_129 = tpu.memref_slice %arg5[%dma_start3A_128] : memref<640000xi32, #tpu.memory_space<hbm>> -> memref<3200xi32, #tpu.memory_space<hbm>>
    %dma_start3A_130 = arith.constant 0 : i32
    %dma_start3A_131 = tpu.memref_slice %arg5[%dma_start3A_130] : memref<640000xi32, #tpu.memory_space<hbm>> -> memref<3200xi32, #tpu.memory_space<hbm>>
    tpu.enqueue_dma source(%dma_start3A_131 : memref<3200xi32, #tpu.memory_space<hbm>>) target(%arg19 : memref<3200xi32, #tpu.memory_space<vmem>>) target_semaphore(%arg23 : memref<!tpu.dma_semaphore, #tpu.memory_space<semaphore_mem>>)
    %dma_start3A_132 = arith.constant 320000 : i32
    %dma_start3A_133 = tpu.memref_slice %arg5[%dma_start3A_132] : memref<640000xi32, #tpu.memory_space<hbm>> -> memref<3200xi32, #tpu.memory_space<hbm>>
    %dma_start3A_134 = arith.constant 320000 : i32
    %dma_start3A_135 = tpu.memref_slice %arg5[%dma_start3A_134] : memref<640000xi32, #tpu.memory_space<hbm>> -> memref<3200xi32, #tpu.memory_space<hbm>>
    tpu.enqueue_dma source(%dma_start3A_135 : memref<3200xi32, #tpu.memory_space<hbm>>) target(%arg20 : memref<3200xi32, #tpu.memory_space<vmem>>) target_semaphore(%arg23 : memref<!tpu.dma_semaphore, #tpu.memory_space<semaphore_mem>>)
    %dma_start3A_136 = arith.constant 3200 : i32
    %dma_start3A_137 = tpu.memref_slice %arg5[%dma_start3A_136] : memref<640000xi32, #tpu.memory_space<hbm>> -> memref<3200xi32, #tpu.memory_space<hbm>>
    %dma_start3A_138 = arith.constant 3200 : i32
    %dma_start3A_139 = tpu.memref_slice %arg5[%dma_start3A_138] : memref<640000xi32, #tpu.memory_space<hbm>> -> memref<3200xi32, #tpu.memory_space<hbm>>
    tpu.enqueue_dma source(%dma_start3A_139 : memref<3200xi32, #tpu.memory_space<hbm>>) target(%arg21 : memref<3200xi32, #tpu.memory_space<vmem>>) target_semaphore(%arg24 : memref<!tpu.dma_semaphore, #tpu.memory_space<semaphore_mem>>)
    %dma_start3A_140 = arith.constant 323200 : i32
    %dma_start3A_141 = tpu.memref_slice %arg5[%dma_start3A_140] : memref<640000xi32, #tpu.memory_space<hbm>> -> memref<3200xi32, #tpu.memory_space<hbm>>
    %dma_start3A_142 = arith.constant 323200 : i32
    %dma_start3A_143 = tpu.memref_slice %arg5[%dma_start3A_142] : memref<640000xi32, #tpu.memory_space<hbm>> -> memref<3200xi32, #tpu.memory_space<hbm>>
    tpu.enqueue_dma source(%dma_start3A_143 : memref<3200xi32, #tpu.memory_space<hbm>>) target(%arg22 : memref<3200xi32, #tpu.memory_space<vmem>>) target_semaphore(%arg24 : memref<!tpu.dma_semaphore, #tpu.memory_space<semaphore_mem>>)
    %scan3A_144 = arith.constant 0 : i32
    %scan3A_145 = arith.constant 0 : i32
    %scan3A_146 = arith.constant 50 : i32
    %scan3A_147 = arith.addi %scan3A_145, %scan3A_146 : i32
    %scan3A_148 = arith.constant 1 : i32
    scf.for %scan3A_177 = %scan3A_145 to %scan3A_147 step %scan3A_148  : i32 {
      %mul3A_178 = arith.constant 2 : i32
      %mul3A_179 = arith.muli %scan3A_177, %mul3A_178 : i32
      %add3A_180 = arith.constant 0 : i32
      %add3A_181 = arith.addi %mul3A_179, %add3A_180 : i32
      %dma_wait3A_182 = arith.constant 0 : i32
      %dma_wait3A_183 = tpu.memref_slice %arg5[%dma_wait3A_182] : memref<640000xi32, #tpu.memory_space<hbm>> -> memref<3200xi32, #tpu.memory_space<hbm>>
      %dma_wait3A_184 = arith.constant 0 : i32
      %dma_wait3A_185 = tpu.memref_slice %arg5[%dma_wait3A_184] : memref<640000xi32, #tpu.memory_space<hbm>> -> memref<3200xi32, #tpu.memory_space<hbm>>
      tpu.wait_dma2 semaphore(%arg23 : memref<!tpu.dma_semaphore, #tpu.memory_space<semaphore_mem>>) src(%dma_wait3A_185 : memref<3200xi32, #tpu.memory_space<hbm>>) dst(%arg19 : memref<3200xi32, #tpu.memory_space<vmem>>)
      %dma_wait3A_186 = arith.constant 0 : i32
      %dma_wait3A_187 = tpu.memref_slice %arg5[%dma_wait3A_186] : memref<640000xi32, #tpu.memory_space<hbm>> -> memref<3200xi32, #tpu.memory_space<hbm>>
      %dma_wait3A_188 = arith.constant 0 : i32
      %dma_wait3A_189 = tpu.memref_slice %arg5[%dma_wait3A_188] : memref<640000xi32, #tpu.memory_space<hbm>> -> memref<3200xi32, #tpu.memory_space<hbm>>
      tpu.wait_dma2 semaphore(%arg23 : memref<!tpu.dma_semaphore, #tpu.memory_space<semaphore_mem>>) src(%dma_wait3A_189 : memref<3200xi32, #tpu.memory_space<hbm>>) dst(%arg20 : memref<3200xi32, #tpu.memory_space<vmem>>)
      %parallel_loop3A = arith.constant 0 : i32
      %parallel_loop3A_190 = arith.constant 200 : i32
      %parallel_loop3A_191 = arith.constant 1 : i32
      scf.for %parallel_loop3A_221 = %parallel_loop3A to %parallel_loop3A_190 step %parallel_loop3A_191  : i32 {
        %parallel_loop3A_222 = arith.constant 16 : i32
        %parallel_loop3A_223 = arith.muli %parallel_loop3A_221, %parallel_loop3A_222 : i32
        %parallel_loop3A_224 = arith.index_cast %parallel_loop3A_223 : i32 to index
        %parallel_loop3A_225 = tpu.vector_load %arg19[%parallel_loop3A_224] {strides = array<i32>} : memref<3200xi32, #tpu.memory_space<vmem>>, vector<16xi32>,
        %parallel_loop3A_226 = arith.index_cast %parallel_loop3A_223 : i32 to index
        %parallel_loop3A_227 = tpu.vector_load %arg20[%parallel_loop3A_226] {strides = array<i32>} : memref<3200xi32, #tpu.memory_space<vmem>>, vector<16xi32>,
        %parallel_loop3A_228 = tpu.vector_load_idx %arg8[%parallel_loop3A_225] : memref<10000xf32, #tpu.memory_space<vmem>>[vector<16xi32>], vector<16xf32>,
        %parallel_loop3A_229 = tpu.vector_load_idx %arg9[%parallel_loop3A_227] : memref<10000xf32, #tpu.memory_space<vmem>>[vector<16xi32>], vector<16xf32>,
        %parallel_loop3A_230 = arith.addf %parallel_loop3A_228, %parallel_loop3A_229 : vector<16xf32>
        %parallel_loop3A_231 = arith.constant 2.000000e-01 : f32
        %parallel_loop3A_232 = vector.broadcast %parallel_loop3A_231 : f32 to vector<16xf32>
        %parallel_loop3A_233 = arith.mulf %parallel_loop3A_232, %parallel_loop3A_230 : vector<16xf32>
        %parallel_loop3A_234 = arith.maximumf %parallel_loop3A_230, %parallel_loop3A_233 : vector<16xf32>
        %parallel_loop3A_235 = math.exp %parallel_loop3A_234 : vector<16xf32>
        %parallel_loop3A_236 = tpu.vector_load_idx %arg11[%parallel_loop3A_225] : memref<10000xf32, #tpu.memory_space<vmem>>[vector<16xi32>], vector<16xf32>,
        %parallel_loop3A_237 = arith.mulf %parallel_loop3A_236, %parallel_loop3A_235 : vector<16xf32>
        %parallel_loop3A_238 = tpu.vector_load_idx %arg12[%parallel_loop3A_225] : memref<10000xf32, #tpu.memory_space<vmem>>[vector<16xi32>], vector<16xf32>,
        %parallel_loop3A_239 = arith.mulf %parallel_loop3A_238, %parallel_loop3A_235 : vector<16xf32>
        %parallel_loop3A_240 = tpu.vector_load_idx %arg13[%parallel_loop3A_225] : memref<10000xf32, #tpu.memory_space<vmem>>[vector<16xi32>], vector<16xf32>,
        %parallel_loop3A_241 = arith.mulf %parallel_loop3A_240, %parallel_loop3A_235 : vector<16xf32>
        %parallel_loop3A_242 = tpu.vector_load_idx %arg14[%parallel_loop3A_225] : memref<10000xf32, #tpu.memory_space<vmem>>[vector<16xi32>], vector<16xf32>,
        %parallel_loop3A_243 = arith.mulf %parallel_loop3A_242, %parallel_loop3A_235 : vector<16xf32>
        tpu.vector_store_idx %arg10[%parallel_loop3A_227], %parallel_loop3A_235 {add = true} : memref<10000xf32, #tpu.memory_space<vmem>>[vector<16xi32>], vector<16xf32>,
        tpu.vector_store_idx %arg15[%parallel_loop3A_227], %parallel_loop3A_237 {add = true} : memref<10000xf32, #tpu.memory_space<vmem>>[vector<16xi32>], vector<16xf32>,
        tpu.vector_store_idx %arg16[%parallel_loop3A_227], %parallel_loop3A_239 {add = true} : memref<10000xf32, #tpu.memory_space<vmem>>[vector<16xi32>], vector<16xf32>,
        tpu.vector_store_idx %arg17[%parallel_loop3A_227], %parallel_loop3A_241 {add = true} : memref<10000xf32, #tpu.memory_space<vmem>>[vector<16xi32>], vector<16xf32>,
        tpu.vector_store_idx %arg18[%parallel_loop3A_227], %parallel_loop3A_243 {add = true} : memref<10000xf32, #tpu.memory_space<vmem>>[vector<16xi32>], vector<16xf32>,
      } {sc.loop_unroll_factor = 4 : i64, sc.parallel_access}
      %add3A_192 = arith.constant 2 : i32
      %add3A_193 = arith.addi %add3A_181, %add3A_192 : i32
      %lt3A_194 = arith.constant 100 : i32
      %lt3A_195 = arith.cmpi slt, %add3A_193, %lt3A_194 : i32
      %convert_element_type3A_196 = arith.extui %lt3A_195 : i1 to i32
      %cond3A_197 = arith.constant 0 : i32
      %cond3A_198 = arith.cmpi ne, %convert_element_type3A_196, %cond3A_197 : i32
      scf.if %cond3A_198 {
        %add3A_221 = arith.constant 2 : i32
        %add3A_222 = arith.addi %add3A_181, %add3A_221 : i32
        %mul3A_223 = arith.constant 3200 : i32
        %mul3A_224 = arith.muli %add3A_222, %mul3A_223 : i32
        %dma_start3A_225 = tpu.memref_slice %arg5[%mul3A_224] : memref<640000xi32, #tpu.memory_space<hbm>> -> memref<3200xi32, #tpu.memory_space<hbm>>
        %dma_start3A_226 = tpu.memref_slice %arg5[%mul3A_224] : memref<640000xi32, #tpu.memory_space<hbm>> -> memref<3200xi32, #tpu.memory_space<hbm>>
        tpu.enqueue_dma source(%dma_start3A_226 : memref<3200xi32, #tpu.memory_space<hbm>>) target(%arg19 : memref<3200xi32, #tpu.memory_space<vmem>>) target_semaphore(%arg23 : memref<!tpu.dma_semaphore, #tpu.memory_space<semaphore_mem>>)
        %add3A_227 = arith.constant 320000 : i32
        %add3A_228 = arith.addi %add3A_227, %mul3A_224 : i32
        %dma_start3A_229 = tpu.memref_slice %arg5[%add3A_228] : memref<640000xi32, #tpu.memory_space<hbm>> -> memref<3200xi32, #tpu.memory_space<hbm>>
        %dma_start3A_230 = tpu.memref_slice %arg5[%add3A_228] : memref<640000xi32, #tpu.memory_space<hbm>> -> memref<3200xi32, #tpu.memory_space<hbm>>
        tpu.enqueue_dma source(%dma_start3A_230 : memref<3200xi32, #tpu.memory_space<hbm>>) target(%arg20 : memref<3200xi32, #tpu.memory_space<vmem>>) target_semaphore(%arg23 : memref<!tpu.dma_semaphore, #tpu.memory_space<semaphore_mem>>)
      } else {
      }
      %mul3A_199 = arith.constant 2 : i32
      %mul3A_200 = arith.muli %scan3A_177, %mul3A_199 : i32
      %add3A_201 = arith.constant 1 : i32
      %add3A_202 = arith.addi %mul3A_200, %add3A_201 : i32
      %dma_wait3A_203 = arith.constant 0 : i32
      %dma_wait3A_204 = tpu.memref_slice %arg5[%dma_wait3A_203] : memref<640000xi32, #tpu.memory_space<hbm>> -> memref<3200xi32, #tpu.memory_space<hbm>>
      %dma_wait3A_205 = arith.constant 0 : i32
      %dma_wait3A_206 = tpu.memref_slice %arg5[%dma_wait3A_205] : memref<640000xi32, #tpu.memory_space<hbm>> -> memref<3200xi32, #tpu.memory_space<hbm>>
      tpu.wait_dma2 semaphore(%arg24 : memref<!tpu.dma_semaphore, #tpu.memory_space<semaphore_mem>>) src(%dma_wait3A_206 : memref<3200xi32, #tpu.memory_space<hbm>>) dst(%arg21 : memref<3200xi32, #tpu.memory_space<vmem>>)
      %dma_wait3A_207 = arith.constant 0 : i32
      %dma_wait3A_208 = tpu.memref_slice %arg5[%dma_wait3A_207] : memref<640000xi32, #tpu.memory_space<hbm>> -> memref<3200xi32, #tpu.memory_space<hbm>>
      %dma_wait3A_209 = arith.constant 0 : i32
      %dma_wait3A_210 = tpu.memref_slice %arg5[%dma_wait3A_209] : memref<640000xi32, #tpu.memory_space<hbm>> -> memref<3200xi32, #tpu.memory_space<hbm>>
      tpu.wait_dma2 semaphore(%arg24 : memref<!tpu.dma_semaphore, #tpu.memory_space<semaphore_mem>>) src(%dma_wait3A_210 : memref<3200xi32, #tpu.memory_space<hbm>>) dst(%arg22 : memref<3200xi32, #tpu.memory_space<vmem>>)
      %parallel_loop3A_211 = arith.constant 0 : i32
      %parallel_loop3A_212 = arith.constant 200 : i32
      %parallel_loop3A_213 = arith.constant 1 : i32
      scf.for %parallel_loop3A_221 = %parallel_loop3A_211 to %parallel_loop3A_212 step %parallel_loop3A_213  : i32 {
        %parallel_loop3A_222 = arith.constant 16 : i32
        %parallel_loop3A_223 = arith.muli %parallel_loop3A_221, %parallel_loop3A_222 : i32
        %parallel_loop3A_224 = arith.index_cast %parallel_loop3A_223 : i32 to index
        %parallel_loop3A_225 = tpu.vector_load %arg21[%parallel_loop3A_224] {strides = array<i32>} : memref<3200xi32, #tpu.memory_space<vmem>>, vector<16xi32>,
        %parallel_loop3A_226 = arith.index_cast %parallel_loop3A_223 : i32 to index
        %parallel_loop3A_227 = tpu.vector_load %arg22[%parallel_loop3A_226] {strides = array<i32>} : memref<3200xi32, #tpu.memory_space<vmem>>, vector<16xi32>,
        %parallel_loop3A_228 = tpu.vector_load_idx %arg8[%parallel_loop3A_225] : memref<10000xf32, #tpu.memory_space<vmem>>[vector<16xi32>], vector<16xf32>,
        %parallel_loop3A_229 = tpu.vector_load_idx %arg9[%parallel_loop3A_227] : memref<10000xf32, #tpu.memory_space<vmem>>[vector<16xi32>], vector<16xf32>,
        %parallel_loop3A_230 = arith.addf %parallel_loop3A_228, %parallel_loop3A_229 : vector<16xf32>
        %parallel_loop3A_231 = arith.constant 2.000000e-01 : f32
        %parallel_loop3A_232 = vector.broadcast %parallel_loop3A_231 : f32 to vector<16xf32>
        %parallel_loop3A_233 = arith.mulf %parallel_loop3A_232, %parallel_loop3A_230 : vector<16xf32>
        %parallel_loop3A_234 = arith.maximumf %parallel_loop3A_230, %parallel_loop3A_233 : vector<16xf32>
        %parallel_loop3A_235 = math.exp %parallel_loop3A_234 : vector<16xf32>
        %parallel_loop3A_236 = tpu.vector_load_idx %arg11[%parallel_loop3A_225] : memref<10000xf32, #tpu.memory_space<vmem>>[vector<16xi32>], vector<16xf32>,
        %parallel_loop3A_237 = arith.mulf %parallel_loop3A_236, %parallel_loop3A_235 : vector<16xf32>
        %parallel_loop3A_238 = tpu.vector_load_idx %arg12[%parallel_loop3A_225] : memref<10000xf32, #tpu.memory_space<vmem>>[vector<16xi32>], vector<16xf32>,
        %parallel_loop3A_239 = arith.mulf %parallel_loop3A_238, %parallel_loop3A_235 : vector<16xf32>
        %parallel_loop3A_240 = tpu.vector_load_idx %arg13[%parallel_loop3A_225] : memref<10000xf32, #tpu.memory_space<vmem>>[vector<16xi32>], vector<16xf32>,
        %parallel_loop3A_241 = arith.mulf %parallel_loop3A_240, %parallel_loop3A_235 : vector<16xf32>
        %parallel_loop3A_242 = tpu.vector_load_idx %arg14[%parallel_loop3A_225] : memref<10000xf32, #tpu.memory_space<vmem>>[vector<16xi32>], vector<16xf32>,
        %parallel_loop3A_243 = arith.mulf %parallel_loop3A_242, %parallel_loop3A_235 : vector<16xf32>
        tpu.vector_store_idx %arg10[%parallel_loop3A_227], %parallel_loop3A_235 {add = true} : memref<10000xf32, #tpu.memory_space<vmem>>[vector<16xi32>], vector<16xf32>,
        tpu.vector_store_idx %arg15[%parallel_loop3A_227], %parallel_loop3A_237 {add = true} : memref<10000xf32, #tpu.memory_space<vmem>>[vector<16xi32>], vector<16xf32>,
        tpu.vector_store_idx %arg16[%parallel_loop3A_227], %parallel_loop3A_239 {add = true} : memref<10000xf32, #tpu.memory_space<vmem>>[vector<16xi32>], vector<16xf32>,
        tpu.vector_store_idx %arg17[%parallel_loop3A_227], %parallel_loop3A_241 {add = true} : memref<10000xf32, #tpu.memory_space<vmem>>[vector<16xi32>], vector<16xf32>,
        tpu.vector_store_idx %arg18[%parallel_loop3A_227], %parallel_loop3A_243 {add = true} : memref<10000xf32, #tpu.memory_space<vmem>>[vector<16xi32>], vector<16xf32>,
      } {sc.loop_unroll_factor = 4 : i64, sc.parallel_access}
      %add3A_214 = arith.constant 2 : i32
      %add3A_215 = arith.addi %add3A_202, %add3A_214 : i32
      %lt3A_216 = arith.constant 100 : i32
      %lt3A_217 = arith.cmpi slt, %add3A_215, %lt3A_216 : i32
      %convert_element_type3A_218 = arith.extui %lt3A_217 : i1 to i32
      %cond3A_219 = arith.constant 0 : i32
      %cond3A_220 = arith.cmpi ne, %convert_element_type3A_218, %cond3A_219 : i32
      scf.if %cond3A_220 {
        %add3A_221 = arith.constant 2 : i32
        %add3A_222 = arith.addi %add3A_202, %add3A_221 : i32
        %mul3A_223 = arith.constant 3200 : i32
        %mul3A_224 = arith.muli %add3A_222, %mul3A_223 : i32
        %dma_start3A_225 = tpu.memref_slice %arg5[%mul3A_224] : memref<640000xi32, #tpu.memory_space<hbm>> -> memref<3200xi32, #tpu.memory_space<hbm>>
        %dma_start3A_226 = tpu.memref_slice %arg5[%mul3A_224] : memref<640000xi32, #tpu.memory_space<hbm>> -> memref<3200xi32, #tpu.memory_space<hbm>>
        tpu.enqueue_dma source(%dma_start3A_226 : memref<3200xi32, #tpu.memory_space<hbm>>) target(%arg21 : memref<3200xi32, #tpu.memory_space<vmem>>) target_semaphore(%arg24 : memref<!tpu.dma_semaphore, #tpu.memory_space<semaphore_mem>>)
        %add3A_227 = arith.constant 320000 : i32
        %add3A_228 = arith.addi %add3A_227, %mul3A_224 : i32
        %dma_start3A_229 = tpu.memref_slice %arg5[%add3A_228] : memref<640000xi32, #tpu.memory_space<hbm>> -> memref<3200xi32, #tpu.memory_space<hbm>>
        %dma_start3A_230 = tpu.memref_slice %arg5[%add3A_228] : memref<640000xi32, #tpu.memory_space<hbm>> -> memref<3200xi32, #tpu.memory_space<hbm>>
        tpu.enqueue_dma source(%dma_start3A_230 : memref<3200xi32, #tpu.memory_space<hbm>>) target(%arg22 : memref<3200xi32, #tpu.memory_space<vmem>>) target_semaphore(%arg24 : memref<!tpu.dma_semaphore, #tpu.memory_space<semaphore_mem>>)
      } else {
      }
    }
    %scan3A_149 = arith.constant 50 : i32
    %add3A_150 = arith.constant 0 : i32
    %add3A_151 = arith.addi %add3A_35, %add3A_150 : i32
    "tpu.region"() ({
      %run_scoped3A = tpu.sem_alloc : memref<!tpu.dma_semaphore, #tpu.memory_space<semaphore_mem>>
      %dma_start3A_177 = arith.constant 0 : i32
      %dma_start3A_178 = tpu.memref_slice %arg6[%add3A_151, %dma_start3A_177] : memref<128x10000xf32, #tpu.memory_space<hbm>> -> memref<1x10000xf32, #tpu.memory_space<hbm>>
      %dma_start3A_179 = tpu.memref_squeeze %dma_start3A_178 : memref<1x10000xf32, #tpu.memory_space<hbm>> -> memref<10000xf32, #tpu.memory_space<hbm>>
      %dma_start3A_180 = arith.constant 0 : i32
      %dma_start3A_181 = tpu.memref_slice %arg6[%add3A_151, %dma_start3A_180] : memref<128x10000xf32, #tpu.memory_space<hbm>> -> memref<1x10000xf32, #tpu.memory_space<hbm>>
      %dma_start3A_182 = tpu.memref_squeeze %dma_start3A_181 : memref<1x10000xf32, #tpu.memory_space<hbm>> -> memref<10000xf32, #tpu.memory_space<hbm>>
      tpu.enqueue_dma source(%arg15 : memref<10000xf32, #tpu.memory_space<vmem>>) target(%dma_start3A_182 : memref<10000xf32, #tpu.memory_space<hbm>>) target_semaphore(%run_scoped3A : memref<!tpu.dma_semaphore, #tpu.memory_space<semaphore_mem>>)
      %dma_wait3A_183 = arith.constant 0 : i32
      %dma_wait3A_184 = tpu.memref_slice %arg6[%add3A_151, %dma_wait3A_183] : memref<128x10000xf32, #tpu.memory_space<hbm>> -> memref<1x10000xf32, #tpu.memory_space<hbm>>
      %dma_wait3A_185 = tpu.memref_squeeze %dma_wait3A_184 : memref<1x10000xf32, #tpu.memory_space<hbm>> -> memref<10000xf32, #tpu.memory_space<hbm>>
      %dma_wait3A_186 = arith.constant 0 : i32
      %dma_wait3A_187 = tpu.memref_slice %arg6[%add3A_151, %dma_wait3A_186] : memref<128x10000xf32, #tpu.memory_space<hbm>> -> memref<1x10000xf32, #tpu.memory_space<hbm>>
      %dma_wait3A_188 = tpu.memref_squeeze %dma_wait3A_187 : memref<1x10000xf32, #tpu.memory_space<hbm>> -> memref<10000xf32, #tpu.memory_space<hbm>>
      tpu.wait_dma2 semaphore(%run_scoped3A : memref<!tpu.dma_semaphore, #tpu.memory_space<semaphore_mem>>) src(%arg15 : memref<10000xf32, #tpu.memory_space<vmem>>) dst(%dma_wait3A_188 : memref<10000xf32, #tpu.memory_space<hbm>>)
      tpu.yield
    }) : () -> ()
    %add3A_152 = arith.constant 1 : i32
    %add3A_153 = arith.addi %add3A_35, %add3A_152 : i32
    "tpu.region"() ({
      %run_scoped3A = tpu.sem_alloc : memref<!tpu.dma_semaphore, #tpu.memory_space<semaphore_mem>>
      %dma_start3A_177 = arith.constant 0 : i32
      %dma_start3A_178 = tpu.memref_slice %arg6[%add3A_153, %dma_start3A_177] : memref<128x10000xf32, #tpu.memory_space<hbm>> -> memref<1x10000xf32, #tpu.memory_space<hbm>>
      %dma_start3A_179 = tpu.memref_squeeze %dma_start3A_178 : memref<1x10000xf32, #tpu.memory_space<hbm>> -> memref<10000xf32, #tpu.memory_space<hbm>>
      %dma_start3A_180 = arith.constant 0 : i32
      %dma_start3A_181 = tpu.memref_slice %arg6[%add3A_153, %dma_start3A_180] : memref<128x10000xf32, #tpu.memory_space<hbm>> -> memref<1x10000xf32, #tpu.memory_space<hbm>>
      %dma_start3A_182 = tpu.memref_squeeze %dma_start3A_181 : memref<1x10000xf32, #tpu.memory_space<hbm>> -> memref<10000xf32, #tpu.memory_space<hbm>>
      tpu.enqueue_dma source(%arg16 : memref<10000xf32, #tpu.memory_space<vmem>>) target(%dma_start3A_182 : memref<10000xf32, #tpu.memory_space<hbm>>) target_semaphore(%run_scoped3A : memref<!tpu.dma_semaphore, #tpu.memory_space<semaphore_mem>>)
      %dma_wait3A_183 = arith.constant 0 : i32
      %dma_wait3A_184 = tpu.memref_slice %arg6[%add3A_153, %dma_wait3A_183] : memref<128x10000xf32, #tpu.memory_space<hbm>> -> memref<1x10000xf32, #tpu.memory_space<hbm>>
      %dma_wait3A_185 = tpu.memref_squeeze %dma_wait3A_184 : memref<1x10000xf32, #tpu.memory_space<hbm>> -> memref<10000xf32, #tpu.memory_space<hbm>>
      %dma_wait3A_186 = arith.constant 0 : i32
      %dma_wait3A_187 = tpu.memref_slice %arg6[%add3A_153, %dma_wait3A_186] : memref<128x10000xf32, #tpu.memory_space<hbm>> -> memref<1x10000xf32, #tpu.memory_space<hbm>>
      %dma_wait3A_188 = tpu.memref_squeeze %dma_wait3A_187 : memref<1x10000xf32, #tpu.memory_space<hbm>> -> memref<10000xf32, #tpu.memory_space<hbm>>
      tpu.wait_dma2 semaphore(%run_scoped3A : memref<!tpu.dma_semaphore, #tpu.memory_space<semaphore_mem>>) src(%arg16 : memref<10000xf32, #tpu.memory_space<vmem>>) dst(%dma_wait3A_188 : memref<10000xf32, #tpu.memory_space<hbm>>)
      tpu.yield
    }) : () -> ()
    %add3A_154 = arith.constant 2 : i32
    %add3A_155 = arith.addi %add3A_35, %add3A_154 : i32
    "tpu.region"() ({
      %run_scoped3A = tpu.sem_alloc : memref<!tpu.dma_semaphore, #tpu.memory_space<semaphore_mem>>
      %dma_start3A_177 = arith.constant 0 : i32
      %dma_start3A_178 = tpu.memref_slice %arg6[%add3A_155, %dma_start3A_177] : memref<128x10000xf32, #tpu.memory_space<hbm>> -> memref<1x10000xf32, #tpu.memory_space<hbm>>
      %dma_start3A_179 = tpu.memref_squeeze %dma_start3A_178 : memref<1x10000xf32, #tpu.memory_space<hbm>> -> memref<10000xf32, #tpu.memory_space<hbm>>
      %dma_start3A_180 = arith.constant 0 : i32
      %dma_start3A_181 = tpu.memref_slice %arg6[%add3A_155, %dma_start3A_180] : memref<128x10000xf32, #tpu.memory_space<hbm>> -> memref<1x10000xf32, #tpu.memory_space<hbm>>
      %dma_start3A_182 = tpu.memref_squeeze %dma_start3A_181 : memref<1x10000xf32, #tpu.memory_space<hbm>> -> memref<10000xf32, #tpu.memory_space<hbm>>
      tpu.enqueue_dma source(%arg17 : memref<10000xf32, #tpu.memory_space<vmem>>) target(%dma_start3A_182 : memref<10000xf32, #tpu.memory_space<hbm>>) target_semaphore(%run_scoped3A : memref<!tpu.dma_semaphore, #tpu.memory_space<semaphore_mem>>)
      %dma_wait3A_183 = arith.constant 0 : i32
      %dma_wait3A_184 = tpu.memref_slice %arg6[%add3A_155, %dma_wait3A_183] : memref<128x10000xf32, #tpu.memory_space<hbm>> -> memref<1x10000xf32, #tpu.memory_space<hbm>>
      %dma_wait3A_185 = tpu.memref_squeeze %dma_wait3A_184 : memref<1x10000xf32, #tpu.memory_space<hbm>> -> memref<10000xf32, #tpu.memory_space<hbm>>
      %dma_wait3A_186 = arith.constant 0 : i32
      %dma_wait3A_187 = tpu.memref_slice %arg6[%add3A_155, %dma_wait3A_186] : memref<128x10000xf32, #tpu.memory_space<hbm>> -> memref<1x10000xf32, #tpu.memory_space<hbm>>
      %dma_wait3A_188 = tpu.memref_squeeze %dma_wait3A_187 : memref<1x10000xf32, #tpu.memory_space<hbm>> -> memref<10000xf32, #tpu.memory_space<hbm>>
      tpu.wait_dma2 semaphore(%run_scoped3A : memref<!tpu.dma_semaphore, #tpu.memory_space<semaphore_mem>>) src(%arg17 : memref<10000xf32, #tpu.memory_space<vmem>>) dst(%dma_wait3A_188 : memref<10000xf32, #tpu.memory_space<hbm>>)
      tpu.yield
    }) : () -> ()
    %add3A_156 = arith.constant 3 : i32
    %add3A_157 = arith.addi %add3A_35, %add3A_156 : i32
    "tpu.region"() ({
      %run_scoped3A = tpu.sem_alloc : memref<!tpu.dma_semaphore, #tpu.memory_space<semaphore_mem>>
      %dma_start3A_177 = arith.constant 0 : i32
      %dma_start3A_178 = tpu.memref_slice %arg6[%add3A_157, %dma_start3A_177] : memref<128x10000xf32, #tpu.memory_space<hbm>> -> memref<1x10000xf32, #tpu.memory_space<hbm>>
      %dma_start3A_179 = tpu.memref_squeeze %dma_start3A_178 : memref<1x10000xf32, #tpu.memory_space<hbm>> -> memref<10000xf32, #tpu.memory_space<hbm>>
      %dma_start3A_180 = arith.constant 0 : i32
      %dma_start3A_181 = tpu.memref_slice %arg6[%add3A_157, %dma_start3A_180] : memref<128x10000xf32, #tpu.memory_space<hbm>> -> memref<1x10000xf32, #tpu.memory_space<hbm>>
      %dma_start3A_182 = tpu.memref_squeeze %dma_start3A_181 : memref<1x10000xf32, #tpu.memory_space<hbm>> -> memref<10000xf32, #tpu.memory_space<hbm>>
      tpu.enqueue_dma source(%arg18 : memref<10000xf32, #tpu.memory_space<vmem>>) target(%dma_start3A_182 : memref<10000xf32, #tpu.memory_space<hbm>>) target_semaphore(%run_scoped3A : memref<!tpu.dma_semaphore, #tpu.memory_space<semaphore_mem>>)
      %dma_wait3A_183 = arith.constant 0 : i32
      %dma_wait3A_184 = tpu.memref_slice %arg6[%add3A_157, %dma_wait3A_183] : memref<128x10000xf32, #tpu.memory_space<hbm>> -> memref<1x10000xf32, #tpu.memory_space<hbm>>
      %dma_wait3A_185 = tpu.memref_squeeze %dma_wait3A_184 : memref<1x10000xf32, #tpu.memory_space<hbm>> -> memref<10000xf32, #tpu.memory_space<hbm>>
      %dma_wait3A_186 = arith.constant 0 : i32
      %dma_wait3A_187 = tpu.memref_slice %arg6[%add3A_157, %dma_wait3A_186] : memref<128x10000xf32, #tpu.memory_space<hbm>> -> memref<1x10000xf32, #tpu.memory_space<hbm>>
      %dma_wait3A_188 = tpu.memref_squeeze %dma_wait3A_187 : memref<1x10000xf32, #tpu.memory_space<hbm>> -> memref<10000xf32, #tpu.memory_space<hbm>>
      tpu.wait_dma2 semaphore(%run_scoped3A : memref<!tpu.dma_semaphore, #tpu.memory_space<semaphore_mem>>) src(%arg18 : memref<10000xf32, #tpu.memory_space<vmem>>) dst(%dma_wait3A_188 : memref<10000xf32, #tpu.memory_space<hbm>>)
      tpu.yield
    }) : () -> ()
    %jit3A_158 = arith.constant 4 : i32
    %eq3A_159 = arith.constant 0 : i32
    %eq3A_160 = arith.cmpi eq, %jit3A_158, %eq3A_159 : i32
    %jit3A_161 = arith.constant 1 : i32
    %select_n3A_162 = arith.select %eq3A_160, %jit3A_161, %jit3A_158 : i32
    %rem3A_163 = arith.remsi %add3A, %select_n3A_162 : i32
    %ne3A_164 = arith.constant 0 : i32
    %ne3A_165 = arith.cmpi ne, %rem3A_163, %ne3A_164 : i32
    %lt3A_166 = arith.constant 0 : i32
    %lt3A_167 = arith.cmpi slt, %rem3A_163, %lt3A_166 : i32
    %lt3A_168 = arith.constant 0 : i32
    %lt3A_169 = arith.cmpi slt, %select_n3A_162, %lt3A_168 : i32
    %ne3A_170 = arith.xori %lt3A_167, %lt3A_169 : i1
    %and3A_171 = arith.andi %ne3A_170, %ne3A_165 : i1
    %add3A_172 = arith.addi %rem3A_163, %select_n3A_162 : i32
    %select_n3A_173 = arith.select %and3A_171, %add3A_172, %rem3A_163 : i32
    %eq3A_174 = arith.constant 0 : i32
    %eq3A_175 = arith.cmpi eq, %select_n3A_173, %eq3A_174 : i32
    %convert_element_type3A = arith.extui %eq3A_175 : i1 to i32
    %cond3A = arith.constant 0 : i32
    %cond3A_176 = arith.cmpi ne, %convert_element_type3A, %cond3A : i32
    scf.if %cond3A_176 {
      "tpu.region"() ({
        %run_scoped3A = tpu.sem_alloc : memref<!tpu.dma_semaphore, #tpu.memory_space<semaphore_mem>>
        %dma_start3A_177 = arith.constant 0 : i32
        %dma_start3A_178 = tpu.memref_slice %arg7[%select_n3A, %dma_start3A_177] : memref<8x10000xf32, #tpu.memory_space<hbm>> -> memref<1x10000xf32, #tpu.memory_space<hbm>>
        %dma_start3A_179 = tpu.memref_squeeze %dma_start3A_178 : memref<1x10000xf32, #tpu.memory_space<hbm>> -> memref<10000xf32, #tpu.memory_space<hbm>>
        %dma_start3A_180 = arith.constant 0 : i32
        %dma_start3A_181 = tpu.memref_slice %arg7[%select_n3A, %dma_start3A_180] : memref<8x10000xf32, #tpu.memory_space<hbm>> -> memref<1x10000xf32, #tpu.memory_space<hbm>>
        %dma_start3A_182 = tpu.memref_squeeze %dma_start3A_181 : memref<1x10000xf32, #tpu.memory_space<hbm>> -> memref<10000xf32, #tpu.memory_space<hbm>>
        tpu.enqueue_dma source(%arg10 : memref<10000xf32, #tpu.memory_space<vmem>>) target(%dma_start3A_182 : memref<10000xf32, #tpu.memory_space<hbm>>) target_semaphore(%run_scoped3A : memref<!tpu.dma_semaphore, #tpu.memory_space<semaphore_mem>>)
        %dma_wait3A_183 = arith.constant 0 : i32
        %dma_wait3A_184 = tpu.memref_slice %arg7[%select_n3A, %dma_wait3A_183] : memref<8x10000xf32, #tpu.memory_space<hbm>> -> memref<1x10000xf32, #tpu.memory_space<hbm>>
        %dma_wait3A_185 = tpu.memref_squeeze %dma_wait3A_184 : memref<1x10000xf32, #tpu.memory_space<hbm>> -> memref<10000xf32, #tpu.memory_space<hbm>>
        %dma_wait3A_186 = arith.constant 0 : i32
        %dma_wait3A_187 = tpu.memref_slice %arg7[%select_n3A, %dma_wait3A_186] : memref<8x10000xf32, #tpu.memory_space<hbm>> -> memref<1x10000xf32, #tpu.memory_space<hbm>>
        %dma_wait3A_188 = tpu.memref_squeeze %dma_wait3A_187 : memref<1x10000xf32, #tpu.memory_space<hbm>> -> memref<10000xf32, #tpu.memory_space<hbm>>
        tpu.wait_dma2 semaphore(%run_scoped3A : memref<!tpu.dma_semaphore, #tpu.memory_space<semaphore_mem>>) src(%arg10 : memref<10000xf32, #tpu.memory_space<vmem>>) dst(%dma_wait3A_188 : memref<10000xf32, #tpu.memory_space<hbm>>)
        tpu.yield
      }) : () -> ()
    } else {
    }
    return
  }
}

module attributes {stable_mosaic.version = 14 : i64} {
  func.func @_pre1_body(%arg0: memref<10000x128xf32, #tpu.memory_space<vmem>>, %arg1: memref<128x128xf32, #tpu.memory_space<vmem>>, %arg2: memref<8x128xf32, #tpu.memory_space<vmem>>, %arg3: memref<8x128xf32, #tpu.memory_space<vmem>>, %arg4: memref<128x10000xf32, #tpu.memory_space<vmem>>, %arg5: memref<8x10000xf32, #tpu.memory_space<vmem>>, %arg6: memref<8x10000xf32, #tpu.memory_space<vmem>>) attributes {dimension_semantics = [], scalar_prefetch = 0 : i64, scratch_operands = 0 : i64, tpu.core_type = #tpu.core_type<tc>} {
    %get3A = arith.constant 0 : index
    %get3A_0 = arith.constant 0 : index
    %get3A_1 = vector.load %arg0[%get3A, %get3A_0] : memref<10000x128xf32, #tpu.memory_space<vmem>>, vector<10000x128xf32>
    %get3A_2 = arith.constant 0 : index
    %get3A_3 = arith.constant 0 : index
    %get3A_4 = vector.load %arg1[%get3A_2, %get3A_3] : memref<128x128xf32, #tpu.memory_space<vmem>>, vector<128x128xf32>
    %dot_general3A = arith.constant dense<0.000000e+00> : vector<10000x128xf32>
    %dot_general3A_5 = tpu.matmul %get3A_1, %get3A_4, %dot_general3A {dimension_numbers = #tpu.dot_dimension_numbers<[1], [0], [0], [1], [0, 0, 1, 1], [], []>, transpose_lhs_hint = false} : vector<10000x128xf32>, vector<128x128xf32>, vector<10000x128xf32> -> vector<10000x128xf32>
    %transpose3A = tpu.transpose %dot_general3A_5, [1, 0] : vector<10000x128xf32> -> vector<128x10000xf32>
    %swap3A = arith.constant 0 : index
    %swap3A_6 = arith.constant 0 : index
    %swap3A_7 = vector.load %arg4[%swap3A, %swap3A_6] : memref<128x10000xf32, #tpu.memory_space<vmem>>, vector<128x10000xf32>
    tpu.vector_store %arg4[%swap3A, %swap3A_6], %transpose3A {strides = array<i32>} : memref<128x10000xf32, #tpu.memory_space<vmem>>, vector<128x10000xf32>,
    %get3A_8 = arith.constant 0 : index
    %get3A_9 = arith.constant 0 : index
    %get3A_10 = vector.load %arg2[%get3A_8, %get3A_9] : memref<8x128xf32, #tpu.memory_space<vmem>>, vector<8x128xf32>
    %dot_general3A_11 = arith.constant dense<0.000000e+00> : vector<8x10000xf32>
    %dot_general3A_12 = tpu.matmul %get3A_10, %transpose3A, %dot_general3A_11 {dimension_numbers = #tpu.dot_dimension_numbers<[1], [0], [0], [1], [0, 0, 1, 1], [], []>, transpose_lhs_hint = false} : vector<8x128xf32>, vector<128x10000xf32>, vector<8x10000xf32> -> vector<8x10000xf32>
    %swap3A_13 = arith.constant 0 : index
    %swap3A_14 = arith.constant 0 : index
    %swap3A_15 = vector.load %arg5[%swap3A_13, %swap3A_14] : memref<8x10000xf32, #tpu.memory_space<vmem>>, vector<8x10000xf32>
    tpu.vector_store %arg5[%swap3A_13, %swap3A_14], %dot_general3A_12 {strides = array<i32>} : memref<8x10000xf32, #tpu.memory_space<vmem>>, vector<8x10000xf32>,
    %get3A_16 = arith.constant 0 : index
    %get3A_17 = arith.constant 0 : index
    %get3A_18 = vector.load %arg3[%get3A_16, %get3A_17] : memref<8x128xf32, #tpu.memory_space<vmem>>, vector<8x128xf32>
    %dot_general3A_19 = arith.constant dense<0.000000e+00> : vector<8x10000xf32>
    %dot_general3A_20 = tpu.matmul %get3A_18, %transpose3A, %dot_general3A_19 {dimension_numbers = #tpu.dot_dimension_numbers<[1], [0], [0], [1], [0, 0, 1, 1], [], []>, transpose_lhs_hint = false} : vector<8x128xf32>, vector<128x10000xf32>, vector<8x10000xf32> -> vector<8x10000xf32>
    %swap3A_21 = arith.constant 0 : index
    %swap3A_22 = arith.constant 0 : index
    %swap3A_23 = vector.load %arg6[%swap3A_21, %swap3A_22] : memref<8x10000xf32, #tpu.memory_space<vmem>>, vector<8x10000xf32>
    tpu.vector_store %arg6[%swap3A_21, %swap3A_22], %dot_general3A_20 {strides = array<i32>} : memref<8x10000xf32, #tpu.memory_space<vmem>>, vector<8x10000xf32>,
    return
  }
}

module attributes {stable_mosaic.version = 14 : i64} {
  func.func @_post_final_body(%arg0: memref<128x10000xf32, #tpu.memory_space<vmem>>, %arg1: memref<8x10000xf32, #tpu.memory_space<vmem>>, %arg2: memref<128x1xf32, #tpu.memory_space<vmem>>, %arg3: memref<128x1xf32, #tpu.memory_space<vmem>>, %arg4: memref<128x1xf32, #tpu.memory_space<vmem>>, %arg5: memref<10000x128xf32, #tpu.memory_space<vmem>>) attributes {dimension_semantics = [], scalar_prefetch = 0 : i64, scratch_operands = 0 : i64, tpu.core_type = #tpu.core_type<tc>} {
    %get3A = arith.constant 0 : index
    %get3A_0 = arith.constant 0 : index
    %get3A_1 = vector.load %arg0[%get3A, %get3A_0] : memref<128x10000xf32, #tpu.memory_space<vmem>>, vector<16x10000xf32>
    %get3A_2 = arith.constant 0 : index
    %get3A_3 = arith.constant 0 : index
    %get3A_4 = vector.load %arg1[%get3A_2, %get3A_3] : memref<8x10000xf32, #tpu.memory_space<vmem>>, vector<1x10000xf32>
    %add3A = arith.constant 1.000000e-16 : f32
    %add3A_5 = vector.broadcast %add3A : f32 to vector<1x10000xf32>
    %add3A_6 = arith.addf %get3A_4, %add3A_5 : vector<1x10000xf32>
    %div3A = vector.broadcast %add3A_6 : vector<1x10000xf32> to vector<16x10000xf32>
    %div3A_7 = arith.divf %get3A_1, %div3A : vector<16x10000xf32>
    %get3A_8 = arith.constant 16 : index
    %get3A_9 = arith.constant 0 : index
    %get3A_10 = vector.load %arg0[%get3A_8, %get3A_9] : memref<128x10000xf32, #tpu.memory_space<vmem>>, vector<16x10000xf32>
    %get3A_11 = arith.constant 1 : index
    %get3A_12 = arith.constant 0 : index
    %get3A_13 = vector.load %arg1[%get3A_11, %get3A_12] : memref<8x10000xf32, #tpu.memory_space<vmem>>, vector<1x10000xf32>
    %add3A_14 = arith.constant 1.000000e-16 : f32
    %add3A_15 = vector.broadcast %add3A_14 : f32 to vector<1x10000xf32>
    %add3A_16 = arith.addf %get3A_13, %add3A_15 : vector<1x10000xf32>
    %div3A_17 = vector.broadcast %add3A_16 : vector<1x10000xf32> to vector<16x10000xf32>
    %div3A_18 = arith.divf %get3A_10, %div3A_17 : vector<16x10000xf32>
    %get3A_19 = arith.constant 32 : index
    %get3A_20 = arith.constant 0 : index
    %get3A_21 = vector.load %arg0[%get3A_19, %get3A_20] : memref<128x10000xf32, #tpu.memory_space<vmem>>, vector<16x10000xf32>
    %get3A_22 = arith.constant 2 : index
    %get3A_23 = arith.constant 0 : index
    %get3A_24 = vector.load %arg1[%get3A_22, %get3A_23] : memref<8x10000xf32, #tpu.memory_space<vmem>>, vector<1x10000xf32>
    %add3A_25 = arith.constant 1.000000e-16 : f32
    %add3A_26 = vector.broadcast %add3A_25 : f32 to vector<1x10000xf32>
    %add3A_27 = arith.addf %get3A_24, %add3A_26 : vector<1x10000xf32>
    %div3A_28 = vector.broadcast %add3A_27 : vector<1x10000xf32> to vector<16x10000xf32>
    %div3A_29 = arith.divf %get3A_21, %div3A_28 : vector<16x10000xf32>
    %get3A_30 = arith.constant 48 : index
    %get3A_31 = arith.constant 0 : index
    %get3A_32 = vector.load %arg0[%get3A_30, %get3A_31] : memref<128x10000xf32, #tpu.memory_space<vmem>>, vector<16x10000xf32>
    %get3A_33 = arith.constant 3 : index
    %get3A_34 = arith.constant 0 : index
    %get3A_35 = vector.load %arg1[%get3A_33, %get3A_34] : memref<8x10000xf32, #tpu.memory_space<vmem>>, vector<1x10000xf32>
    %add3A_36 = arith.constant 1.000000e-16 : f32
    %add3A_37 = vector.broadcast %add3A_36 : f32 to vector<1x10000xf32>
    %add3A_38 = arith.addf %get3A_35, %add3A_37 : vector<1x10000xf32>
    %div3A_39 = vector.broadcast %add3A_38 : vector<1x10000xf32> to vector<16x10000xf32>
    %div3A_40 = arith.divf %get3A_32, %div3A_39 : vector<16x10000xf32>
    %get3A_41 = arith.constant 64 : index
    %get3A_42 = arith.constant 0 : index
    %get3A_43 = vector.load %arg0[%get3A_41, %get3A_42] : memref<128x10000xf32, #tpu.memory_space<vmem>>, vector<16x10000xf32>
    %get3A_44 = arith.constant 4 : index
    %get3A_45 = arith.constant 0 : index
    %get3A_46 = vector.load %arg1[%get3A_44, %get3A_45] : memref<8x10000xf32, #tpu.memory_space<vmem>>, vector<1x10000xf32>
    %add3A_47 = arith.constant 1.000000e-16 : f32
    %add3A_48 = vector.broadcast %add3A_47 : f32 to vector<1x10000xf32>
    %add3A_49 = arith.addf %get3A_46, %add3A_48 : vector<1x10000xf32>
    %div3A_50 = vector.broadcast %add3A_49 : vector<1x10000xf32> to vector<16x10000xf32>
    %div3A_51 = arith.divf %get3A_43, %div3A_50 : vector<16x10000xf32>
    %get3A_52 = arith.constant 80 : index
    %get3A_53 = arith.constant 0 : index
    %get3A_54 = vector.load %arg0[%get3A_52, %get3A_53] : memref<128x10000xf32, #tpu.memory_space<vmem>>, vector<16x10000xf32>
    %get3A_55 = arith.constant 5 : index
    %get3A_56 = arith.constant 0 : index
    %get3A_57 = vector.load %arg1[%get3A_55, %get3A_56] : memref<8x10000xf32, #tpu.memory_space<vmem>>, vector<1x10000xf32>
    %add3A_58 = arith.constant 1.000000e-16 : f32
    %add3A_59 = vector.broadcast %add3A_58 : f32 to vector<1x10000xf32>
    %add3A_60 = arith.addf %get3A_57, %add3A_59 : vector<1x10000xf32>
    %div3A_61 = vector.broadcast %add3A_60 : vector<1x10000xf32> to vector<16x10000xf32>
    %div3A_62 = arith.divf %get3A_54, %div3A_61 : vector<16x10000xf32>
    %get3A_63 = arith.constant 96 : index
    %get3A_64 = arith.constant 0 : index
    %get3A_65 = vector.load %arg0[%get3A_63, %get3A_64] : memref<128x10000xf32, #tpu.memory_space<vmem>>, vector<16x10000xf32>
    %get3A_66 = arith.constant 6 : index
    %get3A_67 = arith.constant 0 : index
    %get3A_68 = vector.load %arg1[%get3A_66, %get3A_67] : memref<8x10000xf32, #tpu.memory_space<vmem>>, vector<1x10000xf32>
    %add3A_69 = arith.constant 1.000000e-16 : f32
    %add3A_70 = vector.broadcast %add3A_69 : f32 to vector<1x10000xf32>
    %add3A_71 = arith.addf %get3A_68, %add3A_70 : vector<1x10000xf32>
    %div3A_72 = vector.broadcast %add3A_71 : vector<1x10000xf32> to vector<16x10000xf32>
    %div3A_73 = arith.divf %get3A_65, %div3A_72 : vector<16x10000xf32>
    %get3A_74 = arith.constant 112 : index
    %get3A_75 = arith.constant 0 : index
    %get3A_76 = vector.load %arg0[%get3A_74, %get3A_75] : memref<128x10000xf32, #tpu.memory_space<vmem>>, vector<16x10000xf32>
    %get3A_77 = arith.constant 7 : index
    %get3A_78 = arith.constant 0 : index
    %get3A_79 = vector.load %arg1[%get3A_77, %get3A_78] : memref<8x10000xf32, #tpu.memory_space<vmem>>, vector<1x10000xf32>
    %add3A_80 = arith.constant 1.000000e-16 : f32
    %add3A_81 = vector.broadcast %add3A_80 : f32 to vector<1x10000xf32>
    %add3A_82 = arith.addf %get3A_79, %add3A_81 : vector<1x10000xf32>
    %div3A_83 = vector.broadcast %add3A_82 : vector<1x10000xf32> to vector<16x10000xf32>
    %div3A_84 = arith.divf %get3A_76, %div3A_83 : vector<16x10000xf32>
    %concatenate3A = tpu.concatenate %div3A_7, %div3A_18, %div3A_29, %div3A_40, %div3A_51, %div3A_62, %div3A_73, %div3A_84 in 0 : vector<16x10000xf32>, vector<16x10000xf32>, vector<16x10000xf32>, vector<16x10000xf32>, vector<16x10000xf32>, vector<16x10000xf32>, vector<16x10000xf32>, vector<16x10000xf32> -> vector<128x10000xf32>
    %get3A_85 = arith.constant 0 : index
    %get3A_86 = arith.constant 0 : index
    %get3A_87 = vector.load %arg2[%get3A_85, %get3A_86] : memref<128x1xf32, #tpu.memory_space<vmem>>, vector<128x1xf32>
    %add3A_88 = vector.broadcast %get3A_87 : vector<128x1xf32> to vector<128x10000xf32>
    %add3A_89 = arith.addf %concatenate3A, %add3A_88 : vector<128x10000xf32>
    %reduce_sum3A = arith.constant dense<0.000000e+00> : vector<128xf32>
    %reduce_sum3A_90 = vector.multi_reduction <add>, %add3A_89, %reduce_sum3A [1] : vector<128x10000xf32> to vector<128xf32>
    %broadcast_in_dim3A = vector.shape_cast %reduce_sum3A_90 : vector<128xf32> to vector<128x1xf32>
    %div3A_91 = arith.constant 1.000000e+04 : f32
    %div3A_92 = vector.broadcast %div3A_91 : f32 to vector<128x1xf32>
    %div3A_93 = arith.divf %broadcast_in_dim3A, %div3A_92 : vector<128x1xf32>
    %sub3A = vector.broadcast %div3A_93 : vector<128x1xf32> to vector<128x10000xf32>
    %sub3A_94 = arith.subf %add3A_89, %sub3A : vector<128x10000xf32>
    %mul3A = arith.mulf %sub3A_94, %sub3A_94 : vector<128x10000xf32>
    %reduce_sum3A_95 = arith.constant dense<0.000000e+00> : vector<128xf32>
    %reduce_sum3A_96 = vector.multi_reduction <add>, %mul3A, %reduce_sum3A_95 [1] : vector<128x10000xf32> to vector<128xf32>
    %broadcast_in_dim3A_97 = vector.shape_cast %reduce_sum3A_96 : vector<128xf32> to vector<128x1xf32>
    %div3A_98 = arith.constant 1.000000e+04 : f32
    %div3A_99 = vector.broadcast %div3A_98 : f32 to vector<128x1xf32>
    %div3A_100 = arith.divf %broadcast_in_dim3A_97, %div3A_99 : vector<128x1xf32>
    %add3A_101 = arith.constant 9.99999974E-6 : f32
    %add3A_102 = vector.broadcast %add3A_101 : f32 to vector<128x1xf32>
    %add3A_103 = arith.addf %div3A_100, %add3A_102 : vector<128x1xf32>
    %rsqrt3A = math.rsqrt %add3A_103 : vector<128x1xf32>
    %mul3A_104 = vector.broadcast %rsqrt3A : vector<128x1xf32> to vector<128x10000xf32>
    %mul3A_105 = arith.mulf %sub3A_94, %mul3A_104 : vector<128x10000xf32>
    %get3A_106 = arith.constant 0 : index
    %get3A_107 = arith.constant 0 : index
    %get3A_108 = vector.load %arg3[%get3A_106, %get3A_107] : memref<128x1xf32, #tpu.memory_space<vmem>>, vector<128x1xf32>
    %mul3A_109 = vector.broadcast %get3A_108 : vector<128x1xf32> to vector<128x10000xf32>
    %mul3A_110 = arith.mulf %mul3A_105, %mul3A_109 : vector<128x10000xf32>
    %get3A_111 = arith.constant 0 : index
    %get3A_112 = arith.constant 0 : index
    %get3A_113 = vector.load %arg4[%get3A_111, %get3A_112] : memref<128x1xf32, #tpu.memory_space<vmem>>, vector<128x1xf32>
    %add3A_114 = vector.broadcast %get3A_113 : vector<128x1xf32> to vector<128x10000xf32>
    %add3A_115 = arith.addf %mul3A_110, %add3A_114 : vector<128x10000xf32>
    %gt3A = arith.constant 0.000000e+00 : f32
    %gt3A_116 = vector.broadcast %gt3A : f32 to vector<128x10000xf32>
    %gt3A_117 = arith.cmpf ogt, %add3A_115, %gt3A_116 : vector<128x10000xf32>
    %exp3A = math.exp %add3A_115 : vector<128x10000xf32>
    %sub3A_118 = arith.constant 1.000000e+00 : f32
    %sub3A_119 = vector.broadcast %sub3A_118 : f32 to vector<128x10000xf32>
    %sub3A_120 = arith.subf %exp3A, %sub3A_119 : vector<128x10000xf32>
    %select_n3A = arith.select %gt3A_117, %add3A_115, %sub3A_120 : vector<128x10000xi1>, vector<128x10000xf32>
    %transpose3A = tpu.transpose %select_n3A, [1, 0] : vector<128x10000xf32> -> vector<10000x128xf32>
    %swap3A = arith.constant 0 : index
    %swap3A_121 = arith.constant 0 : index
    %swap3A_122 = vector.load %arg5[%swap3A, %swap3A_121] : memref<10000x128xf32, #tpu.memory_space<vmem>>, vector<10000x128xf32>
    tpu.vector_store %arg5[%swap3A, %swap3A_121], %transpose3A {strides = array<i32>} : memref<10000x128xf32, #tpu.memory_space<vmem>>, vector<10000x128xf32>,
    return
  }
}

module attributes {stable_mosaic.version = 14 : i64} {
  func.func @_postpre_body(%arg0: memref<128x10000xf32, #tpu.memory_space<vmem>>, %arg1: memref<8x10000xf32, #tpu.memory_space<vmem>>, %arg2: memref<128x1xf32, #tpu.memory_space<vmem>>, %arg3: memref<128x1xf32, #tpu.memory_space<vmem>>, %arg4: memref<128x1xf32, #tpu.memory_space<vmem>>, %arg5: memref<128x128xf32, #tpu.memory_space<vmem>>, %arg6: memref<8x128xf32, #tpu.memory_space<vmem>>, %arg7: memref<8x128xf32, #tpu.memory_space<vmem>>, %arg8: memref<128x10000xf32, #tpu.memory_space<vmem>>, %arg9: memref<8x10000xf32, #tpu.memory_space<vmem>>, %arg10: memref<8x10000xf32, #tpu.memory_space<vmem>>) attributes {dimension_semantics = [], scalar_prefetch = 0 : i64, scratch_operands = 0 : i64, tpu.core_type = #tpu.core_type<tc>} {
    %get3A = arith.constant 0 : index
    %get3A_0 = arith.constant 0 : index
    %get3A_1 = vector.load %arg0[%get3A, %get3A_0] : memref<128x10000xf32, #tpu.memory_space<vmem>>, vector<16x10000xf32>
    %get3A_2 = arith.constant 0 : index
    %get3A_3 = arith.constant 0 : index
    %get3A_4 = vector.load %arg1[%get3A_2, %get3A_3] : memref<8x10000xf32, #tpu.memory_space<vmem>>, vector<1x10000xf32>
    %add3A = arith.constant 1.000000e-16 : f32
    %add3A_5 = vector.broadcast %add3A : f32 to vector<1x10000xf32>
    %add3A_6 = arith.addf %get3A_4, %add3A_5 : vector<1x10000xf32>
    %div3A = vector.broadcast %add3A_6 : vector<1x10000xf32> to vector<16x10000xf32>
    %div3A_7 = arith.divf %get3A_1, %div3A : vector<16x10000xf32>
    %get3A_8 = arith.constant 16 : index
    %get3A_9 = arith.constant 0 : index
    %get3A_10 = vector.load %arg0[%get3A_8, %get3A_9] : memref<128x10000xf32, #tpu.memory_space<vmem>>, vector<16x10000xf32>
    %get3A_11 = arith.constant 1 : index
    %get3A_12 = arith.constant 0 : index
    %get3A_13 = vector.load %arg1[%get3A_11, %get3A_12] : memref<8x10000xf32, #tpu.memory_space<vmem>>, vector<1x10000xf32>
    %add3A_14 = arith.constant 1.000000e-16 : f32
    %add3A_15 = vector.broadcast %add3A_14 : f32 to vector<1x10000xf32>
    %add3A_16 = arith.addf %get3A_13, %add3A_15 : vector<1x10000xf32>
    %div3A_17 = vector.broadcast %add3A_16 : vector<1x10000xf32> to vector<16x10000xf32>
    %div3A_18 = arith.divf %get3A_10, %div3A_17 : vector<16x10000xf32>
    %get3A_19 = arith.constant 32 : index
    %get3A_20 = arith.constant 0 : index
    %get3A_21 = vector.load %arg0[%get3A_19, %get3A_20] : memref<128x10000xf32, #tpu.memory_space<vmem>>, vector<16x10000xf32>
    %get3A_22 = arith.constant 2 : index
    %get3A_23 = arith.constant 0 : index
    %get3A_24 = vector.load %arg1[%get3A_22, %get3A_23] : memref<8x10000xf32, #tpu.memory_space<vmem>>, vector<1x10000xf32>
    %add3A_25 = arith.constant 1.000000e-16 : f32
    %add3A_26 = vector.broadcast %add3A_25 : f32 to vector<1x10000xf32>
    %add3A_27 = arith.addf %get3A_24, %add3A_26 : vector<1x10000xf32>
    %div3A_28 = vector.broadcast %add3A_27 : vector<1x10000xf32> to vector<16x10000xf32>
    %div3A_29 = arith.divf %get3A_21, %div3A_28 : vector<16x10000xf32>
    %get3A_30 = arith.constant 48 : index
    %get3A_31 = arith.constant 0 : index
    %get3A_32 = vector.load %arg0[%get3A_30, %get3A_31] : memref<128x10000xf32, #tpu.memory_space<vmem>>, vector<16x10000xf32>
    %get3A_33 = arith.constant 3 : index
    %get3A_34 = arith.constant 0 : index
    %get3A_35 = vector.load %arg1[%get3A_33, %get3A_34] : memref<8x10000xf32, #tpu.memory_space<vmem>>, vector<1x10000xf32>
    %add3A_36 = arith.constant 1.000000e-16 : f32
    %add3A_37 = vector.broadcast %add3A_36 : f32 to vector<1x10000xf32>
    %add3A_38 = arith.addf %get3A_35, %add3A_37 : vector<1x10000xf32>
    %div3A_39 = vector.broadcast %add3A_38 : vector<1x10000xf32> to vector<16x10000xf32>
    %div3A_40 = arith.divf %get3A_32, %div3A_39 : vector<16x10000xf32>
    %get3A_41 = arith.constant 64 : index
    %get3A_42 = arith.constant 0 : index
    %get3A_43 = vector.load %arg0[%get3A_41, %get3A_42] : memref<128x10000xf32, #tpu.memory_space<vmem>>, vector<16x10000xf32>
    %get3A_44 = arith.constant 4 : index
    %get3A_45 = arith.constant 0 : index
    %get3A_46 = vector.load %arg1[%get3A_44, %get3A_45] : memref<8x10000xf32, #tpu.memory_space<vmem>>, vector<1x10000xf32>
    %add3A_47 = arith.constant 1.000000e-16 : f32
    %add3A_48 = vector.broadcast %add3A_47 : f32 to vector<1x10000xf32>
    %add3A_49 = arith.addf %get3A_46, %add3A_48 : vector<1x10000xf32>
    %div3A_50 = vector.broadcast %add3A_49 : vector<1x10000xf32> to vector<16x10000xf32>
    %div3A_51 = arith.divf %get3A_43, %div3A_50 : vector<16x10000xf32>
    %get3A_52 = arith.constant 80 : index
    %get3A_53 = arith.constant 0 : index
    %get3A_54 = vector.load %arg0[%get3A_52, %get3A_53] : memref<128x10000xf32, #tpu.memory_space<vmem>>, vector<16x10000xf32>
    %get3A_55 = arith.constant 5 : index
    %get3A_56 = arith.constant 0 : index
    %get3A_57 = vector.load %arg1[%get3A_55, %get3A_56] : memref<8x10000xf32, #tpu.memory_space<vmem>>, vector<1x10000xf32>
    %add3A_58 = arith.constant 1.000000e-16 : f32
    %add3A_59 = vector.broadcast %add3A_58 : f32 to vector<1x10000xf32>
    %add3A_60 = arith.addf %get3A_57, %add3A_59 : vector<1x10000xf32>
    %div3A_61 = vector.broadcast %add3A_60 : vector<1x10000xf32> to vector<16x10000xf32>
    %div3A_62 = arith.divf %get3A_54, %div3A_61 : vector<16x10000xf32>
    %get3A_63 = arith.constant 96 : index
    %get3A_64 = arith.constant 0 : index
    %get3A_65 = vector.load %arg0[%get3A_63, %get3A_64] : memref<128x10000xf32, #tpu.memory_space<vmem>>, vector<16x10000xf32>
    %get3A_66 = arith.constant 6 : index
    %get3A_67 = arith.constant 0 : index
    %get3A_68 = vector.load %arg1[%get3A_66, %get3A_67] : memref<8x10000xf32, #tpu.memory_space<vmem>>, vector<1x10000xf32>
    %add3A_69 = arith.constant 1.000000e-16 : f32
    %add3A_70 = vector.broadcast %add3A_69 : f32 to vector<1x10000xf32>
    %add3A_71 = arith.addf %get3A_68, %add3A_70 : vector<1x10000xf32>
    %div3A_72 = vector.broadcast %add3A_71 : vector<1x10000xf32> to vector<16x10000xf32>
    %div3A_73 = arith.divf %get3A_65, %div3A_72 : vector<16x10000xf32>
    %get3A_74 = arith.constant 112 : index
    %get3A_75 = arith.constant 0 : index
    %get3A_76 = vector.load %arg0[%get3A_74, %get3A_75] : memref<128x10000xf32, #tpu.memory_space<vmem>>, vector<16x10000xf32>
    %get3A_77 = arith.constant 7 : index
    %get3A_78 = arith.constant 0 : index
    %get3A_79 = vector.load %arg1[%get3A_77, %get3A_78] : memref<8x10000xf32, #tpu.memory_space<vmem>>, vector<1x10000xf32>
    %add3A_80 = arith.constant 1.000000e-16 : f32
    %add3A_81 = vector.broadcast %add3A_80 : f32 to vector<1x10000xf32>
    %add3A_82 = arith.addf %get3A_79, %add3A_81 : vector<1x10000xf32>
    %div3A_83 = vector.broadcast %add3A_82 : vector<1x10000xf32> to vector<16x10000xf32>
    %div3A_84 = arith.divf %get3A_76, %div3A_83 : vector<16x10000xf32>
    %concatenate3A = tpu.concatenate %div3A_7, %div3A_18, %div3A_29, %div3A_40, %div3A_51, %div3A_62, %div3A_73, %div3A_84 in 0 : vector<16x10000xf32>, vector<16x10000xf32>, vector<16x10000xf32>, vector<16x10000xf32>, vector<16x10000xf32>, vector<16x10000xf32>, vector<16x10000xf32>, vector<16x10000xf32> -> vector<128x10000xf32>
    %get3A_85 = arith.constant 0 : index
    %get3A_86 = arith.constant 0 : index
    %get3A_87 = vector.load %arg2[%get3A_85, %get3A_86] : memref<128x1xf32, #tpu.memory_space<vmem>>, vector<128x1xf32>
    %add3A_88 = vector.broadcast %get3A_87 : vector<128x1xf32> to vector<128x10000xf32>
    %add3A_89 = arith.addf %concatenate3A, %add3A_88 : vector<128x10000xf32>
    %reduce_sum3A = arith.constant dense<0.000000e+00> : vector<128xf32>
    %reduce_sum3A_90 = vector.multi_reduction <add>, %add3A_89, %reduce_sum3A [1] : vector<128x10000xf32> to vector<128xf32>
    %broadcast_in_dim3A = vector.shape_cast %reduce_sum3A_90 : vector<128xf32> to vector<128x1xf32>
    %div3A_91 = arith.constant 1.000000e+04 : f32
    %div3A_92 = vector.broadcast %div3A_91 : f32 to vector<128x1xf32>
    %div3A_93 = arith.divf %broadcast_in_dim3A, %div3A_92 : vector<128x1xf32>
    %sub3A = vector.broadcast %div3A_93 : vector<128x1xf32> to vector<128x10000xf32>
    %sub3A_94 = arith.subf %add3A_89, %sub3A : vector<128x10000xf32>
    %mul3A = arith.mulf %sub3A_94, %sub3A_94 : vector<128x10000xf32>
    %reduce_sum3A_95 = arith.constant dense<0.000000e+00> : vector<128xf32>
    %reduce_sum3A_96 = vector.multi_reduction <add>, %mul3A, %reduce_sum3A_95 [1] : vector<128x10000xf32> to vector<128xf32>
    %broadcast_in_dim3A_97 = vector.shape_cast %reduce_sum3A_96 : vector<128xf32> to vector<128x1xf32>
    %div3A_98 = arith.constant 1.000000e+04 : f32
    %div3A_99 = vector.broadcast %div3A_98 : f32 to vector<128x1xf32>
    %div3A_100 = arith.divf %broadcast_in_dim3A_97, %div3A_99 : vector<128x1xf32>
    %add3A_101 = arith.constant 9.99999974E-6 : f32
    %add3A_102 = vector.broadcast %add3A_101 : f32 to vector<128x1xf32>
    %add3A_103 = arith.addf %div3A_100, %add3A_102 : vector<128x1xf32>
    %rsqrt3A = math.rsqrt %add3A_103 : vector<128x1xf32>
    %mul3A_104 = vector.broadcast %rsqrt3A : vector<128x1xf32> to vector<128x10000xf32>
    %mul3A_105 = arith.mulf %sub3A_94, %mul3A_104 : vector<128x10000xf32>
    %get3A_106 = arith.constant 0 : index
    %get3A_107 = arith.constant 0 : index
    %get3A_108 = vector.load %arg3[%get3A_106, %get3A_107] : memref<128x1xf32, #tpu.memory_space<vmem>>, vector<128x1xf32>
    %mul3A_109 = vector.broadcast %get3A_108 : vector<128x1xf32> to vector<128x10000xf32>
    %mul3A_110 = arith.mulf %mul3A_105, %mul3A_109 : vector<128x10000xf32>
    %get3A_111 = arith.constant 0 : index
    %get3A_112 = arith.constant 0 : index
    %get3A_113 = vector.load %arg4[%get3A_111, %get3A_112] : memref<128x1xf32, #tpu.memory_space<vmem>>, vector<128x1xf32>
    %add3A_114 = vector.broadcast %get3A_113 : vector<128x1xf32> to vector<128x10000xf32>
    %add3A_115 = arith.addf %mul3A_110, %add3A_114 : vector<128x10000xf32>
    %gt3A = arith.constant 0.000000e+00 : f32
    %gt3A_116 = vector.broadcast %gt3A : f32 to vector<128x10000xf32>
    %gt3A_117 = arith.cmpf ogt, %add3A_115, %gt3A_116 : vector<128x10000xf32>
    %exp3A = math.exp %add3A_115 : vector<128x10000xf32>
    %sub3A_118 = arith.constant 1.000000e+00 : f32
    %sub3A_119 = vector.broadcast %sub3A_118 : f32 to vector<128x10000xf32>
    %sub3A_120 = arith.subf %exp3A, %sub3A_119 : vector<128x10000xf32>
    %select_n3A = arith.select %gt3A_117, %add3A_115, %sub3A_120 : vector<128x10000xi1>, vector<128x10000xf32>
    %get3A_121 = arith.constant 0 : index
    %get3A_122 = arith.constant 0 : index
    %get3A_123 = vector.load %arg5[%get3A_121, %get3A_122] : memref<128x128xf32, #tpu.memory_space<vmem>>, vector<128x128xf32>
    %dot_general3A = arith.constant dense<0.000000e+00> : vector<128x10000xf32>
    %dot_general3A_124 = tpu.matmul %get3A_123, %select_n3A, %dot_general3A {dimension_numbers = #tpu.dot_dimension_numbers<[1], [0], [0], [1], [0, 0, 1, 1], [], []>, transpose_lhs_hint = false} : vector<128x128xf32>, vector<128x10000xf32>, vector<128x10000xf32> -> vector<128x10000xf32>
    %swap3A = arith.constant 0 : index
    %swap3A_125 = arith.constant 0 : index
    %swap3A_126 = vector.load %arg8[%swap3A, %swap3A_125] : memref<128x10000xf32, #tpu.memory_space<vmem>>, vector<128x10000xf32>
    tpu.vector_store %arg8[%swap3A, %swap3A_125], %dot_general3A_124 {strides = array<i32>} : memref<128x10000xf32, #tpu.memory_space<vmem>>, vector<128x10000xf32>,
    %get3A_127 = arith.constant 0 : index
    %get3A_128 = arith.constant 0 : index
    %get3A_129 = vector.load %arg6[%get3A_127, %get3A_128] : memref<8x128xf32, #tpu.memory_space<vmem>>, vector<8x128xf32>
    %dot_general3A_130 = arith.constant dense<0.000000e+00> : vector<8x10000xf32>
    %dot_general3A_131 = tpu.matmul %get3A_129, %dot_general3A_124, %dot_general3A_130 {dimension_numbers = #tpu.dot_dimension_numbers<[1], [0], [0], [1], [0, 0, 1, 1], [], []>, transpose_lhs_hint = false} : vector<8x128xf32>, vector<128x10000xf32>, vector<8x10000xf32> -> vector<8x10000xf32>
    %swap3A_132 = arith.constant 0 : index
    %swap3A_133 = arith.constant 0 : index
    %swap3A_134 = vector.load %arg9[%swap3A_132, %swap3A_133] : memref<8x10000xf32, #tpu.memory_space<vmem>>, vector<8x10000xf32>
    tpu.vector_store %arg9[%swap3A_132, %swap3A_133], %dot_general3A_131 {strides = array<i32>} : memref<8x10000xf32, #tpu.memory_space<vmem>>, vector<8x10000xf32>,
    %get3A_135 = arith.constant 0 : index
    %get3A_136 = arith.constant 0 : index
    %get3A_137 = vector.load %arg7[%get3A_135, %get3A_136] : memref<8x128xf32, #tpu.memory_space<vmem>>, vector<8x128xf32>
    %dot_general3A_138 = arith.constant dense<0.000000e+00> : vector<8x10000xf32>
    %dot_general3A_139 = tpu.matmul %get3A_137, %dot_general3A_124, %dot_general3A_138 {dimension_numbers = #tpu.dot_dimension_numbers<[1], [0], [0], [1], [0, 0, 1, 1], [], []>, transpose_lhs_hint = false} : vector<8x128xf32>, vector<128x10000xf32>, vector<8x10000xf32> -> vector<8x10000xf32>
    %swap3A_140 = arith.constant 0 : index
    %swap3A_141 = arith.constant 0 : index
    %swap3A_142 = vector.load %arg10[%swap3A_140, %swap3A_141] : memref<8x10000xf32, #tpu.memory_space<vmem>>, vector<8x10000xf32>
    tpu.vector_store %arg10[%swap3A_140, %swap3A_141], %dot_general3A_139 {strides = array<i32>} : memref<8x10000xf32, #tpu.memory_space<vmem>>, vector<8x10000xf32>,
    return
  }
}

</mosaic_0001>

<sc_bundles>
// kernel: kernel.10.cloned.1.call-start
scs
__scs_entry_jumppad:
0x0: {  	(pc) =	sbr.rel $0x88, $3  }
0x1: {  	(tag) =	ssettag $0x0;
	lr =	simm.s32 $0x1  }
0x2: {  	[smem:$0x3F93] =	sst lr;
	_ =	strace $0xD0000000  }
0x3: {  	_ = 	snop  }
0x4: {  	_ = 	snop  }
0x5: {  	_ = 	snop  }
0x6: {  	_ = 	snop  }
0x7: {  	_ = 	snop  }
__scs_overlays_trampoline_lowered:
0x8: {  	[smem:$0x3FA2] =	sst s0  }
0x9: {  	[smem:$0x3FA3] =	sst s1  }
0xa: {  	[smem:$0x3FA4] =	sst s2  }
0xb: {  	[smem:$0x3FA5] =	sst s3  }
0xc: {  	[smem:$0x3FA6] =	sst s4  }
0xd: {  	[smem:$0x3FA7] =	sst s5  }
0xe: {  	[smem:$0x3FA8] =	sst s6  }
0xf: {  	[smem:$0x3FA9] =	sst s7  }
0x10: {  	[smem:$0x3FAA] =	sst s8  }
0x11: {  	[smem:$0x3FAB] =	sst s9;
	s0 =	simm.s32 @!p0 $0x0  }
0x12: {  	s1 =	sld [smem:$0x3F91];
	s0 =	simm.s32 @p0 $0x1  }
0x13: {  	[smem:$0x3FAC] =	sst s0;
	s0 =	simm.s32 @!p1 $0x0  }
0x14: {  	s2 =	sld [smem:$0x3F90];
	s0 =	simm.s32 @p1 $0x1  }
0x15: {  	[smem:$0x3FAD] =	sst s0;
	s0 =	simm.s32 @!p2 $0x0  }
0x16: {  	s3 =	sld [smem:$0x3FDB];
	s0 =	simm.s32 @p2 $0x1  }
0x17: {  	s4 =	simm.s32 $0x1BF5;
	[smem:$0x3FAF] =	sst s0  }
0x18: {  	s0 =	sld [smem:$0x3F92];
	_ =	swait.ge [sflag:s4], $0x0  }
0x19: {  	s7 =	sld [smem:$0x3F93]  }
0x1a: {  	s8 =	sadd.s32 $0xFFFFE003, lr  }
0x1b: {  	s9 =	sadd.s32 $0xFFFFFEF7, lr;
	s5 =	simm.s32 $0xFFFFFFFF;
	p2 =	slt.u32 s8, $0xFFFFF086  }
0x1c: {  	p1 =	slt.u32 s9, $0xF7A;
	s5 =	simm.s32 @!p2 $0x0  }
0x1d: {  	s5 =	simm.s32 @p1 $0x1;
	p0 =	seq.s32 s7, s2  }
0x1e: {  	s7 =	smul.u32 @!p0 $0xF7A, s2;
	p2 =	seq.s32 @!p0 s5, $0x0  }
0x1f: {  	s9 =	smul.u32 $0xF7A, s1;
	s8 =	simm.s32 @!p0 $0x1BF5;
	p2 =	por !p2, p0  }
0x20: {  	[sflag:s8] =	ssyncset.s32 @!p0 $0xFFFFF086;
	s6 =	sadd.s32 @!p0 s3, s7;
	s7 =	simm.s32 @!p0 $0x108  }
0x21: {  	s3 =	sadd.s32 s3, s9;
	s6 =	sadd.s32 @!p0 $0x88, s6;
	s7 =	simm.s32 @p2 $0x1082  }
0x22: {  	[simem:s7], [sflag:s8] =	dma.local @!p0 [hbm:s6], $0xF7A  }
0x23: {  	s9 =	sor.u32 $0xD0000000, s2;
	s6 =	simm.s32 $0x108;
	_ =	swait.ge @!p0 [sflag:s8], $0x0  }
0x24: {  	s3 =	sadd.s32 $0x88, s3;
	s6 =	simm.s32 @!p1 $0x1082;
	[sflag:s4] =	ssyncset.s32 $0xFFFFF086  }
0x25: {  	[simem:s6], [sflag:s4] =	dma.local [hbm:s3], $0xF7A  }
0x26: {  	[smem:$0x3F93] =	sst s1;
	(tag) =	ssettag s2;
	_ =	strace s9  }
0x27: {  	s1 =	sld [smem:$0x3FA3]  }
0x28: {  	s2 =	sld [smem:$0x3FA4]  }
0x29: {  	s4 =	sld [smem:$0x3FA6]  }
0x2a: {  	p0 =	seq.s32 s5, $0x0;
	s5 =	sld [smem:$0x3FA7]  }
0x2b: {  	s6 =	sld [smem:$0x3FA8]  }
0x2c: {  	s7 =	sld [smem:$0x3FA9]  }
0x2d: {  	s3 =	simm.s32 $0x108;
	s8 =	sld [smem:$0x3FAA]  }
0x2e: {  	s3 =	simm.s32 @!p0 $0x1082;
	s9 =	sld [smem:$0x3FAB]  }
0x2f: {  	lr =	sadd.s32 s0, s3;
	s0 =	sld [smem:$0x3FA2]  }
0x30: {  	s3 =	sld [smem:$0x3FA5]  }
0x31: {  	[smem:$0x3FAE] =	sst s10  }
0x32: {  	s10 =	sld [smem:$0x3FAC];
	_ =	sdelay $0x3  }
0x33: {  	p0 =	seq.s32 s10, $0x1;
	s10 =	sld [smem:$0x3FAE];
	_ =	sdelay $0x3  }
0x34: {  	[smem:$0x3FAE] =	sst s10  }
0x35: {  	s10 =	sld [smem:$0x3FAD];
	_ =	sdelay $0x3  }
0x36: {  	p1 =	seq.s32 s10, $0x1;
	s10 =	sld [smem:$0x3FAE];
	_ =	sdelay $0x3  }
0x37: {  	[smem:$0x3FAE] =	sst s10  }
0x38: {  	s10 =	sld [smem:$0x3FAF]  }
0x39: {  	_ = 	snop;
	(pc) =	sbr.ind lr, $3  }
0x3a: {  	_ = 	snop  }
0x3b: {  	_ = 	snop  }
0x3c: {  	p2 =	seq.s32 s10, $0x1;
	s10 =	sld [smem:$0x3FAE]  }
0x3d: {  	_ =	shalt  }
0x3e: {  	_ =	shalt  }
0x3f: {  	_ =	shalt  }
0x40: {  	_ =	shalt  }
0x41: {  	_ =	shalt  }
0x42: {  	_ =	shalt  }
0x43: {  	_ =	shalt  }
0x44: {  	_ =	shalt  }
0x45: {  	_ =	shalt  }
0x46: {  	_ =	shalt  }
0x47: {  	_ =	shalt  }
0x48: {  	_ =	shalt  }
0x49: {  	_ =	shalt  }
0x4a: {  	_ =	shalt  }
0x4b: {  	_ =	shalt  }
0x4c: {  	_ =	shalt  }
0x4d: {  	_ =	shalt  }
0x4e: {  	_ =	shalt  }
0x4f: {  	_ =	shalt  }
0x50: {  	_ =	shalt  }
0x51: {  	_ =	shalt  }
0x52: {  	_ =	shalt  }
0x53: {  	_ =	shalt  }
0x54: {  	_ =	shalt  }
0x55: {  	_ =	shalt  }
0x56: {  	_ =	shalt  }
0x57: {  	_ =	shalt  }
0x58: {  	_ =	shalt  }
0x59: {  	_ =	shalt  }
0x5a: {  	_ =	shalt  }
0x5b: {  	_ =	shalt  }
0x5c: {  	_ =	shalt  }
0x5d: {  	_ =	shalt  }
0x5e: {  	_ =	shalt  }
0x5f: {  	_ =	shalt  }
0x60: {  	_ =	shalt  }
0x61: {  	_ =	shalt  }
0x62: {  	_ =	shalt  }
0x63: {  	_ =	shalt  }
0x64: {  	_ =	shalt  }
0x65: {  	_ =	shalt  }
0x66: {  	_ =	shalt  }
0x67: {  	_ =	shalt  }
0x68: {  	_ =	shalt  }
0x69: {  	_ =	shalt  }
0x6a: {  	_ =	shalt  }
0x6b: {  	_ =	shalt  }
0x6c: {  	_ =	shalt  }
0x6d: {  	_ =	shalt  }
0x6e: {  	_ =	shalt  }
0x6f: {  	_ =	shalt  }
0x70: {  	_ =	shalt  }
0x71: {  	_ =	shalt  }
0x72: {  	_ =	shalt  }
0x73: {  	_ =	shalt  }
0x74: {  	_ =	shalt  }
0x75: {  	_ =	shalt  }
0x76: {  	_ =	shalt  }
0x77: {  	_ =	shalt  }
0x78: {  	_ =	shalt  }
0x79: {  	_ =	shalt  }
0x7a: {  	_ =	shalt  }
0x7b: {  	_ =	shalt  }
0x7c: {  	_ =	shalt  }
0x7d: {  	_ =	shalt  }
0x7e: {  	_ =	shalt  }
0x7f: {  	_ =	shalt  }
0x80: {  	_ =	shalt  }
0x81: {  	_ =	shalt  }
0x82: {  	_ =	shalt  }
0x83: {  	_ =	shalt  }
0x84: {  	_ =	shalt  }
0x85: {  	_ =	shalt  }
0x86: {  	_ =	shalt  }
0x87: {  	_ =	shalt  }
.Lfunc_end0:
.L_simem_size_0:
called_computation.1_lowered:
.L_overlay_start_0:
0x88: {  	s2 =	sld [smem:$0x3FD9]  }
0x89: {  	s3 =	sld [smem:$0x3FFE];
	_ =	sdelay $0x1  }
0x8a: {  	s1 =	srdreg.scid  }
0x8b: {  	s0 =	sand.u32 $0x1, s1  }
0x8c: {  	s17 =	sshll.u32 s0, $0xA;
	s2 =	sadd.s32 s3, s2  }
0x8d: {  	s2 =	sadd.s32 s2, s17  }
0x8e: {  	[smem:$0x3FBA] =	sst s2  }
0x8f: {  	_ = 	snop  }
0x90: {  	s2 =	sld [smem:$0x3FD0];
	(tm) =	ssettm $0x1  }
0x91: {  	s18 =	sld [smem:$0x3FFB];
	_ =	sdelay $0x3  }
0x92: {  	_ =	strace s18  }
0x93: {  	s3 =	sld [smem:$0x3FFC];
	_ =	sdelay $0x3  }
0x94: {  	_ =	strace s3  }
0x95: {  	s3 =	sld [smem:$0x3FFD];
	_ =	sdelay $0x3  }
0x96: {  	_ =	strace s3  }
0x97: {  	_ =	strace $0x8FFFFFFF  }
0x98: {  	s19 =	sld [smem:$0x3FDB];
	_ =	sdelay $0x1  }
0x99: {  	s4 =	simm.s32 $_scs_section_size  }
0x9a: {  	s5 =	simm.s32 $_size__tile_overlayer_lowered;
	s6 =	simm.s32 $_tile_overlayer_lowered  }
0x9b: {  	s22 =	simm.s32 $0x1BFF;
	s21 =	sshll.u32 s6, $0x1;
	s3 =	sadd.s32 s4, s19  }
0x9c: {  	s7 =	simm.s32 $0x0;
	s20 =	sshll.u32 s5, $0x1;
	s5 =	sadd.s32 s21, s3  }
0x9d: {  	[timem:s7], [sflag:s22] =	dma.local [hbm:s5], s20  }
0x9e: {  	_ =	swait.ge [sflag:s22], s20  }
0x9f: {  	s4 =	ssub.s32 $0x0, s20;
	[sflag:s22] =	ssyncset.done $0x0  }
0xa0: {  	[sflag:s22] =	ssyncadd.s32 s4;
	_ =	sdelay $0x1  }
0xa1: {  	s23 =	simm.s32 $0x1B8B  }
0xa2: {  	_ =	swait.ge [sflag:s23], $0x1  }
0xa3: {  	[sflag:s23] =	ssyncset.done $0x0  }
0xa4: {  	s25 =	simm.s32 $0x1B8E;
	s24 =	sld [smem:$0x3FFE];
	[sflag:s23] =	ssyncadd.s32 $0xFFFFFFFF  }
0xa5: {  	s26 =	simm.s32 $execute0_lowered;
	[smem:$0x3FD2] =	sst s25  }
0xa6: {  	s5 =	sshll.u32 s26, $0x1;
	_ =	strace $0x80000049;
	[dreg:$0x1] =	wrdreg $0xFFFFFFFF  }
0xa7: {  	s28 =	simm.s32 $_size_execute0_lowered;
	s3 =	sadd.s32 s3, s5;
	[dreg:$0x0] =	wrdreg $0x0  }
0xa8: {  	s5 =	sshll.u32 s28, $0x1;
	[dreg:$0x2] =	wrdreg s3  }
0xa9: {  	[dreg:$0x3] =	wrdreg s5  }
0xaa: {  	[dreg:$0x4] =	wrdreg $0xC0  }
0xab: {  	_ =	task [dreg:s7], $0x5FFFF  }
0xac: {  	[dreg:$0x1] =	wrdreg $0xFFFFFFFF  }
0xad: {  	[dreg:$0x0] =	wrdreg $0x60  }
0xae: {  	[dreg:$0x2] =	wrdreg s24  }
0xaf: {  	[dreg:$0x3] =	wrdreg s2  }
0xb0: {  	[dreg:$0x4] =	wrdreg $0x9  }
0xb1: {  	_ =	task.clear_ibuf [dreg:s7], $0x5FFFF;
	_ =	strace $0x90000049  }
0xb2: {  	s29 =	simm.s32 $0x9;
	_ =	strace $0x8000004B  }
0xb3: {  	_ =	swait.ge [sflag:s29], $0x1  }
0xb4: {  	[sflag:s29] =	ssyncadd.s32 $0xFFFFFFFF  }
0xb5: {  	_ =	strace $0x9000004B  }
0xb6: {  	_ =	sfence  }
0xb7: {  	s30 =	sld [smem:$0x0];
	_ =	sdelay $0x2  }
0xb8: {  	s31 =	sshll.u32 s1, $0xD;
	s1 =	sshrl.u32 s1, $0x2  }
0xb9: {  	s3 =	sand.u32 $0x4000, s31;
	s1 =	sadd.s32 s1, s30  }
0xba: {  	s0 =	sor.u32 s3, s0;
	s1 =	sshll.u32 s1, $0x11  }
0xbb: {  	s0 =	sor.u32 s1, s0  }
0xbc: {  	s0 =	sadd.s32 $0x8F2B, s0  }
0xbd: {  	[sflag:s0] =	ssyncadd.remote.s32 $0x1  }
0xbe: {  	_ =	sfence.sel $0xFFFF  }
0xbf: {  	[dreg:$0x0] =	wrdreg $0xFFFFFFFF;
	(pc) =	sbr.abs _section_cstart, $3  }
0xc0: {  	[dreg:$0x1] =	wrdreg $0xFFFFFFFF  }
0xc1: {  	_ =	task.clear_ibuf [dreg:s7], $0x2FFFF;
	_ =	strace $0x9FFFFFFF  }
0xc2: {  	(tm) =	ssettm $0x7FFFFFFF  }
0xc3: {  	_ =	shalt  }
tec
execute0_lowered:
.L_overlay_start_1:
0x0: {  	(tag) =	ssettag $0x1  }
0x1: {  	s0 =	srdreg.scid;
	s5 =	rddreg [dreg:$0x0]  }
0x2: {  	s10 =	stileid.u32;
	s2 =	rddreg [dreg:$0x1];
	s3 =	simm.s32 $0x0  }
0x3: {  	s6 =	simm.s32 $0x1;
	s30 =	simm.s32 $0x1CB80;
	s31 =	simm.s32 $0x1D800  }
0x4: {  	s28 =	simm.s32 $0x13C00;
	s29 =	simm.s32 $0x16380;
	s0 =	sand.u32 $0x1, s0  }
0x5: {  	s4 =	sand.u32 $0x3, s10;
	[smem:$0x7FF] =	sst s3;
	s7 =	sadd.s32 $0x4A00, s5  }
0x6: {  	s8 =	sadd.s32 $0x31200, s5;
	s14 =	sshll.u32 s10, $0x9;
	s1 =	sshll.u32 s0, $0x4  }
0x7: {  	s24 =	sadd.s32 $0x9C40, s2;
	s25 =	sadd.s32 $0x190, s2;
	s1 =	sor.u32 s10, s1  }
0x8: {  	s26 =	sadd.s32 $0x9DD0, s2;
	p0 =	sne.s32 s4, $0x0;
	p1 =	seq.s32 s1, $0x0  }
0x9: {  	_ =	strace $0x8000004A;
	s4 =	sshll.u32 s4, $0x2;
	p1 =	por !p0, !p1  }
0xa: {  	s0 =	ssub.s32 $0x2, s0;
	[dreg:$0x9] =	wrdreg s24;
	p1 =	por !p1, !p1  }
0xb: {  	[dreg:$0xa] =	wrdreg s25;
	s1 =	sshrl.u32 s1, $0x2;
	s6 =	simm.s32 @!p1 $0x0  }
0xc: {  	[dreg:$0xb] =	wrdreg s26;
	s24 =	simm.s32 $0x9E00;
	s1 =	ssub.s32 s1, s6  }
0xd: {  	s25 =	simm.s32 $0xC580;
	s6 =	sshrl.u32 s1, $0x3;
	s9 =	sshll.u32 s1, $0x4  }
0xe: {  	s1 =	sshll.u32 s1, $0x7;
	s6 =	smul.u32 $0x13C00, s6;
	s9 =	sor.u32 s4, s9  }
0xf: {  	s26 =	simm.s32 $0xED00;
	s1 =	sand.u32 $0x380, s1;
	s9 =	sshrl.u32 s9, $0x3  }
0x10: {  	s15 =	sshrl.u32 s0, $0x1;
	s1 =	sor.u32 s1, s6;
	s13 =	smul.u32 $0x13C00, s9  }
0x11: {  	s0 =	ssub.s32 s0, s15;
	s9 =	sand.u32 $0x200, s14;
	s1 =	sshrl.u32 s1, $0x3  }
0x12: {  	s4 =	simm.s32 $0x1;
	s1 =	sadd.s32 s1, s5;
	s6 =	sor.u32 s9, s13  }
0x13: {  	s5 =	simm.s32 $0x18B00;
	s16 =	sadd.s32 $0x2C200, s1;
	s17 =	sshrl.u32 s6, $0x3  }
0x14: {  	s18 =	sadd.s32 $0x2EA00, s1;
	s6 =	simm.s32 $0x2;
	[dreg:$0x3] =	wrdreg s16  }
0x15: {  	[dreg:$0x4] =	wrdreg s18;
	s19 =	sadd.s32 s7, s17;
	s20 =	sor.u32 $0x10, s17  }
0x16: {  	s22 =	sor.u32 $0x20, s17;
	s23 =	sor.u32 $0x30, s17;
	s14 =	sadd.s32 s8, s17  }
0x17: {  	s18 =	sadd.s32 $0x58A00, s1;
	s1 =	simm.s32 $0x4F00;
	[dreg:$0x5] =	wrdreg s19  }
0x18: {  	s21 =	sadd.s32 s7, s20;
	s11 =	sadd.s32 s7, s22;
	s7 =	sadd.s32 s7, s23  }
.Ltmp0:
0x19: {  	s15 =	sadd.s32 s8, s20;
	s16 =	sadd.s32 s8, s22;
	(pc) =	sbr.rel .LBB2_1-.Ltmp0, $4  }
0x1a: {  	s17 =	sadd.s32 s8, s23;
	s19 =	smax.u32 s0, $0x1;
	s20 =	simm.s32 $0x80  }
0x1b: {  	s22 =	simm.s32 $0x2780;
	s23 =	simm.s32 $0x7680;
	[dreg:$0x6] =	wrdreg s21  }
0x1c: {  	s0 =	simm.s32 $0x11480;
	s8 =	simm.s32 $0x0;
	[dreg:$0x7] =	wrdreg s11  }
0x1d: {  	v0 =	vimm.f32 $0.0e+00;
	[dreg:$0x8] =	wrdreg s7;
	s21 =	simm.s32 $0x400;
	s7 =	simm.s32 $0x3  }
.LBB2_10:
0x1e: {  	[hbm4b:s14+s20] =	stream.strided.scatter [tilespmem:s0], [sflag:$0x3], $0x2780, s21, s20, $0x38;
	[tilespmem:$0x1E480] =	vst v63  }
0x1f: {  	_ =	swait.ge [sflag:s7], $0x2780  }
0x20: {  	[sflag:s7] =	ssyncset.done $0x0  }
0x21: {  	[sflag:s7] =	ssyncadd.s32 $0xFFFFD880  }
0x22: {  	[hbm4b:s15+s20] =	stream.strided.scatter [tilespmem:s28], [sflag:$0x3], $0x2780, s21, s20, $0x38;
	[tilespmem:$0x1E480] =	vst v63  }
0x23: {  	_ =	swait.ge [sflag:s7], $0x2780  }
0x24: {  	[sflag:s7] =	ssyncset.done $0x0  }
0x25: {  	[sflag:s7] =	ssyncadd.s32 $0xFFFFD880  }
0x26: {  	[hbm4b:s16+s20] =	stream.strided.scatter [tilespmem:s29], [sflag:$0x3], $0x2780, s21, s20, $0x38;
	[tilespmem:$0x1E480] =	vst v63  }
0x27: {  	_ =	swait.ge [sflag:s7], $0x2780  }
0x28: {  	[sflag:s7] =	ssyncset.done $0x0  }
0x29: {  	[sflag:s7] =	ssyncadd.s32 $0xFFFFD880  }
0x2a: {  	[hbm4b:s17+s20] =	stream.strided.scatter [tilespmem:s5], [sflag:$0x3], $0x2780, s21, s20, $0x38;
	[tilespmem:$0x1E480] =	vst v63  }
0x2b: {  	s9 =	simm.s32 @!p0 $0x80;
	_ =	swait.ge [sflag:s7], $0x2780  }
0x2c: {  	s10 =	simm.s32 @!p0 $0x400;
	s8 =	sadd.s32 $0x1, s8;
	[sflag:s7] =	ssyncset.done $0x0  }
0x2d: {  	s11 =	simm.s32 @!p0 $0x4F00;
	p1 =	sne.s32 s8, s19;
	[sflag:s7] =	ssyncadd.s32 $0xFFFFD880  }
0x2e: {  	[hbm4b:s18+s9] =	stream.strided.scatter @!p0 [tilespmem:s11], [sflag:$0x3], $0x2780, s10, s9, $0x38;
	[tilespmem:$0x1E480] =	vst v63  }
.Ltmp1:
0x2f: {  	_ = 	snop;
	(pc) =	sbr.rel @!p1 .LBB2_11-.Ltmp1, $4  }
0x30: {  	s9 =	simm.s32 @!p0 $0x3  }
0x31: {  	_ =	swait.ge @!p0 [sflag:s9], $0x2780  }
0x32: {  	[sflag:s9] =	ssyncset.done @!p0 $0x0  }
0x33: {  	[sflag:s9] =	ssyncadd.s32 @!p0 $0xFFFFD880  }
.LBB2_1:
0x34: {  	s9 =	rddreg [dreg:$0x3]  }
0x35: {  	[tilespmem:s3], [sflag:$0x1] =	stream.strided.gather [hbm4b:s9+s20], $0x2780, s21, s20, $0x38;
	[tilespmem:$0x1E480] =	vst v63  }
0x36: {  	s13 =	rddreg [dreg:$0x4]  }
0x37: {  	[tilespmem:s22], [sflag:$0x1] =	stream.strided.gather [hbm4b:s13+s20], $0x2780, s21, s20, $0x38;
	[tilespmem:$0x1E480] =	vst v63  }
0x38: {  	s10 =	rddreg [dreg:$0x5]  }
0x39: {  	[tilespmem:s23], [sflag:$0x1] =	stream.strided.gather [hbm4b:s10+s20], $0x2780, s21, s20, $0x38;
	[tilespmem:$0x1E480] =	vst v63  }
0x3a: {  	s11 =	rddreg [dreg:$0x6]  }
0x3b: {  	[tilespmem:s24], [sflag:$0x1] =	stream.strided.gather [hbm4b:s11+s20], $0x2780, s21, s20, $0x38;
	[tilespmem:$0x1E480] =	vst v63  }
0x3c: {  	s12 =	rddreg [dreg:$0x7]  }
0x3d: {  	[tilespmem:s25], [sflag:$0x1] =	stream.strided.gather [hbm4b:s12+s20], $0x2780, s21, s20, $0x38;
	[tilespmem:$0x1E480] =	vst v63  }
0x3e: {  	s9 =	simm.s32 $0x0;
	s13 =	rddreg [dreg:$0x8];
	s10 =	simm.s32 $0x40  }
0x3f: {  	[tilespmem:s26], [sflag:$0x1] =	stream.strided.gather [hbm4b:s13+s20], $0x2780, s21, s20, $0x38;
	[tilespmem:$0x1E480] =	vst v63  }
.LBB2_2:
0x40: {  	p1 =	sne.s32 s10, $0x9C00;
	[tilespmem:s9+$0x18B00] =	vst v0;
	s11 =	smov.u32 s10;
	s10 =	sadd.s32 $0x40, s10  }
.Ltmp2:
0x41: {  	[tilespmem:s9+$0x16380] =	vst v0;
	(pc) =	sbr.rel @p1 .LBB2_2-.Ltmp2, $4  }
0x42: {  	[tilespmem:s9+$0x13C00] =	vst v0  }
0x43: {  	[tilespmem:s9+$0x4F00] =	vst v0  }
0x44: {  	[tilespmem:s9+$0x11480] =	vst v0  }
0x45: {  	s9 =	sshra.s32 s11, $0x2  }
0x46: {  	[tilespmem:s9+$0x18B00] =	vst v0  }
0x47: {  	[tilespmem:s9+$0x16380] =	vst v0  }
0x48: {  	[tilespmem:s9+$0x13C00] =	vst v0  }
0x49: {  	[tilespmem:s9+$0x4F00] =	vst v0  }
0x4a: {  	[tilespmem:s9+$0x11480] =	vst v0  }
0x4b: {  	_ =	swait.ge [sflag:s4], $0x2780  }
0x4c: {  	[sflag:s4] =	ssyncset.done $0x0  }
0x4d: {  	[sflag:s4] =	ssyncadd.s32 $0xFFFFD880  }
0x4e: {  	_ =	swait.ge [sflag:s4], $0x2780  }
0x4f: {  	[sflag:s4] =	ssyncset.done $0x0  }
0x50: {  	[sflag:s4] =	ssyncadd.s32 $0xFFFFD880  }
0x51: {  	_ =	swait.ge [sflag:s4], $0x2780  }
0x52: {  	[sflag:s4] =	ssyncset.done $0x0  }
0x53: {  	[sflag:s4] =	ssyncadd.s32 $0xFFFFD880  }
0x54: {  	_ =	swait.ge [sflag:s4], $0x2780  }
0x55: {  	[sflag:s4] =	ssyncset.done $0x0  }
0x56: {  	[sflag:s4] =	ssyncadd.s32 $0xFFFFD880  }
0x57: {  	_ =	swait.ge [sflag:s4], $0x2780  }
0x58: {  	[sflag:s4] =	ssyncset.done $0x0  }
0x59: {  	[sflag:s4] =	ssyncadd.s32 $0xFFFFD880  }
0x5a: {  	_ =	swait.ge [sflag:s4], $0x2780  }
0x5b: {  	[sflag:s4] =	ssyncset.done $0x0  }
0x5c: {  	s9 =	simm.s32 $0x0;
	s10 =	simm.s32 $0x1B280;
	[sflag:s4] =	ssyncadd.s32 $0xFFFFD880  }
0x5d: {  	[tilespmem:s10], [sflag:$0x1] =	stream.linear.gather [hbm4b:s2+s9], $0xC80, $0x38;
	[tilespmem:$0x1E480] =	vst v63  }
0x5e: {  	s11 =	simm.s32 $0x1BF00;
	s13 =	rddreg [dreg:$0x9]  }
0x5f: {  	[tilespmem:s11], [sflag:$0x1] =	stream.linear.gather [hbm4b:s13+s9], $0xC80, $0x38;
	[tilespmem:$0x1E480] =	vst v63  }
0x60: {  	s12 =	rddreg [dreg:$0xa]  }
0x61: {  	[tilespmem:s30], [sflag:$0x2] =	stream.linear.gather [hbm4b:s12+s9], $0xC80, $0x38;
	[tilespmem:$0x1E480] =	vst v63  }
0x62: {  	s13 =	rddreg [dreg:$0xb]  }
0x63: {  	[tilespmem:s31], [sflag:$0x2] =	stream.linear.gather [hbm4b:s13+s9], $0xC80, $0x38;
	[tilespmem:$0x1E480] =	vst v63  }
.LBB2_4:
0x64: {  	_ =	swait.ge [sflag:s4], $0xC80  }
0x65: {  	[sflag:s4] =	ssyncset.done $0x0  }
0x66: {  	[sflag:s4] =	ssyncadd.s32 $0xFFFFF380  }
0x67: {  	_ =	swait.ge [sflag:s4], $0xC80  }
0x68: {  	[sflag:s4] =	ssyncset.done $0x0  }
0x69: {  	s10 =	simm.s32 $0x1B2A0;
	[sflag:s4] =	ssyncadd.s32 $0xFFFFF380  }
0x6a: {  	s11 =	simm.s32 $0x1BF20;
	v5 =	vld [tilespmem:s10+$0x0]  }
0x6b: {  	v2 =	vld [tilespmem:s11+$0x0]  }
0x6c: {  	v6 =	vld [tilespmem:s10+$0xFFFFFFE0]  }
0x6d: {  	v3 =	vld [tilespmem:s11+$0xFFFFFFE0]  }
0x6e: {  	v7 =	vld [tilespmem:s10+$0xFFFFFFF0]  }
0x6f: {  	v1 =	vld [tilespmem:s11+$0xFFFFFFF0]  }
0x70: {  	v8 =	vld [tilespmem:s10+$0x10]  }
0x71: {  	v4 =	vld [tilespmem:s11+$0x10]  }
0x72: {  	v9 =	vld.idx.msk [tilespmem:v5+s3+$0x0], $0xffff  }
0x73: {  	v10 =	vld.idx.msk [tilespmem:v2+s22+$0x0], $0xffff;
	_ =	sdelay $0x2  }
0x74: {  	v11 =	vld.idx.msk [tilespmem:v6+s3+$0x0], $0xffff  }
0x75: {  	v12 =	vld.idx.msk [tilespmem:v3+s22+$0x0], $0xffff  }
0x76: {  	v13 =	vld.idx.msk [tilespmem:v1+s22+$0x0], $0xffff;
	v9 =	vadd.f32 v10, v9  }
0x77: {  	v15 =	vld.idx.msk [tilespmem:v8+s3+$0x0], $0xffff  }
0x78: {  	v10 =	vld.idx.msk [tilespmem:v7+s3+$0x0], $0xffff;
	v14 =	vmul.f32 $2.000000030e-01, v9  }
0x79: {  	v16 =	vld.idx.msk [tilespmem:v4+s22+$0x0], $0xffff  }
0x7a: {  	v18 =	vld.idx.msk [tilespmem:v7+s24+$0x0], $0xffff;
	v11 =	vadd.f32 v12, v11;
	v9 =	vmax.f32 v9, v14  }
0x7b: {  	v19 =	vld.idx.msk [tilespmem:v5+s24+$0x0], $0xffff;
	v9 =	vmul.f32 $1.442695020e+00, v9  }
0x7c: {  	v20 =	vld.idx.msk [tilespmem:v8+s23+$0x0], $0xffff;
	v17 =	vmul.f32 $2.000000030e-01, v11  }
0x7d: {  	v21 =	vld.idx.msk [tilespmem:v8+s24+$0x0], $0xffff;
	(erf) = vpow2.f32 v9;
	v9 =	vadd.f32 v13, v10  }
0x7e: {  	v22 =	vld.idx.msk [tilespmem:v6+s24+$0x0], $0xffff;
	v10 =	vmax.f32 v11, v17  }
0x7f: {  	v12 =	vld.idx.msk [tilespmem:v6+s25+$0x0], $0xffff;
	v15 =	vadd.f32 v16, v15;
	v10 =	vmul.f32 $1.442695020e+00, v10;
	v17 =	vmul.f32 $2.000000030e-01, v9  }
0x80: {  	v16 =	vld.idx.msk [tilespmem:v5+s25+$0x0], $0xffff  }
0x81: {  	v14 =	vld.idx.msk [tilespmem:v7+s26+$0x0], $0xffff;
	(erf) = vpow2.f32 v10;
	v9 =	vmax.f32 v9, v17;
	v17 =	vmul.f32 $2.000000030e-01, v15  }
0x82: {  	v11 =	vld.idx.msk [tilespmem:v5+s26+$0x0], $0xffff;
	v9 =	vmul.f32 $1.442695020e+00, v9  }
0x83: {  	v5 =	vld.idx.msk [tilespmem:v5+s23+$0x0], $0xffff;
	v15 =	vmax.f32 v15, v17  }
0x84: {  	v13 =	vld.idx.msk [tilespmem:v8+s26+$0x0], $0xffff;
	v15 =	vmul.f32 $1.442695020e+00, v15;
	(erf) = vpow2.f32 v9  }
0x85: {  	v10 =	vld.idx.msk [tilespmem:v6+s23+$0x0], $0xffff  }
0x86: {  	v17 =	vld.idx.msk [tilespmem:v7+s23+$0x0], $0xffff;
	v9 =	vpop (erf);
	(erf) = vpow2.f32 v15  }
0x87: {  	v15 =	vld.idx.msk [tilespmem:v8+s25+$0x0], $0xffff  }
0x88: {  	v8 =	vld.idx.msk [tilespmem:v6+s26+$0x0], $0xffff;
	v5 =	vmul.f32 v9, v5  }
0x89: {  	[tilespmem:v2+s1+$0x0] =	vst.idx.add.f32.msk $0xffff, v9  }
0x8a: {  	v6 =	vmul.f32 v9, v19;
	[tilespmem:v2+s0+$0x0] =	vst.idx.add.f32.msk $0xffff, v5;
	v19 =	vpop (erf)  }
0x8b: {  	[tilespmem:v3+s1+$0x0] =	vst.idx.add.f32.msk $0xffff, v19  }
0x8c: {  	v5 =	vmul.f32 v9, v11;
	v10 =	vmul.f32 v19, v10;
	[tilespmem:v2+s28+$0x0] =	vst.idx.add.f32.msk $0xffff, v6  }
0x8d: {  	v6 =	vmul.f32 v9, v16;
	v9 =	vmul.f32 v19, v12;
	v12 =	vld.idx.msk [tilespmem:v7+s25+$0x0], $0xffff;
	v11 =	vpop (erf)  }
0x8e: {  	[tilespmem:v3+s0+$0x0] =	vst.idx.add.f32.msk $0xffff, v10;
	v16 =	vmul.f32 v11, v17  }
0x8f: {  	v8 =	vmul.f32 v19, v8;
	v7 =	vmul.f32 v11, v14;
	[tilespmem:v1+s1+$0x0] =	vst.idx.add.f32.msk $0xffff, v11;
	v14 =	vpop (erf)  }
0x90: {  	v10 =	vmul.f32 v11, v18;
	v17 =	vmul.f32 v14, v20;
	[tilespmem:v1+s0+$0x0] =	vst.idx.add.f32.msk $0xffff, v16  }
0x91: {  	v16 =	vmul.f32 v14, v21;
	v15 =	vmul.f32 v14, v15;
	[tilespmem:v4+s1+$0x0] =	vst.idx.add.f32.msk $0xffff, v14  }
0x92: {  	s12 =	simm.s32 $0x1BF60;
	s11 =	simm.s32 $0x0;
	v13 =	vmul.f32 v14, v13;
	v14 =	vmul.f32 v19, v22;
	[tilespmem:v4+s0+$0x0] =	vst.idx.add.f32.msk $0xffff, v17  }
.LBB2_5:
0x93: {  	s11 =	sadd.s32 $0x4, s11;
	[tilespmem:v4+s28+$0x0] =	vst.idx.add.f32.msk $0xffff, v16;
	s10 =	sadd.s32 $0x40, s10  }
0x94: {  	v11 =	vmul.f32 v11, v12;
	p1 =	slt.u32 s11, $0xC4;
	[tilespmem:v4+s29+$0x0] =	vst.idx.add.f32.msk $0xffff, v15  }
0x95: {  	v12 =	vld [tilespmem:s10+$0xFFFFFFE0]  }
0x96: {  	v15 =	vld [tilespmem:s12+$0xFFFFFFE0]  }
0x97: {  	v16 =	vld [tilespmem:s10+$0xFFFFFFF0]  }
0x98: {  	v17 =	vld [tilespmem:s12+$0xFFFFFFF0]  }
0x99: {  	v18 =	vld [tilespmem:s12+$0x0]  }
0x9a: {  	v19 =	vld [tilespmem:s10+$0x0]  }
0x9b: {  	v20 =	vld [tilespmem:s12+$0x10]  }
0x9c: {  	v21 =	vld [tilespmem:s10+$0x10]  }
0x9d: {  	[tilespmem:v4+s5+$0x0] =	vst.idx.add.f32.msk $0xffff, v13  }
0x9e: {  	[tilespmem:v3+s28+$0x0] =	vst.idx.add.f32.msk $0xffff, v14  }
0x9f: {  	v13 =	vld.idx.msk [tilespmem:v16+s3+$0x0], $0xffff  }
0xa0: {  	v14 =	vld.idx.msk [tilespmem:v12+s3+$0x0], $0xffff;
	v4 =	vmov v20  }
0xa1: {  	v20 =	vld.idx.msk [tilespmem:v17+s22+$0x0], $0xffff  }
0xa2: {  	v22 =	vld.idx.msk [tilespmem:v19+s3+$0x0], $0xffff  }
0xa3: {  	v23 =	vld.idx.msk [tilespmem:v18+s22+$0x0], $0xffff  }
0xa4: {  	[tilespmem:v1+s28+$0x0] =	vst.idx.add.f32.msk $0xffff, v10  }
0xa5: {  	[tilespmem:v3+s29+$0x0] =	vst.idx.add.f32.msk $0xffff, v9  }
0xa6: {  	[tilespmem:v2+s29+$0x0] =	vst.idx.add.f32.msk $0xffff, v6  }
0xa7: {  	v6 =	vadd.f32 v20, v13;
	[tilespmem:v2+s5+$0x0] =	vst.idx.add.f32.msk $0xffff, v5;
	v2 =	vmov v18  }
0xa8: {  	v5 =	vld.idx.msk [tilespmem:v15+s22+$0x0], $0xffff  }
0xa9: {  	v9 =	vmul.f32 $2.000000030e-01, v6;
	v10 =	vadd.f32 v23, v22;
	v13 =	vld.idx.msk [tilespmem:v21+s3+$0x0], $0xffff  }
0xaa: {  	v18 =	vld.idx.msk [tilespmem:v4+s22+$0x0], $0xffff  }
0xab: {  	v6 =	vmax.f32 v6, v9;
	v9 =	vmul.f32 $2.000000030e-01, v10;
	[tilespmem:v3+s5+$0x0] =	vst.idx.add.f32.msk $0xffff, v8;
	v3 =	vmov v15  }
0xac: {  	v6 =	vmul.f32 $1.442695020e+00, v6;
	[tilespmem:v1+s29+$0x0] =	vst.idx.add.f32.msk $0xffff, v11  }
0xad: {  	v8 =	vmax.f32 v10, v9;
	[tilespmem:v1+s5+$0x0] =	vst.idx.add.f32.msk $0xffff, v7;
	v1 =	vmov v17  }
0xae: {  	v5 =	vadd.f32 v5, v14;
	v8 =	vmul.f32 $1.442695020e+00, v8;
	v7 =	vld.idx.msk [tilespmem:v16+s26+$0x0], $0xffff  }
0xaf: {  	v9 =	vld.idx.msk [tilespmem:v12+s25+$0x0], $0xffff  }
0xb0: {  	v10 =	vmul.f32 $2.000000030e-01, v5;
	v11 =	vadd.f32 v18, v13;
	v14 =	vld.idx.msk [tilespmem:v16+s24+$0x0], $0xffff;
	(erf) = vpow2.f32 v8  }
0xb1: {  	v13 =	vld.idx.msk [tilespmem:v21+s26+$0x0], $0xffff  }
0xb2: {  	v5 =	vmax.f32 v5, v10;
	v10 =	vmul.f32 $2.000000030e-01, v11;
	v8 =	vld.idx.msk [tilespmem:v19+s26+$0x0], $0xffff  }
0xb3: {  	v5 =	vmul.f32 $1.442695020e+00, v5;
	v15 =	vld.idx.msk [tilespmem:v19+s25+$0x0], $0xffff  }
0xb4: {  	v10 =	vmax.f32 v11, v10;
	v17 =	vld.idx.msk [tilespmem:v19+s24+$0x0], $0xffff  }
0xb5: {  	v10 =	vmul.f32 $1.442695020e+00, v10;
	v11 =	vld.idx.msk [tilespmem:v19+s23+$0x0], $0xffff;
	(erf) = vpow2.f32 v5  }
0xb6: {  	v18 =	vld.idx.msk [tilespmem:v12+s23+$0x0], $0xffff;
	(erf) = vpow2.f32 v6  }
0xb7: {  	v19 =	vld.idx.msk [tilespmem:v16+s23+$0x0], $0xffff  }
0xb8: {  	v20 =	vld.idx.msk [tilespmem:v21+s23+$0x0], $0xffff  }
0xb9: {  	v22 =	vld.idx.msk [tilespmem:v21+s24+$0x0], $0xffff;
	v23 =	vpop (erf);
	(erf) = vpow2.f32 v10  }
0xba: {  	v17 =	vmul.f32 v23, v17;
	v6 =	vmul.f32 v23, v15;
	[tilespmem:v2+s1+$0x0] =	vst.idx.add.f32.msk $0xffff, v23  }
0xbb: {  	v5 =	vmul.f32 v23, v8;
	v15 =	vld.idx.msk [tilespmem:v21+s25+$0x0], $0xffff  }
0xbc: {  	v10 =	vmul.f32 v23, v11;
	v8 =	vld.idx.msk [tilespmem:v12+s26+$0x0], $0xffff  }
0xbd: {  	v21 =	vld.idx.msk [tilespmem:v12+s24+$0x0], $0xffff  }
0xbe: {  	[tilespmem:v2+s0+$0x0] =	vst.idx.add.f32.msk $0xffff, v10;
	v23 =	vpop (erf)  }
0xbf: {  	v12 =	vmul.f32 v23, v18;
	v9 =	vmul.f32 v23, v9;
	[tilespmem:v3+s1+$0x0] =	vst.idx.add.f32.msk $0xffff, v23;
	v11 =	vpop (erf)  }
0xc0: {  	v18 =	vmul.f32 v11, v19;
	v10 =	vmul.f32 v11, v14;
	[tilespmem:v2+s28+$0x0] =	vst.idx.add.f32.msk $0xffff, v17  }
0xc1: {  	v7 =	vmul.f32 v11, v7;
	[tilespmem:v3+s0+$0x0] =	vst.idx.add.f32.msk $0xffff, v12  }
.Ltmp3:
0xc2: {  	v8 =	vmul.f32 v23, v8;
	v12 =	vld.idx.msk [tilespmem:v16+s25+$0x0], $0xffff;
	v17 =	vpop (erf);
	(pc) =	sbr.rel @p1 .LBB2_5-.Ltmp3, $4  }
0xc3: {  	[tilespmem:v1+s1+$0x0] =	vst.idx.add.f32.msk $0xffff, v11;
	v19 =	vmul.f32 v17, v20;
	v16 =	vmul.f32 v17, v22  }
0xc4: {  	v15 =	vmul.f32 v17, v15;
	v13 =	vmul.f32 v17, v13;
	[tilespmem:v1+s0+$0x0] =	vst.idx.add.f32.msk $0xffff, v18  }
0xc5: {  	v14 =	vmul.f32 v23, v21;
	[tilespmem:v4+s1+$0x0] =	vst.idx.add.f32.msk $0xffff, v17  }
0xc6: {  	s12 =	sadd.s32 $0x40, s12;
	[tilespmem:v4+s0+$0x0] =	vst.idx.add.f32.msk $0xffff, v19  }
0xc7: {  	_ =	sdelay $0x3  }
0xc8: {  	[tilespmem:v4+s28+$0x0] =	vst.idx.add.f32.msk $0xffff, v16  }
0xc9: {  	[tilespmem:v3+s28+$0x0] =	vst.idx.add.f32.msk $0xffff, v14  }
0xca: {  	[tilespmem:v1+s28+$0x0] =	vst.idx.add.f32.msk $0xffff, v10  }
0xcb: {  	[tilespmem:v2+s29+$0x0] =	vst.idx.add.f32.msk $0xffff, v6  }
0xcc: {  	[tilespmem:v4+s29+$0x0] =	vst.idx.add.f32.msk $0xffff, v15  }
0xcd: {  	p1 =	seq.s32 s9, $0x31;
	[tilespmem:v3+s29+$0x0] =	vst.idx.add.f32.msk $0xffff, v9  }
0xce: {  	s10 =	smul.u32 @!p1 $0x1900, s9;
	[tilespmem:v2+s5+$0x0] =	vst.idx.add.f32.msk $0xffff, v5  }
0xcf: {  	[tilespmem:v4+s5+$0x0] =	vst.idx.add.f32.msk $0xffff, v13;
	v4 =	vmul.f32 v11, v12  }
0xd0: {  	[tilespmem:v3+s5+$0x0] =	vst.idx.add.f32.msk $0xffff, v8;
	s10 =	sshrl.u32 @!p1 s10, $0x3  }
0xd1: {  	[tilespmem:v1+s29+$0x0] =	vst.idx.add.f32.msk $0xffff, v4;
	s10 =	sadd.s32 @!p1 s2, s10  }
0xd2: {  	s12 =	simm.s32 @!p1 $0x0;
	s13 =	simm.s32 @!p1 $0x1B280;
	[tilespmem:v1+s5+$0x0] =	vst.idx.add.f32.msk $0xffff, v7;
	s11 =	sadd.s32 @!p1 $0x320, s10  }
0xd3: {  	[tilespmem:s13], [sflag:$0x1] =	stream.linear.gather @!p1 [hbm4b:s11+s12], $0xC80, $0x38;
	[tilespmem:$0x1E480] =	vst v63  }
0xd4: {  	s10 =	sadd.s32 @!p1 $0x9F60, s10;
	s11 =	simm.s32 @!p1 $0x1BF00  }
0xd5: {  	[tilespmem:s11], [sflag:$0x1] =	stream.linear.gather @!p1 [hbm4b:s10+s12], $0xC80, $0x38;
	[tilespmem:$0x1E480] =	vst v63  }
0xd6: {  	_ =	swait.ge [sflag:s6], $0xC80  }
0xd7: {  	[sflag:s6] =	ssyncset.done $0x0  }
0xd8: {  	[sflag:s6] =	ssyncadd.s32 $0xFFFFF380  }
0xd9: {  	_ =	swait.ge [sflag:s6], $0xC80  }
0xda: {  	[sflag:s6] =	ssyncset.done $0x0  }
0xdb: {  	s10 =	simm.s32 $0x1CBA0;
	[sflag:s6] =	ssyncadd.s32 $0xFFFFF380  }
0xdc: {  	s13 =	simm.s32 $0x1D820;
	v5 =	vld [tilespmem:s10+$0x0]  }
0xdd: {  	v1 =	vld [tilespmem:s13+$0x0]  }
0xde: {  	v6 =	vld [tilespmem:s10+$0xFFFFFFE0]  }
0xdf: {  	v2 =	vld [tilespmem:s13+$0xFFFFFFE0]  }
0xe0: {  	v7 =	vld [tilespmem:s10+$0xFFFFFFF0]  }
0xe1: {  	v3 =	vld [tilespmem:s13+$0xFFFFFFF0]  }
0xe2: {  	v8 =	vld [tilespmem:s10+$0x10]  }
0xe3: {  	v4 =	vld [tilespmem:s13+$0x10]  }
0xe4: {  	v9 =	vld.idx.msk [tilespmem:v5+s3+$0x0], $0xffff  }
0xe5: {  	v10 =	vld.idx.msk [tilespmem:v1+s22+$0x0], $0xffff;
	_ =	sdelay $0x2  }
0xe6: {  	v11 =	vld.idx.msk [tilespmem:v6+s3+$0x0], $0xffff  }
0xe7: {  	v12 =	vld.idx.msk [tilespmem:v2+s22+$0x0], $0xffff  }
0xe8: {  	v13 =	vld.idx.msk [tilespmem:v3+s22+$0x0], $0xffff;
	v9 =	vadd.f32 v10, v9  }
0xe9: {  	v15 =	vld.idx.msk [tilespmem:v8+s3+$0x0], $0xffff  }
0xea: {  	v10 =	vld.idx.msk [tilespmem:v7+s3+$0x0], $0xffff;
	v14 =	vmul.f32 $2.000000030e-01, v9  }
0xeb: {  	v16 =	vld.idx.msk [tilespmem:v4+s22+$0x0], $0xffff  }
0xec: {  	v18 =	vld.idx.msk [tilespmem:v7+s24+$0x0], $0xffff;
	v11 =	vadd.f32 v12, v11;
	v9 =	vmax.f32 v9, v14  }
0xed: {  	v19 =	vld.idx.msk [tilespmem:v5+s24+$0x0], $0xffff;
	v9 =	vmul.f32 $1.442695020e+00, v9  }
0xee: {  	v20 =	vld.idx.msk [tilespmem:v8+s23+$0x0], $0xffff;
	v17 =	vmul.f32 $2.000000030e-01, v11  }
0xef: {  	v21 =	vld.idx.msk [tilespmem:v8+s24+$0x0], $0xffff;
	(erf) = vpow2.f32 v9;
	v9 =	vadd.f32 v13, v10  }
0xf0: {  	v22 =	vld.idx.msk [tilespmem:v6+s24+$0x0], $0xffff;
	v10 =	vmax.f32 v11, v17  }
0xf1: {  	v12 =	vld.idx.msk [tilespmem:v6+s25+$0x0], $0xffff;
	v15 =	vadd.f32 v16, v15;
	v10 =	vmul.f32 $1.442695020e+00, v10;
	v17 =	vmul.f32 $2.000000030e-01, v9  }
0xf2: {  	v16 =	vld.idx.msk [tilespmem:v5+s25+$0x0], $0xffff  }
0xf3: {  	v14 =	vld.idx.msk [tilespmem:v7+s26+$0x0], $0xffff;
	(erf) = vpow2.f32 v10;
	v9 =	vmax.f32 v9, v17;
	v17 =	vmul.f32 $2.000000030e-01, v15  }
0xf4: {  	v11 =	vld.idx.msk [tilespmem:v5+s26+$0x0], $0xffff;
	v9 =	vmul.f32 $1.442695020e+00, v9  }
0xf5: {  	v5 =	vld.idx.msk [tilespmem:v5+s23+$0x0], $0xffff;
	v15 =	vmax.f32 v15, v17  }
0xf6: {  	v13 =	vld.idx.msk [tilespmem:v8+s26+$0x0], $0xffff;
	v15 =	vmul.f32 $1.442695020e+00, v15;
	(erf) = vpow2.f32 v9  }
0xf7: {  	v10 =	vld.idx.msk [tilespmem:v6+s23+$0x0], $0xffff  }
0xf8: {  	v17 =	vld.idx.msk [tilespmem:v7+s23+$0x0], $0xffff;
	v9 =	vpop (erf);
	(erf) = vpow2.f32 v15  }
0xf9: {  	v15 =	vld.idx.msk [tilespmem:v8+s25+$0x0], $0xffff  }
0xfa: {  	v8 =	vld.idx.msk [tilespmem:v6+s26+$0x0], $0xffff;
	v5 =	vmul.f32 v9, v5  }
0xfb: {  	[tilespmem:v1+s1+$0x0] =	vst.idx.add.f32.msk $0xffff, v9  }
0xfc: {  	v6 =	vmul.f32 v9, v19;
	[tilespmem:v1+s0+$0x0] =	vst.idx.add.f32.msk $0xffff, v5;
	v19 =	vpop (erf)  }
0xfd: {  	[tilespmem:v2+s1+$0x0] =	vst.idx.add.f32.msk $0xffff, v19  }
0xfe: {  	v5 =	vmul.f32 v9, v11;
	v10 =	vmul.f32 v19, v10;
	[tilespmem:v1+s28+$0x0] =	vst.idx.add.f32.msk $0xffff, v6  }
0xff: {  	v6 =	vmul.f32 v9, v16;
	v9 =	vmul.f32 v19, v12;
	v12 =	vld.idx.msk [tilespmem:v7+s25+$0x0], $0xffff;
	v11 =	vpop (erf)  }
0x100: {  	[tilespmem:v2+s0+$0x0] =	vst.idx.add.f32.msk $0xffff, v10;
	v16 =	vmul.f32 v11, v17  }
0x101: {  	v8 =	vmul.f32 v19, v8;
	v7 =	vmul.f32 v11, v14;
	[tilespmem:v3+s1+$0x0] =	vst.idx.add.f32.msk $0xffff, v11;
	v14 =	vpop (erf)  }
0x102: {  	v10 =	vmul.f32 v11, v18;
	v17 =	vmul.f32 v14, v20;
	[tilespmem:v3+s0+$0x0] =	vst.idx.add.f32.msk $0xffff, v16  }
0x103: {  	v16 =	vmul.f32 v14, v21;
	v15 =	vmul.f32 v14, v15;
	[tilespmem:v4+s1+$0x0] =	vst.idx.add.f32.msk $0xffff, v14  }
0x104: {  	s11 =	simm.s32 $0x0;
	s12 =	simm.s32 $0x1D860;
	v13 =	vmul.f32 v14, v13;
	v14 =	vmul.f32 v19, v22;
	[tilespmem:v4+s0+$0x0] =	vst.idx.add.f32.msk $0xffff, v17  }
.LBB2_7:
0x105: {  	s11 =	sadd.s32 $0x4, s11;
	[tilespmem:v4+s28+$0x0] =	vst.idx.add.f32.msk $0xffff, v16;
	s10 =	sadd.s32 $0x40, s10  }
0x106: {  	v11 =	vmul.f32 v11, v12;
	p2 =	slt.u32 s11, $0xC4;
	[tilespmem:v4+s29+$0x0] =	vst.idx.add.f32.msk $0xffff, v15  }
0x107: {  	v12 =	vld [tilespmem:s10+$0xFFFFFFE0]  }
0x108: {  	v15 =	vld [tilespmem:s12+$0xFFFFFFE0]  }
0x109: {  	v16 =	vld [tilespmem:s10+$0xFFFFFFF0]  }
0x10a: {  	v17 =	vld [tilespmem:s12+$0xFFFFFFF0]  }
0x10b: {  	v18 =	vld [tilespmem:s12+$0x0]  }
0x10c: {  	v19 =	vld [tilespmem:s10+$0x0]  }
0x10d: {  	v20 =	vld [tilespmem:s12+$0x10]  }
0x10e: {  	v21 =	vld [tilespmem:s10+$0x10]  }
0x10f: {  	[tilespmem:v4+s5+$0x0] =	vst.idx.add.f32.msk $0xffff, v13  }
0x110: {  	[tilespmem:v2+s28+$0x0] =	vst.idx.add.f32.msk $0xffff, v14  }
0x111: {  	v13 =	vld.idx.msk [tilespmem:v16+s3+$0x0], $0xffff  }
0x112: {  	v14 =	vld.idx.msk [tilespmem:v12+s3+$0x0], $0xffff;
	v4 =	vmov v20  }
0x113: {  	v20 =	vld.idx.msk [tilespmem:v17+s22+$0x0], $0xffff  }
0x114: {  	v22 =	vld.idx.msk [tilespmem:v19+s3+$0x0], $0xffff  }
0x115: {  	v23 =	vld.idx.msk [tilespmem:v18+s22+$0x0], $0xffff  }
0x116: {  	[tilespmem:v3+s28+$0x0] =	vst.idx.add.f32.msk $0xffff, v10  }
0x117: {  	[tilespmem:v2+s29+$0x0] =	vst.idx.add.f32.msk $0xffff, v9  }
0x118: {  	[tilespmem:v1+s29+$0x0] =	vst.idx.add.f32.msk $0xffff, v6  }
0x119: {  	v6 =	vadd.f32 v20, v13;
	[tilespmem:v1+s5+$0x0] =	vst.idx.add.f32.msk $0xffff, v5;
	v1 =	vmov v18  }
0x11a: {  	v5 =	vld.idx.msk [tilespmem:v15+s22+$0x0], $0xffff  }
0x11b: {  	v9 =	vmul.f32 $2.000000030e-01, v6;
	v10 =	vadd.f32 v23, v22;
	v13 =	vld.idx.msk [tilespmem:v21+s3+$0x0], $0xffff  }
0x11c: {  	v18 =	vld.idx.msk [tilespmem:v4+s22+$0x0], $0xffff  }
0x11d: {  	v6 =	vmax.f32 v6, v9;
	v9 =	vmul.f32 $2.000000030e-01, v10;
	[tilespmem:v2+s5+$0x0] =	vst.idx.add.f32.msk $0xffff, v8;
	v2 =	vmov v15  }
0x11e: {  	v6 =	vmul.f32 $1.442695020e+00, v6;
	[tilespmem:v3+s29+$0x0] =	vst.idx.add.f32.msk $0xffff, v11  }
0x11f: {  	v8 =	vmax.f32 v10, v9;
	[tilespmem:v3+s5+$0x0] =	vst.idx.add.f32.msk $0xffff, v7;
	v3 =	vmov v17  }
0x120: {  	v5 =	vadd.f32 v5, v14;
	v8 =	vmul.f32 $1.442695020e+00, v8;
	v7 =	vld.idx.msk [tilespmem:v16+s26+$0x0], $0xffff  }
0x121: {  	v9 =	vld.idx.msk [tilespmem:v12+s25+$0x0], $0xffff  }
0x122: {  	v10 =	vmul.f32 $2.000000030e-01, v5;
	v11 =	vadd.f32 v18, v13;
	v14 =	vld.idx.msk [tilespmem:v16+s24+$0x0], $0xffff;
	(erf) = vpow2.f32 v8  }
0x123: {  	v13 =	vld.idx.msk [tilespmem:v21+s26+$0x0], $0xffff  }
0x124: {  	v5 =	vmax.f32 v5, v10;
	v10 =	vmul.f32 $2.000000030e-01, v11;
	v8 =	vld.idx.msk [tilespmem:v19+s26+$0x0], $0xffff  }
0x125: {  	v5 =	vmul.f32 $1.442695020e+00, v5;
	v15 =	vld.idx.msk [tilespmem:v19+s25+$0x0], $0xffff  }
0x126: {  	v10 =	vmax.f32 v11, v10;
	v17 =	vld.idx.msk [tilespmem:v19+s24+$0x0], $0xffff  }
0x127: {  	v10 =	vmul.f32 $1.442695020e+00, v10;
	v11 =	vld.idx.msk [tilespmem:v19+s23+$0x0], $0xffff;
	(erf) = vpow2.f32 v5  }
0x128: {  	v18 =	vld.idx.msk [tilespmem:v12+s23+$0x0], $0xffff;
	(erf) = vpow2.f32 v6  }
0x129: {  	v19 =	vld.idx.msk [tilespmem:v16+s23+$0x0], $0xffff  }
0x12a: {  	v20 =	vld.idx.msk [tilespmem:v21+s23+$0x0], $0xffff  }
0x12b: {  	v22 =	vld.idx.msk [tilespmem:v21+s24+$0x0], $0xffff;
	v23 =	vpop (erf);
	(erf) = vpow2.f32 v10  }
0x12c: {  	v17 =	vmul.f32 v23, v17;
	v6 =	vmul.f32 v23, v15;
	[tilespmem:v1+s1+$0x0] =	vst.idx.add.f32.msk $0xffff, v23  }
0x12d: {  	v5 =	vmul.f32 v23, v8;
	v15 =	vld.idx.msk [tilespmem:v21+s25+$0x0], $0xffff  }
0x12e: {  	v10 =	vmul.f32 v23, v11;
	v8 =	vld.idx.msk [tilespmem:v12+s26+$0x0], $0xffff  }
0x12f: {  	v21 =	vld.idx.msk [tilespmem:v12+s24+$0x0], $0xffff  }
0x130: {  	[tilespmem:v1+s0+$0x0] =	vst.idx.add.f32.msk $0xffff, v10;
	v23 =	vpop (erf)  }
0x131: {  	v12 =	vmul.f32 v23, v18;
	v9 =	vmul.f32 v23, v9;
	[tilespmem:v2+s1+$0x0] =	vst.idx.add.f32.msk $0xffff, v23;
	v11 =	vpop (erf)  }
0x132: {  	v18 =	vmul.f32 v11, v19;
	v10 =	vmul.f32 v11, v14;
	[tilespmem:v1+s28+$0x0] =	vst.idx.add.f32.msk $0xffff, v17  }
0x133: {  	v7 =	vmul.f32 v11, v7;
	[tilespmem:v2+s0+$0x0] =	vst.idx.add.f32.msk $0xffff, v12  }
.Ltmp4:
0x134: {  	v8 =	vmul.f32 v23, v8;
	v12 =	vld.idx.msk [tilespmem:v16+s25+$0x0], $0xffff;
	v17 =	vpop (erf);
	(pc) =	sbr.rel @p2 .LBB2_7-.Ltmp4, $4  }
0x135: {  	[tilespmem:v3+s1+$0x0] =	vst.idx.add.f32.msk $0xffff, v11;
	v19 =	vmul.f32 v17, v20;
	v16 =	vmul.f32 v17, v22  }
0x136: {  	v15 =	vmul.f32 v17, v15;
	v13 =	vmul.f32 v17, v13;
	[tilespmem:v3+s0+$0x0] =	vst.idx.add.f32.msk $0xffff, v18  }
0x137: {  	v14 =	vmul.f32 v23, v21;
	[tilespmem:v4+s1+$0x0] =	vst.idx.add.f32.msk $0xffff, v17  }
0x138: {  	s12 =	sadd.s32 $0x40, s12;
	[tilespmem:v4+s0+$0x0] =	vst.idx.add.f32.msk $0xffff, v19  }
0x139: {  	_ =	sdelay $0x3  }
0x13a: {  	[tilespmem:v4+s28+$0x0] =	vst.idx.add.f32.msk $0xffff, v16  }
0x13b: {  	[tilespmem:v2+s28+$0x0] =	vst.idx.add.f32.msk $0xffff, v14  }
0x13c: {  	[tilespmem:v3+s28+$0x0] =	vst.idx.add.f32.msk $0xffff, v10  }
0x13d: {  	[tilespmem:v1+s29+$0x0] =	vst.idx.add.f32.msk $0xffff, v6  }
0x13e: {  	[tilespmem:v4+s29+$0x0] =	vst.idx.add.f32.msk $0xffff, v15  }
0x13f: {  	[tilespmem:v2+s29+$0x0] =	vst.idx.add.f32.msk $0xffff, v9  }
.Ltmp5:
0x140: {  	[tilespmem:v1+s5+$0x0] =	vst.idx.add.f32.msk $0xffff, v5;
	(pc) =	sbr.rel @p1 .LBB2_10-.Ltmp5, $4  }
0x141: {  	v63 =	vmul.f32 v11, v12;
	[tilespmem:v4+s5+$0x0] =	vst.idx.add.f32.msk $0xffff, v13  }
0x142: {  	[tilespmem:v2+s5+$0x0] =	vst.idx.add.f32.msk $0xffff, v8  }
0x143: {  	[tilespmem:v3+s29+$0x0] =	vst.idx.add.f32.msk $0xffff, v63  }
0x144: {  	[tilespmem:v3+s5+$0x0] =	vst.idx.add.f32.msk $0xffff, v7  }
0x145: {  	s10 =	smul.u32 $0x1900, s9;
	_ =	sdelay $0x1  }
0x146: {  	s10 =	sshrl.u32 s10, $0x3  }
.Ltmp6:
0x147: {  	s10 =	sadd.s32 s2, s10;
	(pc) =	sbr.rel .LBB2_4-.Ltmp6, $4  }
0x148: {  	s11 =	sadd.s32 $0x4B0, s10  }
0x149: {  	[tilespmem:s30], [sflag:$0x2] =	stream.linear.gather [hbm4b:s11+s3], $0xC80, $0x38;
	[tilespmem:$0x1E480] =	vst v63  }
0x14a: {  	s9 =	sadd.s32 $0x1, s9;
	s10 =	sadd.s32 $0xA0F0, s10  }
0x14b: {  	[tilespmem:s31], [sflag:$0x2] =	stream.linear.gather [hbm4b:s10+s3], $0xC80, $0x38;
	[tilespmem:$0x1E480] =	vst v63  }
.LBB2_11:
0x14c: {  	_ =	sfence.sel $0x180000  }
0x14d: {  	[bflag:$0x0] =	sbarrier.arrive $0xFFFF  }
0x14e: {  	_ =	strace $0x9000004A  }
0x14f: {  	s0 =	stileid.u32;
	[bflag:$0x2] =	sbarrier.arrive $0xFFFF  }
0x150: {  	p0 =	sne.s32 s0, $0x0;
	s0 =	rddreg [dreg:$0x2]  }
0x151: {  	s0 =	sadd.s32 @!p0 $0x100000, s0  }
0x152: {  	[sflag:s0] =	ssyncadd.tile.s32 @!p0 $0x1;
	_ =	shalt  }
.Lfunc_end2:
_tile_overlayer_lowered:
.L_overlay_start_2:
0x153: {  	(tag) =	ssettag $0x2  }
0x154: {  	s0 =	rddreg [dreg:$0x0];
	s2 =	stileid.u32  }
0x155: {  	s1 =	rddreg [dreg:$0x1];
	p0 =	sne.s32 s2, $0x0  }
0x156: {  	s3 =	rddreg [dreg:$0x2];
	[bflag:$0x3] =	sbarrier.arrive $0xFFFF;
	s2 =	simm.s32 @!p0 $0x1C03  }
0x157: {  	[timem:s3], [sflag:s2] =	dma.local @!p0 [hbm:s0], s1  }
0x158: {  	s0 =	simm.s32 @!p0 $0x3  }
0x159: {  	_ =	swait.ge @!p0 [sflag:s0], s1  }
0x15a: {  	s1 =	ssub.s32 @!p0 $0x0, s1;
	[sflag:s0] =	ssyncset.done @!p0 $0x0  }
0x15b: {  	[sflag:s0] =	ssyncadd.s32 @!p0 s1  }
0x15c: {  	[bflag:$0x3] =	sbarrier.arrive $0xFFFF  }
0x15d: {  	_ =	shalt  }

// kernel: kernel.7.cloned.1.call-start
scs
__scs_entry_jumppad:
0x0: {  	(pc) =	sbr.rel $0x88, $3  }
0x1: {  	(tag) =	ssettag $0x0;
	lr =	simm.s32 $0x1  }
0x2: {  	[smem:$0x3F93] =	sst lr;
	_ =	strace $0xD0000000  }
0x3: {  	_ = 	snop  }
0x4: {  	_ = 	snop  }
0x5: {  	_ = 	snop  }
0x6: {  	_ = 	snop  }
0x7: {  	_ = 	snop  }
__scs_overlays_trampoline_lowered:
0x8: {  	[smem:$0x3FA2] =	sst s0  }
0x9: {  	[smem:$0x3FA3] =	sst s1  }
0xa: {  	[smem:$0x3FA4] =	sst s2  }
0xb: {  	[smem:$0x3FA5] =	sst s3  }
0xc: {  	[smem:$0x3FA6] =	sst s4  }
0xd: {  	[smem:$0x3FA7] =	sst s5  }
0xe: {  	[smem:$0x3FA8] =	sst s6  }
0xf: {  	[smem:$0x3FA9] =	sst s7  }
0x10: {  	[smem:$0x3FAA] =	sst s8  }
0x11: {  	[smem:$0x3FAB] =	sst s9;
	s0 =	simm.s32 @!p0 $0x0  }
0x12: {  	s1 =	sld [smem:$0x3F91];
	s0 =	simm.s32 @p0 $0x1  }
0x13: {  	[smem:$0x3FAC] =	sst s0;
	s0 =	simm.s32 @!p1 $0x0  }
0x14: {  	s2 =	sld [smem:$0x3F90];
	s0 =	simm.s32 @p1 $0x1  }
0x15: {  	[smem:$0x3FAD] =	sst s0;
	s0 =	simm.s32 @!p2 $0x0  }
0x16: {  	s3 =	sld [smem:$0x3FDB];
	s0 =	simm.s32 @p2 $0x1  }
0x17: {  	s4 =	simm.s32 $0x1BF5;
	[smem:$0x3FAF] =	sst s0  }
0x18: {  	s0 =	sld [smem:$0x3F92];
	_ =	swait.ge [sflag:s4], $0x0  }
0x19: {  	s7 =	sld [smem:$0x3F93]  }
0x1a: {  	s8 =	sadd.s32 $0xFFFFE003, lr  }
0x1b: {  	s9 =	sadd.s32 $0xFFFFFEF7, lr;
	s5 =	simm.s32 $0xFFFFFFFF;
	p2 =	slt.u32 s8, $0xFFFFF086  }
0x1c: {  	p1 =	slt.u32 s9, $0xF7A;
	s5 =	simm.s32 @!p2 $0x0  }
0x1d: {  	s5 =	simm.s32 @p1 $0x1;
	p0 =	seq.s32 s7, s2  }
0x1e: {  	s7 =	smul.u32 @!p0 $0xF7A, s2;
	p2 =	seq.s32 @!p0 s5, $0x0  }
0x1f: {  	s9 =	smul.u32 $0xF7A, s1;
	s8 =	simm.s32 @!p0 $0x1BF5;
	p2 =	por !p2, p0  }
0x20: {  	[sflag:s8] =	ssyncset.s32 @!p0 $0xFFFFF086;
	s6 =	sadd.s32 @!p0 s3, s7;
	s7 =	simm.s32 @!p0 $0x108  }
0x21: {  	s3 =	sadd.s32 s3, s9;
	s6 =	sadd.s32 @!p0 $0x88, s6;
	s7 =	simm.s32 @p2 $0x1082  }
0x22: {  	[simem:s7], [sflag:s8] =	dma.local @!p0 [hbm:s6], $0xF7A  }
0x23: {  	s9 =	sor.u32 $0xD0000000, s2;
	s6 =	simm.s32 $0x108;
	_ =	swait.ge @!p0 [sflag:s8], $0x0  }
0x24: {  	s3 =	sadd.s32 $0x88, s3;
	s6 =	simm.s32 @!p1 $0x1082;
	[sflag:s4] =	ssyncset.s32 $0xFFFFF086  }
0x25: {  	[simem:s6], [sflag:s4] =	dma.local [hbm:s3], $0xF7A  }
0x26: {  	[smem:$0x3F93] =	sst s1;
	(tag) =	ssettag s2;
	_ =	strace s9  }
0x27: {  	s1 =	sld [smem:$0x3FA3]  }
0x28: {  	s2 =	sld [smem:$0x3FA4]  }
0x29: {  	s4 =	sld [smem:$0x3FA6]  }
0x2a: {  	p0 =	seq.s32 s5, $0x0;
	s5 =	sld [smem:$0x3FA7]  }
0x2b: {  	s6 =	sld [smem:$0x3FA8]  }
0x2c: {  	s7 =	sld [smem:$0x3FA9]  }
0x2d: {  	s3 =	simm.s32 $0x108;
	s8 =	sld [smem:$0x3FAA]  }
0x2e: {  	s3 =	simm.s32 @!p0 $0x1082;
	s9 =	sld [smem:$0x3FAB]  }
0x2f: {  	lr =	sadd.s32 s0, s3;
	s0 =	sld [smem:$0x3FA2]  }
0x30: {  	s3 =	sld [smem:$0x3FA5]  }
0x31: {  	[smem:$0x3FAE] =	sst s10  }
0x32: {  	s10 =	sld [smem:$0x3FAC];
	_ =	sdelay $0x3  }
0x33: {  	p0 =	seq.s32 s10, $0x1;
	s10 =	sld [smem:$0x3FAE];
	_ =	sdelay $0x3  }
0x34: {  	[smem:$0x3FAE] =	sst s10  }
0x35: {  	s10 =	sld [smem:$0x3FAD];
	_ =	sdelay $0x3  }
0x36: {  	p1 =	seq.s32 s10, $0x1;
	s10 =	sld [smem:$0x3FAE];
	_ =	sdelay $0x3  }
0x37: {  	[smem:$0x3FAE] =	sst s10  }
0x38: {  	s10 =	sld [smem:$0x3FAF]  }
0x39: {  	_ = 	snop;
	(pc) =	sbr.ind lr, $3  }
0x3a: {  	_ = 	snop  }
0x3b: {  	_ = 	snop  }
0x3c: {  	p2 =	seq.s32 s10, $0x1;
	s10 =	sld [smem:$0x3FAE]  }
0x3d: {  	_ =	shalt  }
0x3e: {  	_ =	shalt  }
0x3f: {  	_ =	shalt  }
0x40: {  	_ =	shalt  }
0x41: {  	_ =	shalt  }
0x42: {  	_ =	shalt  }
0x43: {  	_ =	shalt  }
0x44: {  	_ =	shalt  }
0x45: {  	_ =	shalt  }
0x46: {  	_ =	shalt  }
0x47: {  	_ =	shalt  }
0x48: {  	_ =	shalt  }
0x49: {  	_ =	shalt  }
0x4a: {  	_ =	shalt  }
0x4b: {  	_ =	shalt  }
0x4c: {  	_ =	shalt  }
0x4d: {  	_ =	shalt  }
0x4e: {  	_ =	shalt  }
0x4f: {  	_ =	shalt  }
0x50: {  	_ =	shalt  }
0x51: {  	_ =	shalt  }
0x52: {  	_ =	shalt  }
0x53: {  	_ =	shalt  }
0x54: {  	_ =	shalt  }
0x55: {  	_ =	shalt  }
0x56: {  	_ =	shalt  }
0x57: {  	_ =	shalt  }
0x58: {  	_ =	shalt  }
0x59: {  	_ =	shalt  }
0x5a: {  	_ =	shalt  }
0x5b: {  	_ =	shalt  }
0x5c: {  	_ =	shalt  }
0x5d: {  	_ =	shalt  }
0x5e: {  	_ =	shalt  }
0x5f: {  	_ =	shalt  }
0x60: {  	_ =	shalt  }
0x61: {  	_ =	shalt  }
0x62: {  	_ =	shalt  }
0x63: {  	_ =	shalt  }
0x64: {  	_ =	shalt  }
0x65: {  	_ =	shalt  }
0x66: {  	_ =	shalt  }
0x67: {  	_ =	shalt  }
0x68: {  	_ =	shalt  }
0x69: {  	_ =	shalt  }
0x6a: {  	_ =	shalt  }
0x6b: {  	_ =	shalt  }
0x6c: {  	_ =	shalt  }
0x6d: {  	_ =	shalt  }
0x6e: {  	_ =	shalt  }
0x6f: {  	_ =	shalt  }
0x70: {  	_ =	shalt  }
0x71: {  	_ =	shalt  }
0x72: {  	_ =	shalt  }
0x73: {  	_ =	shalt  }
0x74: {  	_ =	shalt  }
0x75: {  	_ =	shalt  }
0x76: {  	_ =	shalt  }
0x77: {  	_ =	shalt  }
0x78: {  	_ =	shalt  }
0x79: {  	_ =	shalt  }
0x7a: {  	_ =	shalt  }
0x7b: {  	_ =	shalt  }
0x7c: {  	_ =	shalt  }
0x7d: {  	_ =	shalt  }
0x7e: {  	_ =	shalt  }
0x7f: {  	_ =	shalt  }
0x80: {  	_ =	shalt  }
0x81: {  	_ =	shalt  }
0x82: {  	_ =	shalt  }
0x83: {  	_ =	shalt  }
0x84: {  	_ =	shalt  }
0x85: {  	_ =	shalt  }
0x86: {  	_ =	shalt  }
0x87: {  	_ =	shalt  }
.Lfunc_end0:
.L_simem_size_0:
called_computation_lowered:
.L_overlay_start_0:
0x88: {  	s2 =	sld [smem:$0x3FD9]  }
0x89: {  	s3 =	sld [smem:$0x3FFE];
	_ =	sdelay $0x1  }
0x8a: {  	s1 =	srdreg.scid  }
0x8b: {  	s0 =	sand.u32 $0x1, s1  }
0x8c: {  	s17 =	sshll.u32 s0, $0xA;
	s2 =	sadd.s32 s3, s2  }
0x8d: {  	s2 =	sadd.s32 s2, s17  }
0x8e: {  	[smem:$0x3FBA] =	sst s2  }
0x8f: {  	_ = 	snop  }
0x90: {  	s2 =	sld [smem:$0x3FD0];
	(tm) =	ssettm $0x1  }
0x91: {  	s18 =	sld [smem:$0x3FFB];
	_ =	sdelay $0x3  }
0x92: {  	_ =	strace s18  }
0x93: {  	s3 =	sld [smem:$0x3FFC];
	_ =	sdelay $0x3  }
0x94: {  	_ =	strace s3  }
0x95: {  	s3 =	sld [smem:$0x3FFD];
	_ =	sdelay $0x3  }
0x96: {  	_ =	strace s3  }
0x97: {  	_ =	strace $0x8FFFFFFF  }
0x98: {  	s19 =	sld [smem:$0x3FDB];
	_ =	sdelay $0x1  }
0x99: {  	s4 =	simm.s32 $_scs_section_size  }
0x9a: {  	s5 =	simm.s32 $_size__tile_overlayer_lowered;
	s6 =	simm.s32 $_tile_overlayer_lowered  }
0x9b: {  	s22 =	simm.s32 $0x1BFF;
	s21 =	sshll.u32 s6, $0x1;
	s3 =	sadd.s32 s4, s19  }
0x9c: {  	s7 =	simm.s32 $0x0;
	s20 =	sshll.u32 s5, $0x1;
	s5 =	sadd.s32 s21, s3  }
0x9d: {  	[timem:s7], [sflag:s22] =	dma.local [hbm:s5], s20  }
0x9e: {  	_ =	swait.ge [sflag:s22], s20  }
0x9f: {  	s4 =	ssub.s32 $0x0, s20;
	[sflag:s22] =	ssyncset.done $0x0  }
0xa0: {  	[sflag:s22] =	ssyncadd.s32 s4;
	_ =	sdelay $0x1  }
0xa1: {  	s23 =	simm.s32 $0x1B8B  }
0xa2: {  	_ =	swait.ge [sflag:s23], $0x1  }
0xa3: {  	[sflag:s23] =	ssyncset.done $0x0  }
0xa4: {  	s25 =	simm.s32 $0x1B8E;
	s24 =	sld [smem:$0x3FFE];
	[sflag:s23] =	ssyncadd.s32 $0xFFFFFFFF  }
0xa5: {  	s26 =	simm.s32 $execute0_lowered;
	[smem:$0x3FD2] =	sst s25  }
0xa6: {  	s5 =	sshll.u32 s26, $0x1;
	_ =	strace $0x80000046;
	[dreg:$0x1] =	wrdreg $0xFFFFFFFF  }
0xa7: {  	s28 =	simm.s32 $_size_execute0_lowered;
	s3 =	sadd.s32 s3, s5;
	[dreg:$0x0] =	wrdreg $0x0  }
0xa8: {  	s5 =	sshll.u32 s28, $0x1;
	[dreg:$0x2] =	wrdreg s3  }
0xa9: {  	[dreg:$0x3] =	wrdreg s5  }
0xaa: {  	[dreg:$0x4] =	wrdreg $0xC0  }
0xab: {  	_ =	task [dreg:s7], $0x5FFFF  }
0xac: {  	[dreg:$0x1] =	wrdreg $0xFFFFFFFF  }
0xad: {  	[dreg:$0x0] =	wrdreg $0x60  }
0xae: {  	[dreg:$0x2] =	wrdreg s24  }
0xaf: {  	[dreg:$0x3] =	wrdreg s2  }
0xb0: {  	[dreg:$0x4] =	wrdreg $0x9  }
0xb1: {  	_ =	task.clear_ibuf [dreg:s7], $0x5FFFF;
	_ =	strace $0x90000046  }
0xb2: {  	s29 =	simm.s32 $0x9;
	_ =	strace $0x80000048  }
0xb3: {  	_ =	swait.ge [sflag:s29], $0x1  }
0xb4: {  	[sflag:s29] =	ssyncadd.s32 $0xFFFFFFFF  }
0xb5: {  	_ =	strace $0x90000048  }
0xb6: {  	_ =	sfence  }
0xb7: {  	s30 =	sld [smem:$0x0];
	_ =	sdelay $0x2  }
0xb8: {  	s31 =	sshll.u32 s1, $0xD;
	s1 =	sshrl.u32 s1, $0x2  }
0xb9: {  	s3 =	sand.u32 $0x4000, s31;
	s1 =	sadd.s32 s1, s30  }
0xba: {  	s0 =	sor.u32 s3, s0;
	s1 =	sshll.u32 s1, $0x11  }
0xbb: {  	s0 =	sor.u32 s1, s0  }
0xbc: {  	s0 =	sadd.s32 $0x8F2B, s0  }
0xbd: {  	[sflag:s0] =	ssyncadd.remote.s32 $0x1  }
0xbe: {  	_ =	sfence.sel $0xFFFF  }
0xbf: {  	[dreg:$0x0] =	wrdreg $0xFFFFFFFF;
	(pc) =	sbr.abs _section_cstart, $3  }
0xc0: {  	[dreg:$0x1] =	wrdreg $0xFFFFFFFF  }
0xc1: {  	_ =	task.clear_ibuf [dreg:s7], $0x2FFFF;
	_ =	strace $0x9FFFFFFF  }
0xc2: {  	(tm) =	ssettm $0x7FFFFFFF  }
0xc3: {  	_ =	shalt  }
tec
execute0_lowered:
.L_overlay_start_1:
0x0: {  	(tag) =	ssettag $0x1  }
0x1: {  	s0 =	srdreg.scid;
	s5 =	rddreg [dreg:$0x0]  }
0x2: {  	s10 =	stileid.u32;
	s2 =	rddreg [dreg:$0x1];
	s3 =	simm.s32 $0x0  }
0x3: {  	s6 =	simm.s32 $0x1;
	s30 =	simm.s32 $0x1CB80;
	s31 =	simm.s32 $0x1D800  }
0x4: {  	s28 =	simm.s32 $0x13C00;
	s29 =	simm.s32 $0x16380;
	s0 =	sand.u32 $0x1, s0  }
0x5: {  	s4 =	sand.u32 $0x3, s10;
	[smem:$0x7FF] =	sst s3;
	s7 =	sadd.s32 $0x4A00, s5  }
0x6: {  	s8 =	sadd.s32 $0x31200, s5;
	s14 =	sshll.u32 s10, $0x9;
	s1 =	sshll.u32 s0, $0x4  }
0x7: {  	s24 =	sadd.s32 $0x9C40, s2;
	s25 =	sadd.s32 $0x190, s2;
	s1 =	sor.u32 s10, s1  }
0x8: {  	s26 =	sadd.s32 $0x9DD0, s2;
	p0 =	sne.s32 s4, $0x0;
	p1 =	seq.s32 s1, $0x0  }
0x9: {  	_ =	strace $0x80000047;
	s4 =	sshll.u32 s4, $0x2;
	p1 =	por !p0, !p1  }
0xa: {  	s0 =	ssub.s32 $0x2, s0;
	[dreg:$0x9] =	wrdreg s24;
	p1 =	por !p1, !p1  }
0xb: {  	[dreg:$0xa] =	wrdreg s25;
	s1 =	sshrl.u32 s1, $0x2;
	s6 =	simm.s32 @!p1 $0x0  }
0xc: {  	[dreg:$0xb] =	wrdreg s26;
	s24 =	simm.s32 $0x9E00;
	s1 =	ssub.s32 s1, s6  }
0xd: {  	s25 =	simm.s32 $0xC580;
	s6 =	sshrl.u32 s1, $0x3;
	s9 =	sshll.u32 s1, $0x4  }
0xe: {  	s1 =	sshll.u32 s1, $0x7;
	s6 =	smul.u32 $0x13C00, s6;
	s9 =	sor.u32 s4, s9  }
0xf: {  	s26 =	simm.s32 $0xED00;
	s1 =	sand.u32 $0x380, s1;
	s9 =	sshrl.u32 s9, $0x3  }
0x10: {  	s15 =	sshrl.u32 s0, $0x1;
	s1 =	sor.u32 s1, s6;
	s13 =	smul.u32 $0x13C00, s9  }
0x11: {  	s0 =	ssub.s32 s0, s15;
	s9 =	sand.u32 $0x200, s14;
	s1 =	sshrl.u32 s1, $0x3  }
0x12: {  	s4 =	simm.s32 $0x1;
	s1 =	sadd.s32 s1, s5;
	s6 =	sor.u32 s9, s13  }
0x13: {  	s5 =	simm.s32 $0x18B00;
	s16 =	sadd.s32 $0x2C200, s1;
	s17 =	sshrl.u32 s6, $0x3  }
0x14: {  	s18 =	sadd.s32 $0x2EA00, s1;
	s6 =	simm.s32 $0x2;
	[dreg:$0x3] =	wrdreg s16  }
0x15: {  	[dreg:$0x4] =	wrdreg s18;
	s19 =	sadd.s32 s7, s17;
	s20 =	sor.u32 $0x10, s17  }
0x16: {  	s22 =	sor.u32 $0x20, s17;
	s23 =	sor.u32 $0x30, s17;
	s14 =	sadd.s32 s8, s17  }
0x17: {  	s18 =	sadd.s32 $0x58A00, s1;
	s1 =	simm.s32 $0x4F00;
	[dreg:$0x5] =	wrdreg s19  }
0x18: {  	s21 =	sadd.s32 s7, s20;
	s11 =	sadd.s32 s7, s22;
	s7 =	sadd.s32 s7, s23  }
.Ltmp0:
0x19: {  	s15 =	sadd.s32 s8, s20;
	s16 =	sadd.s32 s8, s22;
	(pc) =	sbr.rel .LBB2_1-.Ltmp0, $4  }
0x1a: {  	s17 =	sadd.s32 s8, s23;
	s19 =	smax.u32 s0, $0x1;
	s20 =	simm.s32 $0x80  }
0x1b: {  	s22 =	simm.s32 $0x2780;
	s23 =	simm.s32 $0x7680;
	[dreg:$0x6] =	wrdreg s21  }
0x1c: {  	s0 =	simm.s32 $0x11480;
	s8 =	simm.s32 $0x0;
	[dreg:$0x7] =	wrdreg s11  }
0x1d: {  	v0 =	vimm.f32 $0.0e+00;
	[dreg:$0x8] =	wrdreg s7;
	s21 =	simm.s32 $0x400;
	s7 =	simm.s32 $0x3  }
.LBB2_10:
0x1e: {  	[hbm4b:s14+s20] =	stream.strided.scatter [tilespmem:s0], [sflag:$0x3], $0x2780, s21, s20, $0x38;
	[tilespmem:$0x1E480] =	vst v63  }
0x1f: {  	_ =	swait.ge [sflag:s7], $0x2780  }
0x20: {  	[sflag:s7] =	ssyncset.done $0x0  }
0x21: {  	[sflag:s7] =	ssyncadd.s32 $0xFFFFD880  }
0x22: {  	[hbm4b:s15+s20] =	stream.strided.scatter [tilespmem:s28], [sflag:$0x3], $0x2780, s21, s20, $0x38;
	[tilespmem:$0x1E480] =	vst v63  }
0x23: {  	_ =	swait.ge [sflag:s7], $0x2780  }
0x24: {  	[sflag:s7] =	ssyncset.done $0x0  }
0x25: {  	[sflag:s7] =	ssyncadd.s32 $0xFFFFD880  }
0x26: {  	[hbm4b:s16+s20] =	stream.strided.scatter [tilespmem:s29], [sflag:$0x3], $0x2780, s21, s20, $0x38;
	[tilespmem:$0x1E480] =	vst v63  }
0x27: {  	_ =	swait.ge [sflag:s7], $0x2780  }
0x28: {  	[sflag:s7] =	ssyncset.done $0x0  }
0x29: {  	[sflag:s7] =	ssyncadd.s32 $0xFFFFD880  }
0x2a: {  	[hbm4b:s17+s20] =	stream.strided.scatter [tilespmem:s5], [sflag:$0x3], $0x2780, s21, s20, $0x38;
	[tilespmem:$0x1E480] =	vst v63  }
0x2b: {  	s9 =	simm.s32 @!p0 $0x80;
	_ =	swait.ge [sflag:s7], $0x2780  }
0x2c: {  	s10 =	simm.s32 @!p0 $0x400;
	s8 =	sadd.s32 $0x1, s8;
	[sflag:s7] =	ssyncset.done $0x0  }
0x2d: {  	s11 =	simm.s32 @!p0 $0x4F00;
	p1 =	sne.s32 s8, s19;
	[sflag:s7] =	ssyncadd.s32 $0xFFFFD880  }
0x2e: {  	[hbm4b:s18+s9] =	stream.strided.scatter @!p0 [tilespmem:s11], [sflag:$0x3], $0x2780, s10, s9, $0x38;
	[tilespmem:$0x1E480] =	vst v63  }
.Ltmp1:
0x2f: {  	_ = 	snop;
	(pc) =	sbr.rel @!p1 .LBB2_11-.Ltmp1, $4  }
0x30: {  	s9 =	simm.s32 @!p0 $0x3  }
0x31: {  	_ =	swait.ge @!p0 [sflag:s9], $0x2780  }
0x32: {  	[sflag:s9] =	ssyncset.done @!p0 $0x0  }
0x33: {  	[sflag:s9] =	ssyncadd.s32 @!p0 $0xFFFFD880  }
.LBB2_1:
0x34: {  	s9 =	rddreg [dreg:$0x3]  }
0x35: {  	[tilespmem:s3], [sflag:$0x1] =	stream.strided.gather [hbm4b:s9+s20], $0x2780, s21, s20, $0x38;
	[tilespmem:$0x1E480] =	vst v63  }
0x36: {  	s13 =	rddreg [dreg:$0x4]  }
0x37: {  	[tilespmem:s22], [sflag:$0x1] =	stream.strided.gather [hbm4b:s13+s20], $0x2780, s21, s20, $0x38;
	[tilespmem:$0x1E480] =	vst v63  }
0x38: {  	s10 =	rddreg [dreg:$0x5]  }
0x39: {  	[tilespmem:s23], [sflag:$0x1] =	stream.strided.gather [hbm4b:s10+s20], $0x2780, s21, s20, $0x38;
	[tilespmem:$0x1E480] =	vst v63  }
0x3a: {  	s11 =	rddreg [dreg:$0x6]  }
0x3b: {  	[tilespmem:s24], [sflag:$0x1] =	stream.strided.gather [hbm4b:s11+s20], $0x2780, s21, s20, $0x38;
	[tilespmem:$0x1E480] =	vst v63  }
0x3c: {  	s12 =	rddreg [dreg:$0x7]  }
0x3d: {  	[tilespmem:s25], [sflag:$0x1] =	stream.strided.gather [hbm4b:s12+s20], $0x2780, s21, s20, $0x38;
	[tilespmem:$0x1E480] =	vst v63  }
0x3e: {  	s9 =	simm.s32 $0x0;
	s13 =	rddreg [dreg:$0x8];
	s10 =	simm.s32 $0x40  }
0x3f: {  	[tilespmem:s26], [sflag:$0x1] =	stream.strided.gather [hbm4b:s13+s20], $0x2780, s21, s20, $0x38;
	[tilespmem:$0x1E480] =	vst v63  }
.LBB2_2:
0x40: {  	p1 =	sne.s32 s10, $0x9C00;
	[tilespmem:s9+$0x18B00] =	vst v0;
	s11 =	smov.u32 s10;
	s10 =	sadd.s32 $0x40, s10  }
.Ltmp2:
0x41: {  	[tilespmem:s9+$0x16380] =	vst v0;
	(pc) =	sbr.rel @p1 .LBB2_2-.Ltmp2, $4  }
0x42: {  	[tilespmem:s9+$0x13C00] =	vst v0  }
0x43: {  	[tilespmem:s9+$0x4F00] =	vst v0  }
0x44: {  	[tilespmem:s9+$0x11480] =	vst v0  }
0x45: {  	s9 =	sshra.s32 s11, $0x2  }
0x46: {  	[tilespmem:s9+$0x18B00] =	vst v0  }
0x47: {  	[tilespmem:s9+$0x16380] =	vst v0  }
0x48: {  	[tilespmem:s9+$0x13C00] =	vst v0  }
0x49: {  	[tilespmem:s9+$0x4F00] =	vst v0  }
0x4a: {  	[tilespmem:s9+$0x11480] =	vst v0  }
0x4b: {  	_ =	swait.ge [sflag:s4], $0x2780  }
0x4c: {  	[sflag:s4] =	ssyncset.done $0x0  }
0x4d: {  	[sflag:s4] =	ssyncadd.s32 $0xFFFFD880  }
0x4e: {  	_ =	swait.ge [sflag:s4], $0x2780  }
0x4f: {  	[sflag:s4] =	ssyncset.done $0x0  }
0x50: {  	[sflag:s4] =	ssyncadd.s32 $0xFFFFD880  }
0x51: {  	_ =	swait.ge [sflag:s4], $0x2780  }
0x52: {  	[sflag:s4] =	ssyncset.done $0x0  }
0x53: {  	[sflag:s4] =	ssyncadd.s32 $0xFFFFD880  }
0x54: {  	_ =	swait.ge [sflag:s4], $0x2780  }
0x55: {  	[sflag:s4] =	ssyncset.done $0x0  }
0x56: {  	[sflag:s4] =	ssyncadd.s32 $0xFFFFD880  }
0x57: {  	_ =	swait.ge [sflag:s4], $0x2780  }
0x58: {  	[sflag:s4] =	ssyncset.done $0x0  }
0x59: {  	[sflag:s4] =	ssyncadd.s32 $0xFFFFD880  }
0x5a: {  	_ =	swait.ge [sflag:s4], $0x2780  }
0x5b: {  	[sflag:s4] =	ssyncset.done $0x0  }
0x5c: {  	s9 =	simm.s32 $0x0;
	s10 =	simm.s32 $0x1B280;
	[sflag:s4] =	ssyncadd.s32 $0xFFFFD880  }
0x5d: {  	[tilespmem:s10], [sflag:$0x1] =	stream.linear.gather [hbm4b:s2+s9], $0xC80, $0x38;
	[tilespmem:$0x1E480] =	vst v63  }
0x5e: {  	s11 =	simm.s32 $0x1BF00;
	s13 =	rddreg [dreg:$0x9]  }
0x5f: {  	[tilespmem:s11], [sflag:$0x1] =	stream.linear.gather [hbm4b:s13+s9], $0xC80, $0x38;
	[tilespmem:$0x1E480] =	vst v63  }
0x60: {  	s12 =	rddreg [dreg:$0xa]  }
0x61: {  	[tilespmem:s30], [sflag:$0x2] =	stream.linear.gather [hbm4b:s12+s9], $0xC80, $0x38;
	[tilespmem:$0x1E480] =	vst v63  }
0x62: {  	s13 =	rddreg [dreg:$0xb]  }
0x63: {  	[tilespmem:s31], [sflag:$0x2] =	stream.linear.gather [hbm4b:s13+s9], $0xC80, $0x38;
	[tilespmem:$0x1E480] =	vst v63  }
.LBB2_4:
0x64: {  	_ =	swait.ge [sflag:s4], $0xC80  }
0x65: {  	[sflag:s4] =	ssyncset.done $0x0  }
0x66: {  	[sflag:s4] =	ssyncadd.s32 $0xFFFFF380  }
0x67: {  	_ =	swait.ge [sflag:s4], $0xC80  }
0x68: {  	[sflag:s4] =	ssyncset.done $0x0  }
0x69: {  	s10 =	simm.s32 $0x1B2A0;
	[sflag:s4] =	ssyncadd.s32 $0xFFFFF380  }
0x6a: {  	s11 =	simm.s32 $0x1BF20;
	v5 =	vld [tilespmem:s10+$0x0]  }
0x6b: {  	v2 =	vld [tilespmem:s11+$0x0]  }
0x6c: {  	v6 =	vld [tilespmem:s10+$0xFFFFFFE0]  }
0x6d: {  	v3 =	vld [tilespmem:s11+$0xFFFFFFE0]  }
0x6e: {  	v7 =	vld [tilespmem:s10+$0xFFFFFFF0]  }
0x6f: {  	v1 =	vld [tilespmem:s11+$0xFFFFFFF0]  }
0x70: {  	v8 =	vld [tilespmem:s10+$0x10]  }
0x71: {  	v4 =	vld [tilespmem:s11+$0x10]  }
0x72: {  	v9 =	vld.idx.msk [tilespmem:v5+s3+$0x0], $0xffff  }
0x73: {  	v10 =	vld.idx.msk [tilespmem:v2+s22+$0x0], $0xffff;
	_ =	sdelay $0x2  }
0x74: {  	v11 =	vld.idx.msk [tilespmem:v6+s3+$0x0], $0xffff  }
0x75: {  	v12 =	vld.idx.msk [tilespmem:v3+s22+$0x0], $0xffff  }
0x76: {  	v13 =	vld.idx.msk [tilespmem:v1+s22+$0x0], $0xffff;
	v9 =	vadd.f32 v10, v9  }
0x77: {  	v15 =	vld.idx.msk [tilespmem:v8+s3+$0x0], $0xffff  }
0x78: {  	v10 =	vld.idx.msk [tilespmem:v7+s3+$0x0], $0xffff;
	v14 =	vmul.f32 $2.000000030e-01, v9  }
0x79: {  	v16 =	vld.idx.msk [tilespmem:v4+s22+$0x0], $0xffff  }
0x7a: {  	v18 =	vld.idx.msk [tilespmem:v7+s24+$0x0], $0xffff;
	v11 =	vadd.f32 v12, v11;
	v9 =	vmax.f32 v9, v14  }
0x7b: {  	v19 =	vld.idx.msk [tilespmem:v5+s24+$0x0], $0xffff;
	v9 =	vmul.f32 $1.442695020e+00, v9  }
0x7c: {  	v20 =	vld.idx.msk [tilespmem:v8+s23+$0x0], $0xffff;
	v17 =	vmul.f32 $2.000000030e-01, v11  }
0x7d: {  	v21 =	vld.idx.msk [tilespmem:v8+s24+$0x0], $0xffff;
	(erf) = vpow2.f32 v9;
	v9 =	vadd.f32 v13, v10  }
0x7e: {  	v22 =	vld.idx.msk [tilespmem:v6+s24+$0x0], $0xffff;
	v10 =	vmax.f32 v11, v17  }
0x7f: {  	v12 =	vld.idx.msk [tilespmem:v6+s25+$0x0], $0xffff;
	v15 =	vadd.f32 v16, v15;
	v10 =	vmul.f32 $1.442695020e+00, v10;
	v17 =	vmul.f32 $2.000000030e-01, v9  }
0x80: {  	v16 =	vld.idx.msk [tilespmem:v5+s25+$0x0], $0xffff  }
0x81: {  	v14 =	vld.idx.msk [tilespmem:v7+s26+$0x0], $0xffff;
	(erf) = vpow2.f32 v10;
	v9 =	vmax.f32 v9, v17;
	v17 =	vmul.f32 $2.000000030e-01, v15  }
0x82: {  	v11 =	vld.idx.msk [tilespmem:v5+s26+$0x0], $0xffff;
	v9 =	vmul.f32 $1.442695020e+00, v9  }
0x83: {  	v5 =	vld.idx.msk [tilespmem:v5+s23+$0x0], $0xffff;
	v15 =	vmax.f32 v15, v17  }
0x84: {  	v13 =	vld.idx.msk [tilespmem:v8+s26+$0x0], $0xffff;
	v15 =	vmul.f32 $1.442695020e+00, v15;
	(erf) = vpow2.f32 v9  }
0x85: {  	v10 =	vld.idx.msk [tilespmem:v6+s23+$0x0], $0xffff  }
0x86: {  	v17 =	vld.idx.msk [tilespmem:v7+s23+$0x0], $0xffff;
	v9 =	vpop (erf);
	(erf) = vpow2.f32 v15  }
0x87: {  	v15 =	vld.idx.msk [tilespmem:v8+s25+$0x0], $0xffff  }
0x88: {  	v8 =	vld.idx.msk [tilespmem:v6+s26+$0x0], $0xffff;
	v5 =	vmul.f32 v9, v5  }
0x89: {  	[tilespmem:v2+s1+$0x0] =	vst.idx.add.f32.msk $0xffff, v9  }
0x8a: {  	v6 =	vmul.f32 v9, v19;
	[tilespmem:v2+s0+$0x0] =	vst.idx.add.f32.msk $0xffff, v5;
	v19 =	vpop (erf)  }
0x8b: {  	[tilespmem:v3+s1+$0x0] =	vst.idx.add.f32.msk $0xffff, v19  }
0x8c: {  	v5 =	vmul.f32 v9, v11;
	v10 =	vmul.f32 v19, v10;
	[tilespmem:v2+s28+$0x0] =	vst.idx.add.f32.msk $0xffff, v6  }
0x8d: {  	v6 =	vmul.f32 v9, v16;
	v9 =	vmul.f32 v19, v12;
	v12 =	vld.idx.msk [tilespmem:v7+s25+$0x0], $0xffff;
	v11 =	vpop (erf)  }
0x8e: {  	[tilespmem:v3+s0+$0x0] =	vst.idx.add.f32.msk $0xffff, v10;
	v16 =	vmul.f32 v11, v17  }
0x8f: {  	v8 =	vmul.f32 v19, v8;
	v7 =	vmul.f32 v11, v14;
	[tilespmem:v1+s1+$0x0] =	vst.idx.add.f32.msk $0xffff, v11;
	v14 =	vpop (erf)  }
0x90: {  	v10 =	vmul.f32 v11, v18;
	v17 =	vmul.f32 v14, v20;
	[tilespmem:v1+s0+$0x0] =	vst.idx.add.f32.msk $0xffff, v16  }
0x91: {  	v16 =	vmul.f32 v14, v21;
	v15 =	vmul.f32 v14, v15;
	[tilespmem:v4+s1+$0x0] =	vst.idx.add.f32.msk $0xffff, v14  }
0x92: {  	s12 =	simm.s32 $0x1BF60;
	s11 =	simm.s32 $0x0;
	v13 =	vmul.f32 v14, v13;
	v14 =	vmul.f32 v19, v22;
	[tilespmem:v4+s0+$0x0] =	vst.idx.add.f32.msk $0xffff, v17  }
.LBB2_5:
0x93: {  	s11 =	sadd.s32 $0x4, s11;
	[tilespmem:v4+s28+$0x0] =	vst.idx.add.f32.msk $0xffff, v16;
	s10 =	sadd.s32 $0x40, s10  }
0x94: {  	v11 =	vmul.f32 v11, v12;
	p1 =	slt.u32 s11, $0xC4;
	[tilespmem:v4+s29+$0x0] =	vst.idx.add.f32.msk $0xffff, v15  }
0x95: {  	v12 =	vld [tilespmem:s10+$0xFFFFFFE0]  }
0x96: {  	v15 =	vld [tilespmem:s12+$0xFFFFFFE0]  }
0x97: {  	v16 =	vld [tilespmem:s10+$0xFFFFFFF0]  }
0x98: {  	v17 =	vld [tilespmem:s12+$0xFFFFFFF0]  }
0x99: {  	v18 =	vld [tilespmem:s12+$0x0]  }
0x9a: {  	v19 =	vld [tilespmem:s10+$0x0]  }
0x9b: {  	v20 =	vld [tilespmem:s12+$0x10]  }
0x9c: {  	v21 =	vld [tilespmem:s10+$0x10]  }
0x9d: {  	[tilespmem:v4+s5+$0x0] =	vst.idx.add.f32.msk $0xffff, v13  }
0x9e: {  	[tilespmem:v3+s28+$0x0] =	vst.idx.add.f32.msk $0xffff, v14  }
0x9f: {  	v13 =	vld.idx.msk [tilespmem:v16+s3+$0x0], $0xffff  }
0xa0: {  	v14 =	vld.idx.msk [tilespmem:v12+s3+$0x0], $0xffff;
	v4 =	vmov v20  }
0xa1: {  	v20 =	vld.idx.msk [tilespmem:v17+s22+$0x0], $0xffff  }
0xa2: {  	v22 =	vld.idx.msk [tilespmem:v19+s3+$0x0], $0xffff  }
0xa3: {  	v23 =	vld.idx.msk [tilespmem:v18+s22+$0x0], $0xffff  }
0xa4: {  	[tilespmem:v1+s28+$0x0] =	vst.idx.add.f32.msk $0xffff, v10  }
0xa5: {  	[tilespmem:v3+s29+$0x0] =	vst.idx.add.f32.msk $0xffff, v9  }
0xa6: {  	[tilespmem:v2+s29+$0x0] =	vst.idx.add.f32.msk $0xffff, v6  }
0xa7: {  	v6 =	vadd.f32 v20, v13;
	[tilespmem:v2+s5+$0x0] =	vst.idx.add.f32.msk $0xffff, v5;
	v2 =	vmov v18  }
0xa8: {  	v5 =	vld.idx.msk [tilespmem:v15+s22+$0x0], $0xffff  }
0xa9: {  	v9 =	vmul.f32 $2.000000030e-01, v6;
	v10 =	vadd.f32 v23, v22;
	v13 =	vld.idx.msk [tilespmem:v21+s3+$0x0], $0xffff  }
0xaa: {  	v18 =	vld.idx.msk [tilespmem:v4+s22+$0x0], $0xffff  }
0xab: {  	v6 =	vmax.f32 v6, v9;
	v9 =	vmul.f32 $2.000000030e-01, v10;
	[tilespmem:v3+s5+$0x0] =	vst.idx.add.f32.msk $0xffff, v8;
	v3 =	vmov v15  }
0xac: {  	v6 =	vmul.f32 $1.442695020e+00, v6;
	[tilespmem:v1+s29+$0x0] =	vst.idx.add.f32.msk $0xffff, v11  }
0xad: {  	v8 =	vmax.f32 v10, v9;
	[tilespmem:v1+s5+$0x0] =	vst.idx.add.f32.msk $0xffff, v7;
	v1 =	vmov v17  }
0xae: {  	v5 =	vadd.f32 v5, v14;
	v8 =	vmul.f32 $1.442695020e+00, v8;
	v7 =	vld.idx.msk [tilespmem:v16+s26+$0x0], $0xffff  }
0xaf: {  	v9 =	vld.idx.msk [tilespmem:v12+s25+$0x0], $0xffff  }
0xb0: {  	v10 =	vmul.f32 $2.000000030e-01, v5;
	v11 =	vadd.f32 v18, v13;
	v14 =	vld.idx.msk [tilespmem:v16+s24+$0x0], $0xffff;
	(erf) = vpow2.f32 v8  }
0xb1: {  	v13 =	vld.idx.msk [tilespmem:v21+s26+$0x0], $0xffff  }
0xb2: {  	v5 =	vmax.f32 v5, v10;
	v10 =	vmul.f32 $2.000000030e-01, v11;
	v8 =	vld.idx.msk [tilespmem:v19+s26+$0x0], $0xffff  }
0xb3: {  	v5 =	vmul.f32 $1.442695020e+00, v5;
	v15 =	vld.idx.msk [tilespmem:v19+s25+$0x0], $0xffff  }
0xb4: {  	v10 =	vmax.f32 v11, v10;
	v17 =	vld.idx.msk [tilespmem:v19+s24+$0x0], $0xffff  }
0xb5: {  	v10 =	vmul.f32 $1.442695020e+00, v10;
	v11 =	vld.idx.msk [tilespmem:v19+s23+$0x0], $0xffff;
	(erf) = vpow2.f32 v5  }
0xb6: {  	v18 =	vld.idx.msk [tilespmem:v12+s23+$0x0], $0xffff;
	(erf) = vpow2.f32 v6  }
0xb7: {  	v19 =	vld.idx.msk [tilespmem:v16+s23+$0x0], $0xffff  }
0xb8: {  	v20 =	vld.idx.msk [tilespmem:v21+s23+$0x0], $0xffff  }
0xb9: {  	v22 =	vld.idx.msk [tilespmem:v21+s24+$0x0], $0xffff;
	v23 =	vpop (erf);
	(erf) = vpow2.f32 v10  }
0xba: {  	v17 =	vmul.f32 v23, v17;
	v6 =	vmul.f32 v23, v15;
	[tilespmem:v2+s1+$0x0] =	vst.idx.add.f32.msk $0xffff, v23  }
0xbb: {  	v5 =	vmul.f32 v23, v8;
	v15 =	vld.idx.msk [tilespmem:v21+s25+$0x0], $0xffff  }
0xbc: {  	v10 =	vmul.f32 v23, v11;
	v8 =	vld.idx.msk [tilespmem:v12+s26+$0x0], $0xffff  }
0xbd: {  	v21 =	vld.idx.msk [tilespmem:v12+s24+$0x0], $0xffff  }
0xbe: {  	[tilespmem:v2+s0+$0x0] =	vst.idx.add.f32.msk $0xffff, v10;
	v23 =	vpop (erf)  }
0xbf: {  	v12 =	vmul.f32 v23, v18;
	v9 =	vmul.f32 v23, v9;
	[tilespmem:v3+s1+$0x0] =	vst.idx.add.f32.msk $0xffff, v23;
	v11 =	vpop (erf)  }
0xc0: {  	v18 =	vmul.f32 v11, v19;
	v10 =	vmul.f32 v11, v14;
	[tilespmem:v2+s28+$0x0] =	vst.idx.add.f32.msk $0xffff, v17  }
0xc1: {  	v7 =	vmul.f32 v11, v7;
	[tilespmem:v3+s0+$0x0] =	vst.idx.add.f32.msk $0xffff, v12  }
.Ltmp3:
0xc2: {  	v8 =	vmul.f32 v23, v8;
	v12 =	vld.idx.msk [tilespmem:v16+s25+$0x0], $0xffff;
	v17 =	vpop (erf);
	(pc) =	sbr.rel @p1 .LBB2_5-.Ltmp3, $4  }
0xc3: {  	[tilespmem:v1+s1+$0x0] =	vst.idx.add.f32.msk $0xffff, v11;
	v19 =	vmul.f32 v17, v20;
	v16 =	vmul.f32 v17, v22  }
0xc4: {  	v15 =	vmul.f32 v17, v15;
	v13 =	vmul.f32 v17, v13;
	[tilespmem:v1+s0+$0x0] =	vst.idx.add.f32.msk $0xffff, v18  }
0xc5: {  	v14 =	vmul.f32 v23, v21;
	[tilespmem:v4+s1+$0x0] =	vst.idx.add.f32.msk $0xffff, v17  }
0xc6: {  	s12 =	sadd.s32 $0x40, s12;
	[tilespmem:v4+s0+$0x0] =	vst.idx.add.f32.msk $0xffff, v19  }
0xc7: {  	_ =	sdelay $0x3  }
0xc8: {  	[tilespmem:v4+s28+$0x0] =	vst.idx.add.f32.msk $0xffff, v16  }
0xc9: {  	[tilespmem:v3+s28+$0x0] =	vst.idx.add.f32.msk $0xffff, v14  }
0xca: {  	[tilespmem:v1+s28+$0x0] =	vst.idx.add.f32.msk $0xffff, v10  }
0xcb: {  	[tilespmem:v2+s29+$0x0] =	vst.idx.add.f32.msk $0xffff, v6  }
0xcc: {  	[tilespmem:v4+s29+$0x0] =	vst.idx.add.f32.msk $0xffff, v15  }
0xcd: {  	p1 =	seq.s32 s9, $0x31;
	[tilespmem:v3+s29+$0x0] =	vst.idx.add.f32.msk $0xffff, v9  }
0xce: {  	s10 =	smul.u32 @!p1 $0x1900, s9;
	[tilespmem:v2+s5+$0x0] =	vst.idx.add.f32.msk $0xffff, v5  }
0xcf: {  	[tilespmem:v4+s5+$0x0] =	vst.idx.add.f32.msk $0xffff, v13;
	v4 =	vmul.f32 v11, v12  }
0xd0: {  	[tilespmem:v3+s5+$0x0] =	vst.idx.add.f32.msk $0xffff, v8;
	s10 =	sshrl.u32 @!p1 s10, $0x3  }
0xd1: {  	[tilespmem:v1+s29+$0x0] =	vst.idx.add.f32.msk $0xffff, v4;
	s10 =	sadd.s32 @!p1 s2, s10  }
0xd2: {  	s12 =	simm.s32 @!p1 $0x0;
	s13 =	simm.s32 @!p1 $0x1B280;
	[tilespmem:v1+s5+$0x0] =	vst.idx.add.f32.msk $0xffff, v7;
	s11 =	sadd.s32 @!p1 $0x320, s10  }
0xd3: {  	[tilespmem:s13], [sflag:$0x1] =	stream.linear.gather @!p1 [hbm4b:s11+s12], $0xC80, $0x38;
	[tilespmem:$0x1E480] =	vst v63  }
0xd4: {  	s10 =	sadd.s32 @!p1 $0x9F60, s10;
	s11 =	simm.s32 @!p1 $0x1BF00  }
0xd5: {  	[tilespmem:s11], [sflag:$0x1] =	stream.linear.gather @!p1 [hbm4b:s10+s12], $0xC80, $0x38;
	[tilespmem:$0x1E480] =	vst v63  }
0xd6: {  	_ =	swait.ge [sflag:s6], $0xC80  }
0xd7: {  	[sflag:s6] =	ssyncset.done $0x0  }
0xd8: {  	[sflag:s6] =	ssyncadd.s32 $0xFFFFF380  }
0xd9: {  	_ =	swait.ge [sflag:s6], $0xC80  }
0xda: {  	[sflag:s6] =	ssyncset.done $0x0  }
0xdb: {  	s10 =	simm.s32 $0x1CBA0;
	[sflag:s6] =	ssyncadd.s32 $0xFFFFF380  }
0xdc: {  	s13 =	simm.s32 $0x1D820;
	v5 =	vld [tilespmem:s10+$0x0]  }
0xdd: {  	v1 =	vld [tilespmem:s13+$0x0]  }
0xde: {  	v6 =	vld [tilespmem:s10+$0xFFFFFFE0]  }
0xdf: {  	v2 =	vld [tilespmem:s13+$0xFFFFFFE0]  }
0xe0: {  	v7 =	vld [tilespmem:s10+$0xFFFFFFF0]  }
0xe1: {  	v3 =	vld [tilespmem:s13+$0xFFFFFFF0]  }
0xe2: {  	v8 =	vld [tilespmem:s10+$0x10]  }
0xe3: {  	v4 =	vld [tilespmem:s13+$0x10]  }
0xe4: {  	v9 =	vld.idx.msk [tilespmem:v5+s3+$0x0], $0xffff  }
0xe5: {  	v10 =	vld.idx.msk [tilespmem:v1+s22+$0x0], $0xffff;
	_ =	sdelay $0x2  }
0xe6: {  	v11 =	vld.idx.msk [tilespmem:v6+s3+$0x0], $0xffff  }
0xe7: {  	v12 =	vld.idx.msk [tilespmem:v2+s22+$0x0], $0xffff  }
0xe8: {  	v13 =	vld.idx.msk [tilespmem:v3+s22+$0x0], $0xffff;
	v9 =	vadd.f32 v10, v9  }
0xe9: {  	v15 =	vld.idx.msk [tilespmem:v8+s3+$0x0], $0xffff  }
0xea: {  	v10 =	vld.idx.msk [tilespmem:v7+s3+$0x0], $0xffff;
	v14 =	vmul.f32 $2.000000030e-01, v9  }
0xeb: {  	v16 =	vld.idx.msk [tilespmem:v4+s22+$0x0], $0xffff  }
0xec: {  	v18 =	vld.idx.msk [tilespmem:v7+s24+$0x0], $0xffff;
	v11 =	vadd.f32 v12, v11;
	v9 =	vmax.f32 v9, v14  }
0xed: {  	v19 =	vld.idx.msk [tilespmem:v5+s24+$0x0], $0xffff;
	v9 =	vmul.f32 $1.442695020e+00, v9  }
0xee: {  	v20 =	vld.idx.msk [tilespmem:v8+s23+$0x0], $0xffff;
	v17 =	vmul.f32 $2.000000030e-01, v11  }
0xef: {  	v21 =	vld.idx.msk [tilespmem:v8+s24+$0x0], $0xffff;
	(erf) = vpow2.f32 v9;
	v9 =	vadd.f32 v13, v10  }
0xf0: {  	v22 =	vld.idx.msk [tilespmem:v6+s24+$0x0], $0xffff;
	v10 =	vmax.f32 v11, v17  }
0xf1: {  	v12 =	vld.idx.msk [tilespmem:v6+s25+$0x0], $0xffff;
	v15 =	vadd.f32 v16, v15;
	v10 =	vmul.f32 $1.442695020e+00, v10;
	v17 =	vmul.f32 $2.000000030e-01, v9  }
0xf2: {  	v16 =	vld.idx.msk [tilespmem:v5+s25+$0x0], $0xffff  }
0xf3: {  	v14 =	vld.idx.msk [tilespmem:v7+s26+$0x0], $0xffff;
	(erf) = vpow2.f32 v10;
	v9 =	vmax.f32 v9, v17;
	v17 =	vmul.f32 $2.000000030e-01, v15  }
0xf4: {  	v11 =	vld.idx.msk [tilespmem:v5+s26+$0x0], $0xffff;
	v9 =	vmul.f32 $1.442695020e+00, v9  }
0xf5: {  	v5 =	vld.idx.msk [tilespmem:v5+s23+$0x0], $0xffff;
	v15 =	vmax.f32 v15, v17  }
0xf6: {  	v13 =	vld.idx.msk [tilespmem:v8+s26+$0x0], $0xffff;
	v15 =	vmul.f32 $1.442695020e+00, v15;
	(erf) = vpow2.f32 v9  }
0xf7: {  	v10 =	vld.idx.msk [tilespmem:v6+s23+$0x0], $0xffff  }
0xf8: {  	v17 =	vld.idx.msk [tilespmem:v7+s23+$0x0], $0xffff;
	v9 =	vpop (erf);
	(erf) = vpow2.f32 v15  }
0xf9: {  	v15 =	vld.idx.msk [tilespmem:v8+s25+$0x0], $0xffff  }
0xfa: {  	v8 =	vld.idx.msk [tilespmem:v6+s26+$0x0], $0xffff;
	v5 =	vmul.f32 v9, v5  }
0xfb: {  	[tilespmem:v1+s1+$0x0] =	vst.idx.add.f32.msk $0xffff, v9  }
0xfc: {  	v6 =	vmul.f32 v9, v19;
	[tilespmem:v1+s0+$0x0] =	vst.idx.add.f32.msk $0xffff, v5;
	v19 =	vpop (erf)  }
0xfd: {  	[tilespmem:v2+s1+$0x0] =	vst.idx.add.f32.msk $0xffff, v19  }
0xfe: {  	v5 =	vmul.f32 v9, v11;
	v10 =	vmul.f32 v19, v10;
	[tilespmem:v1+s28+$0x0] =	vst.idx.add.f32.msk $0xffff, v6  }
0xff: {  	v6 =	vmul.f32 v9, v16;
	v9 =	vmul.f32 v19, v12;
	v12 =	vld.idx.msk [tilespmem:v7+s25+$0x0], $0xffff;
	v11 =	vpop (erf)  }
0x100: {  	[tilespmem:v2+s0+$0x0] =	vst.idx.add.f32.msk $0xffff, v10;
	v16 =	vmul.f32 v11, v17  }
0x101: {  	v8 =	vmul.f32 v19, v8;
	v7 =	vmul.f32 v11, v14;
	[tilespmem:v3+s1+$0x0] =	vst.idx.add.f32.msk $0xffff, v11;
	v14 =	vpop (erf)  }
0x102: {  	v10 =	vmul.f32 v11, v18;
	v17 =	vmul.f32 v14, v20;
	[tilespmem:v3+s0+$0x0] =	vst.idx.add.f32.msk $0xffff, v16  }
0x103: {  	v16 =	vmul.f32 v14, v21;
	v15 =	vmul.f32 v14, v15;
	[tilespmem:v4+s1+$0x0] =	vst.idx.add.f32.msk $0xffff, v14  }
0x104: {  	s11 =	simm.s32 $0x0;
	s12 =	simm.s32 $0x1D860;
	v13 =	vmul.f32 v14, v13;
	v14 =	vmul.f32 v19, v22;
	[tilespmem:v4+s0+$0x0] =	vst.idx.add.f32.msk $0xffff, v17  }
.LBB2_7:
0x105: {  	s11 =	sadd.s32 $0x4, s11;
	[tilespmem:v4+s28+$0x0] =	vst.idx.add.f32.msk $0xffff, v16;
	s10 =	sadd.s32 $0x40, s10  }
0x106: {  	v11 =	vmul.f32 v11, v12;
	p2 =	slt.u32 s11, $0xC4;
	[tilespmem:v4+s29+$0x0] =	vst.idx.add.f32.msk $0xffff, v15  }
0x107: {  	v12 =	vld [tilespmem:s10+$0xFFFFFFE0]  }
0x108: {  	v15 =	vld [tilespmem:s12+$0xFFFFFFE0]  }
0x109: {  	v16 =	vld [tilespmem:s10+$0xFFFFFFF0]  }
0x10a: {  	v17 =	vld [tilespmem:s12+$0xFFFFFFF0]  }
0x10b: {  	v18 =	vld [tilespmem:s12+$0x0]  }
0x10c: {  	v19 =	vld [tilespmem:s10+$0x0]  }
0x10d: {  	v20 =	vld [tilespmem:s12+$0x10]  }
0x10e: {  	v21 =	vld [tilespmem:s10+$0x10]  }
0x10f: {  	[tilespmem:v4+s5+$0x0] =	vst.idx.add.f32.msk $0xffff, v13  }
0x110: {  	[tilespmem:v2+s28+$0x0] =	vst.idx.add.f32.msk $0xffff, v14  }
0x111: {  	v13 =	vld.idx.msk [tilespmem:v16+s3+$0x0], $0xffff  }
0x112: {  	v14 =	vld.idx.msk [tilespmem:v12+s3+$0x0], $0xffff;
	v4 =	vmov v20  }
0x113: {  	v20 =	vld.idx.msk [tilespmem:v17+s22+$0x0], $0xffff  }
0x114: {  	v22 =	vld.idx.msk [tilespmem:v19+s3+$0x0], $0xffff  }
0x115: {  	v23 =	vld.idx.msk [tilespmem:v18+s22+$0x0], $0xffff  }
0x116: {  	[tilespmem:v3+s28+$0x0] =	vst.idx.add.f32.msk $0xffff, v10  }
0x117: {  	[tilespmem:v2+s29+$0x0] =	vst.idx.add.f32.msk $0xffff, v9  }
0x118: {  	[tilespmem:v1+s29+$0x0] =	vst.idx.add.f32.msk $0xffff, v6  }
0x119: {  	v6 =	vadd.f32 v20, v13;
	[tilespmem:v1+s5+$0x0] =	vst.idx.add.f32.msk $0xffff, v5;
	v1 =	vmov v18  }
0x11a: {  	v5 =	vld.idx.msk [tilespmem:v15+s22+$0x0], $0xffff  }
0x11b: {  	v9 =	vmul.f32 $2.000000030e-01, v6;
	v10 =	vadd.f32 v23, v22;
	v13 =	vld.idx.msk [tilespmem:v21+s3+$0x0], $0xffff  }
0x11c: {  	v18 =	vld.idx.msk [tilespmem:v4+s22+$0x0], $0xffff  }
0x11d: {  	v6 =	vmax.f32 v6, v9;
	v9 =	vmul.f32 $2.000000030e-01, v10;
	[tilespmem:v2+s5+$0x0] =	vst.idx.add.f32.msk $0xffff, v8;
	v2 =	vmov v15  }
0x11e: {  	v6 =	vmul.f32 $1.442695020e+00, v6;
	[tilespmem:v3+s29+$0x0] =	vst.idx.add.f32.msk $0xffff, v11  }
0x11f: {  	v8 =	vmax.f32 v10, v9;
	[tilespmem:v3+s5+$0x0] =	vst.idx.add.f32.msk $0xffff, v7;
	v3 =	vmov v17  }
0x120: {  	v5 =	vadd.f32 v5, v14;
	v8 =	vmul.f32 $1.442695020e+00, v8;
	v7 =	vld.idx.msk [tilespmem:v16+s26+$0x0], $0xffff  }
0x121: {  	v9 =	vld.idx.msk [tilespmem:v12+s25+$0x0], $0xffff  }
0x122: {  	v10 =	vmul.f32 $2.000000030e-01, v5;
	v11 =	vadd.f32 v18, v13;
	v14 =	vld.idx.msk [tilespmem:v16+s24+$0x0], $0xffff;
	(erf) = vpow2.f32 v8  }
0x123: {  	v13 =	vld.idx.msk [tilespmem:v21+s26+$0x0], $0xffff  }
0x124: {  	v5 =	vmax.f32 v5, v10;
	v10 =	vmul.f32 $2.000000030e-01, v11;
	v8 =	vld.idx.msk [tilespmem:v19+s26+$0x0], $0xffff  }
0x125: {  	v5 =	vmul.f32 $1.442695020e+00, v5;
	v15 =	vld.idx.msk [tilespmem:v19+s25+$0x0], $0xffff  }
0x126: {  	v10 =	vmax.f32 v11, v10;
	v17 =	vld.idx.msk [tilespmem:v19+s24+$0x0], $0xffff  }
0x127: {  	v10 =	vmul.f32 $1.442695020e+00, v10;
	v11 =	vld.idx.msk [tilespmem:v19+s23+$0x0], $0xffff;
	(erf) = vpow2.f32 v5  }
0x128: {  	v18 =	vld.idx.msk [tilespmem:v12+s23+$0x0], $0xffff;
	(erf) = vpow2.f32 v6  }
0x129: {  	v19 =	vld.idx.msk [tilespmem:v16+s23+$0x0], $0xffff  }
0x12a: {  	v20 =	vld.idx.msk [tilespmem:v21+s23+$0x0], $0xffff  }
0x12b: {  	v22 =	vld.idx.msk [tilespmem:v21+s24+$0x0], $0xffff;
	v23 =	vpop (erf);
	(erf) = vpow2.f32 v10  }
0x12c: {  	v17 =	vmul.f32 v23, v17;
	v6 =	vmul.f32 v23, v15;
	[tilespmem:v1+s1+$0x0] =	vst.idx.add.f32.msk $0xffff, v23  }
0x12d: {  	v5 =	vmul.f32 v23, v8;
	v15 =	vld.idx.msk [tilespmem:v21+s25+$0x0], $0xffff  }
0x12e: {  	v10 =	vmul.f32 v23, v11;
	v8 =	vld.idx.msk [tilespmem:v12+s26+$0x0], $0xffff  }
0x12f: {  	v21 =	vld.idx.msk [tilespmem:v12+s24+$0x0], $0xffff  }
0x130: {  	[tilespmem:v1+s0+$0x0] =	vst.idx.add.f32.msk $0xffff, v10;
	v23 =	vpop (erf)  }
0x131: {  	v12 =	vmul.f32 v23, v18;
	v9 =	vmul.f32 v23, v9;
	[tilespmem:v2+s1+$0x0] =	vst.idx.add.f32.msk $0xffff, v23;
	v11 =	vpop (erf)  }
0x132: {  	v18 =	vmul.f32 v11, v19;
	v10 =	vmul.f32 v11, v14;
	[tilespmem:v1+s28+$0x0] =	vst.idx.add.f32.msk $0xffff, v17  }
0x133: {  	v7 =	vmul.f32 v11, v7;
	[tilespmem:v2+s0+$0x0] =	vst.idx.add.f32.msk $0xffff, v12  }
.Ltmp4:
0x134: {  	v8 =	vmul.f32 v23, v8;
	v12 =	vld.idx.msk [tilespmem:v16+s25+$0x0], $0xffff;
	v17 =	vpop (erf);
	(pc) =	sbr.rel @p2 .LBB2_7-.Ltmp4, $4  }
0x135: {  	[tilespmem:v3+s1+$0x0] =	vst.idx.add.f32.msk $0xffff, v11;
	v19 =	vmul.f32 v17, v20;
	v16 =	vmul.f32 v17, v22  }
0x136: {  	v15 =	vmul.f32 v17, v15;
	v13 =	vmul.f32 v17, v13;
	[tilespmem:v3+s0+$0x0] =	vst.idx.add.f32.msk $0xffff, v18  }
0x137: {  	v14 =	vmul.f32 v23, v21;
	[tilespmem:v4+s1+$0x0] =	vst.idx.add.f32.msk $0xffff, v17  }
0x138: {  	s12 =	sadd.s32 $0x40, s12;
	[tilespmem:v4+s0+$0x0] =	vst.idx.add.f32.msk $0xffff, v19  }
0x139: {  	_ =	sdelay $0x3  }
0x13a: {  	[tilespmem:v4+s28+$0x0] =	vst.idx.add.f32.msk $0xffff, v16  }
0x13b: {  	[tilespmem:v2+s28+$0x0] =	vst.idx.add.f32.msk $0xffff, v14  }
0x13c: {  	[tilespmem:v3+s28+$0x0] =	vst.idx.add.f32.msk $0xffff, v10  }
0x13d: {  	[tilespmem:v1+s29+$0x0] =	vst.idx.add.f32.msk $0xffff, v6  }
0x13e: {  	[tilespmem:v4+s29+$0x0] =	vst.idx.add.f32.msk $0xffff, v15  }
0x13f: {  	[tilespmem:v2+s29+$0x0] =	vst.idx.add.f32.msk $0xffff, v9  }
.Ltmp5:
0x140: {  	[tilespmem:v1+s5+$0x0] =	vst.idx.add.f32.msk $0xffff, v5;
	(pc) =	sbr.rel @p1 .LBB2_10-.Ltmp5, $4  }
0x141: {  	v63 =	vmul.f32 v11, v12;
	[tilespmem:v4+s5+$0x0] =	vst.idx.add.f32.msk $0xffff, v13  }
0x142: {  	[tilespmem:v2+s5+$0x0] =	vst.idx.add.f32.msk $0xffff, v8  }
0x143: {  	[tilespmem:v3+s29+$0x0] =	vst.idx.add.f32.msk $0xffff, v63  }
0x144: {  	[tilespmem:v3+s5+$0x0] =	vst.idx.add.f32.msk $0xffff, v7  }
0x145: {  	s10 =	smul.u32 $0x1900, s9;
	_ =	sdelay $0x1  }
0x146: {  	s10 =	sshrl.u32 s10, $0x3  }
.Ltmp6:
0x147: {  	s10 =	sadd.s32 s2, s10;
	(pc) =	sbr.rel .LBB2_4-.Ltmp6, $4  }
0x148: {  	s11 =	sadd.s32 $0x4B0, s10  }
0x149: {  	[tilespmem:s30], [sflag:$0x2] =	stream.linear.gather [hbm4b:s11+s3], $0xC80, $0x38;
	[tilespmem:$0x1E480] =	vst v63  }
0x14a: {  	s9 =	sadd.s32 $0x1, s9;
	s10 =	sadd.s32 $0xA0F0, s10  }
0x14b: {  	[tilespmem:s31], [sflag:$0x2] =	stream.linear.gather [hbm4b:s10+s3], $0xC80, $0x38;
	[tilespmem:$0x1E480] =	vst v63  }
.LBB2_11:
0x14c: {  	_ =	sfence.sel $0x180000  }
0x14d: {  	[bflag:$0x0] =	sbarrier.arrive $0xFFFF  }
0x14e: {  	_ =	strace $0x90000047  }
0x14f: {  	s0 =	stileid.u32;
	[bflag:$0x2] =	sbarrier.arrive $0xFFFF  }
0x150: {  	p0 =	sne.s32 s0, $0x0;
	s0 =	rddreg [dreg:$0x2]  }
0x151: {  	s0 =	sadd.s32 @!p0 $0x100000, s0  }
0x152: {  	[sflag:s0] =	ssyncadd.tile.s32 @!p0 $0x1;
	_ =	shalt  }
.Lfunc_end2:
_tile_overlayer_lowered:
.L_overlay_start_2:
0x153: {  	(tag) =	ssettag $0x2  }
0x154: {  	s0 =	rddreg [dreg:$0x0];
	s2 =	stileid.u32  }
0x155: {  	s1 =	rddreg [dreg:$0x1];
	p0 =	sne.s32 s2, $0x0  }
0x156: {  	s3 =	rddreg [dreg:$0x2];
	[bflag:$0x3] =	sbarrier.arrive $0xFFFF;
	s2 =	simm.s32 @!p0 $0x1C03  }
0x157: {  	[timem:s3], [sflag:s2] =	dma.local @!p0 [hbm:s0], s1  }
0x158: {  	s0 =	simm.s32 @!p0 $0x3  }
0x159: {  	_ =	swait.ge @!p0 [sflag:s0], s1  }
0x15a: {  	s1 =	ssub.s32 @!p0 $0x0, s1;
	[sflag:s0] =	ssyncset.done @!p0 $0x0  }
0x15b: {  	[sflag:s0] =	ssyncadd.s32 @!p0 s1  }
0x15c: {  	[bflag:$0x3] =	sbarrier.arrive $0xFFFF  }
0x15d: {  	_ =	shalt  }

</sc_bundles>
